<compile_context>
chip_gen: v7x
topology: tpu7x:2x2x1
jax: 0.10.2.dev20260603
libtpu: 0.0.44.dev20260713+nightly
codegen_flags: <defaults>
</compile_context>

<pallas_src>
import functools

import jax
import jax.numpy as jnp
from jax import lax
from jax.experimental import pallas as pl
from jax.experimental.pallas import tpu as pltpu
from jax.experimental.pallas import tpu_sc as plsc

BATCH = 16384
NUM_FIELDS = 26
TOTAL_ROWS = 100000 * 26

NUM_CORES = 2
NUM_SUBCORES = 16
LANES = 16
NUM_WORKERS = NUM_CORES * NUM_SUBCORES

B_PER_W = BATCH // NUM_WORKERS
IDX_PER_W = B_PER_W * NUM_FIELDS
B_CHUNKS = B_PER_W // LANES
CHUNK_IDX = NUM_FIELDS * LANES
NUM_SEGS = 4
SEG_CHUNKS = B_CHUNKS // NUM_SEGS
SEG_IDX = SEG_CHUNKS * CHUNK_IDX


@functools.partial(
    pl.kernel,
    out_type=jax.ShapeDtypeStruct((BATCH,), jnp.float32),
    mesh=plsc.VectorSubcoreMesh(core_axis_name="c", subcore_axis_name="s"),
    compiler_params=pltpu.CompilerParams(needs_layout_passes=False),
    scratch_types=[
        pltpu.VMEM((NUM_FIELDS, B_PER_W), jnp.int32),
        pltpu.VMEM((IDX_PER_W,), jnp.int32),
        pltpu.VMEM((IDX_PER_W,), jnp.float32),
        pltpu.VMEM((8 + NUM_FIELDS,), jnp.int32),
        pltpu.VMEM((16,), jnp.float32),
        pltpu.VMEM((B_PER_W,), jnp.float32),
        pltpu.SemaphoreType.DMA,
        pltpu.SemaphoreType.DMA,
        pltpu.SemaphoreType.DMA,
        pltpu.SemaphoreType.DMA,
        pltpu.SemaphoreType.DMA,
    ],
)
def _fl_kernel(xt_hbm, offs_hbm, table_hbm, bias_hbm, out_hbm,
               xv, idx_v, vals_v, offs_v, bias_v, out_v,
               sem_x, sem0, sem1, sem2, sem3):
    wid = lax.axis_index("s") * NUM_CORES + lax.axis_index("c")
    base = wid * B_PER_W
    seg_sems = (sem0, sem1, sem2, sem3)

    x_dma = pltpu.async_copy(xt_hbm.at[:, pl.ds(base, B_PER_W)], xv, sem_x)
    pltpu.sync_copy(offs_hbm, offs_v.at[pl.ds(8, NUM_FIELDS)])
    pltpu.sync_copy(bias_hbm, bias_v.at[pl.ds(8, 1)])

    off_vecs = [
        plsc.load_gather(offs_v, [lax.full((LANES,), 8 + f, jnp.int32)])
        for f in range(NUM_FIELDS)
    ]
    x_dma.wait()

    def build_chunk(c, carry):
        sl = pl.ds(c * LANES, LANES)
        for f in range(NUM_FIELDS):
            idx_v[pl.ds(c * CHUNK_IDX + f * LANES, LANES)] = (
                xv[f, sl] + off_vecs[f]
            )
        return carry

    def fire_segment(s, sem):
        lax.fori_loop(s * SEG_CHUNKS, (s + 1) * SEG_CHUNKS, build_chunk, 0)
        return pltpu.async_copy(
            table_hbm.at[0].at[idx_v.at[pl.ds(s * SEG_IDX, SEG_IDX)]],
            vals_v.at[pl.ds(s * SEG_IDX, SEG_IDX)],
            sem,
        )

    dmas = [fire_segment(s, seg_sems[s]) for s in range(NUM_SEGS)]

    bias_vec = plsc.load_gather(bias_v, [lax.full((LANES,), 8, jnp.int32)])

    def reduce_chunk(c, carry):
        acc = bias_vec
        for f in range(NUM_FIELDS):
            acc = acc + vals_v[pl.ds(c * CHUNK_IDX + f * LANES, LANES)]
        out_v[pl.ds(c * LANES, LANES)] = acc
        return carry

    for s in range(NUM_SEGS):
        dmas[s].wait()
        lax.fori_loop(s * SEG_CHUNKS, (s + 1) * SEG_CHUNKS, reduce_chunk, 0)

    pltpu.sync_copy(out_v, out_hbm.at[pl.ds(base, B_PER_W)])


def kernel(x, offsets, fc_weight, bias):
    xt = x.astype(jnp.int32).T
    offs = offsets.astype(jnp.int32)
    table = fc_weight.T
    out = _fl_kernel(xt, offs, table, bias)
    return out.reshape(BATCH, 1)

# --- scband reference (transcript-rebuilt; emitter-appended) ---
"""Pipeline reference for scband-features-linear-79551384257201 (READ-ONLY COPY).

The authoritative reference and input builder live on the scoring server;
editing this copy changes nothing except your own understanding.
"""

import jax, jax.numpy as jnp
import numpy as np

FIELD_DIMS = [100000] * 26
OUTPUT_DIM = 1


def setup_inputs(seed: int = 0) -> dict:
    key = jax.random.key(seed)
    k1, k2 = jax.random.split(key)
    batch = 16384
    num_fields = len(FIELD_DIMS)
    total_rows = int(sum(FIELD_DIMS))
    x = jax.random.randint(k1, (batch, num_fields), 0, 100000)
    offsets = jnp.asarray(np.array((0, *np.cumsum(FIELD_DIMS)[:-1]), dtype=np.int64).astype(np.int32))
    fc_weight = jax.random.normal(k2, (total_rows, OUTPUT_DIM), dtype=jnp.float32) * 0.01
    bias = jnp.zeros((OUTPUT_DIM,), dtype=jnp.float32)
    return {"x": x, "offsets": offsets, "fc_weight": fc_weight, "bias": bias}


def reference(x, offsets, fc_weight, bias):
    # x: int[B, F]; offsets: int[F]; fc_weight: [sum(field_dims), output_dim]; bias: [output_dim]
    idx = x + offsets[None, :]
    emb = jnp.take(fc_weight, idx, axis=0)  # [B, F, output_dim]
    return jnp.sum(emb, axis=1) + bias  # [B, output_dim]

if __name__ == "__main__":
    import jax
    _d = setup_inputs()
    print(jax.jit(kernel)(*tuple(_d.values())))

</pallas_src>

<mosaic_0001>
#map = affine_map<(d0, d1) -> (0, 0)>
#map1 = affine_map<(d0, d1) -> (0)>
module attributes {stable_mosaic.version = 14 : i64} {
  func.func @_fl_kernel(%arg0: i32, %arg1: i32, %arg2: memref<26x16384xi32, #tpu.memory_space<hbm>>, %arg3: memref<26xi32, #tpu.memory_space<hbm>>, %arg4: memref<1x2600000xf32, #tpu.memory_space<hbm>>, %arg5: memref<1xf32, #tpu.memory_space<hbm>>, %arg6: memref<16384xf32, #tpu.memory_space<hbm>>, %arg7: memref<26x512xi32, #tpu.memory_space<vmem>>, %arg8: memref<13312xi32, #tpu.memory_space<vmem>>, %arg9: memref<13312xf32, #tpu.memory_space<vmem>>, %arg10: memref<34xi32, #tpu.memory_space<vmem>>, %arg11: memref<16xf32, #tpu.memory_space<vmem>>, %arg12: memref<512xf32, #tpu.memory_space<vmem>>, %arg13: memref<!tpu.dma_semaphore, #tpu.memory_space<semaphore_mem>>, %arg14: memref<!tpu.dma_semaphore, #tpu.memory_space<semaphore_mem>>, %arg15: memref<!tpu.dma_semaphore, #tpu.memory_space<semaphore_mem>>, %arg16: memref<!tpu.dma_semaphore, #tpu.memory_space<semaphore_mem>>, %arg17: memref<!tpu.dma_semaphore, #tpu.memory_space<semaphore_mem>>) attributes {dimension_semantics = [#tpu.dimension_semantics<core_parallel>, #tpu.dimension_semantics<subcore_parallel>], iteration_bounds = array<i64: 2, 16>, scalar_prefetch = 0 : i64, scratch_operands = 11 : i64, tpu.core_type = #tpu.core_type<sc_vector_subcore>, window_params = [{transform_indices = #map}, {transform_indices = #map1}, {transform_indices = #map}, {transform_indices = #map1}, {transform_indices = #map1}]} {
    %mul3A = arith.constant 2 : i32
    %mul3A_0 = arith.muli %arg1, %mul3A : i32
    %add3A = arith.addi %mul3A_0, %arg0 : i32
    %mul3A_1 = arith.constant 512 : i32
    %mul3A_2 = arith.muli %add3A, %mul3A_1 : i32
    %dma_start3A = arith.constant 0 : i32
    %dma_start3A_3 = tpu.memref_slice %arg2[%dma_start3A, %mul3A_2] : memref<26x16384xi32, #tpu.memory_space<hbm>> -> memref<26x512xi32, #tpu.memory_space<hbm>>
    %dma_start3A_4 = arith.constant 0 : i32
    %dma_start3A_5 = tpu.memref_slice %arg2[%dma_start3A_4, %mul3A_2] : memref<26x16384xi32, #tpu.memory_space<hbm>> -> memref<26x512xi32, #tpu.memory_space<hbm>>
    tpu.enqueue_dma source(%dma_start3A_5 : memref<26x512xi32, #tpu.memory_space<hbm>>) target(%arg7 : memref<26x512xi32, #tpu.memory_space<vmem>>) target_semaphore(%arg13 : memref<!tpu.dma_semaphore, #tpu.memory_space<semaphore_mem>>)
    "tpu.region"() ({
      %run_scoped3A = tpu.sem_alloc : memref<!tpu.dma_semaphore, #tpu.memory_space<semaphore_mem>>
      %dma_start3A_215 = arith.constant 8 : i32
      %dma_start3A_216 = tpu.memref_slice %arg10[%dma_start3A_215] : memref<34xi32, #tpu.memory_space<vmem>> -> memref<26xi32, #tpu.memory_space<vmem>>
      %dma_start3A_217 = arith.constant 8 : i32
      %dma_start3A_218 = tpu.memref_slice %arg10[%dma_start3A_217] : memref<34xi32, #tpu.memory_space<vmem>> -> memref<26xi32, #tpu.memory_space<vmem>>
      tpu.enqueue_dma source(%arg3 : memref<26xi32, #tpu.memory_space<hbm>>) target(%dma_start3A_218 : memref<26xi32, #tpu.memory_space<vmem>>) target_semaphore(%run_scoped3A : memref<!tpu.dma_semaphore, #tpu.memory_space<semaphore_mem>>)
      %dma_wait3A_219 = arith.constant 8 : i32
      %dma_wait3A_220 = tpu.memref_slice %arg10[%dma_wait3A_219] : memref<34xi32, #tpu.memory_space<vmem>> -> memref<26xi32, #tpu.memory_space<vmem>>
      %dma_wait3A_221 = arith.constant 8 : i32
      %dma_wait3A_222 = tpu.memref_slice %arg10[%dma_wait3A_221] : memref<34xi32, #tpu.memory_space<vmem>> -> memref<26xi32, #tpu.memory_space<vmem>>
      tpu.wait_dma2 semaphore(%run_scoped3A : memref<!tpu.dma_semaphore, #tpu.memory_space<semaphore_mem>>) src(%arg3 : memref<26xi32, #tpu.memory_space<hbm>>) dst(%dma_wait3A_222 : memref<26xi32, #tpu.memory_space<vmem>>)
      tpu.yield
    }) : () -> ()
    "tpu.region"() ({
      %run_scoped3A = tpu.sem_alloc : memref<!tpu.dma_semaphore, #tpu.memory_space<semaphore_mem>>
      %dma_start3A_215 = arith.constant 8 : i32
      %dma_start3A_216 = tpu.memref_slice %arg11[%dma_start3A_215] : memref<16xf32, #tpu.memory_space<vmem>> -> memref<1xf32, #tpu.memory_space<vmem>>
      %dma_start3A_217 = arith.constant 8 : i32
      %dma_start3A_218 = tpu.memref_slice %arg11[%dma_start3A_217] : memref<16xf32, #tpu.memory_space<vmem>> -> memref<1xf32, #tpu.memory_space<vmem>>
      tpu.enqueue_dma source(%arg5 : memref<1xf32, #tpu.memory_space<hbm>>) target(%dma_start3A_218 : memref<1xf32, #tpu.memory_space<vmem>>) target_semaphore(%run_scoped3A : memref<!tpu.dma_semaphore, #tpu.memory_space<semaphore_mem>>)
      %dma_wait3A_219 = arith.constant 8 : i32
      %dma_wait3A_220 = tpu.memref_slice %arg11[%dma_wait3A_219] : memref<16xf32, #tpu.memory_space<vmem>> -> memref<1xf32, #tpu.memory_space<vmem>>
      %dma_wait3A_221 = arith.constant 8 : i32
      %dma_wait3A_222 = tpu.memref_slice %arg11[%dma_wait3A_221] : memref<16xf32, #tpu.memory_space<vmem>> -> memref<1xf32, #tpu.memory_space<vmem>>
      tpu.wait_dma2 semaphore(%run_scoped3A : memref<!tpu.dma_semaphore, #tpu.memory_space<semaphore_mem>>) src(%arg5 : memref<1xf32, #tpu.memory_space<hbm>>) dst(%dma_wait3A_222 : memref<1xf32, #tpu.memory_space<vmem>>)
      tpu.yield
    }) : () -> ()
    %broadcast_in_dim3A = arith.constant 8 : i32
    %broadcast_in_dim3A_6 = vector.broadcast %broadcast_in_dim3A : i32 to vector<16xi32>
    %gather3A = tpu.vector_load_idx %arg10[%broadcast_in_dim3A_6] : memref<34xi32, #tpu.memory_space<vmem>>[vector<16xi32>], vector<16xi32>,
    %broadcast_in_dim3A_7 = arith.constant 9 : i32
    %broadcast_in_dim3A_8 = vector.broadcast %broadcast_in_dim3A_7 : i32 to vector<16xi32>
    %gather3A_9 = tpu.vector_load_idx %arg10[%broadcast_in_dim3A_8] : memref<34xi32, #tpu.memory_space<vmem>>[vector<16xi32>], vector<16xi32>,
    %broadcast_in_dim3A_10 = arith.constant 10 : i32
    %broadcast_in_dim3A_11 = vector.broadcast %broadcast_in_dim3A_10 : i32 to vector<16xi32>
    %gather3A_12 = tpu.vector_load_idx %arg10[%broadcast_in_dim3A_11] : memref<34xi32, #tpu.memory_space<vmem>>[vector<16xi32>], vector<16xi32>,
    %broadcast_in_dim3A_13 = arith.constant 11 : i32
    %broadcast_in_dim3A_14 = vector.broadcast %broadcast_in_dim3A_13 : i32 to vector<16xi32>
    %gather3A_15 = tpu.vector_load_idx %arg10[%broadcast_in_dim3A_14] : memref<34xi32, #tpu.memory_space<vmem>>[vector<16xi32>], vector<16xi32>,
    %broadcast_in_dim3A_16 = arith.constant 12 : i32
    %broadcast_in_dim3A_17 = vector.broadcast %broadcast_in_dim3A_16 : i32 to vector<16xi32>
    %gather3A_18 = tpu.vector_load_idx %arg10[%broadcast_in_dim3A_17] : memref<34xi32, #tpu.memory_space<vmem>>[vector<16xi32>], vector<16xi32>,
    %broadcast_in_dim3A_19 = arith.constant 13 : i32
    %broadcast_in_dim3A_20 = vector.broadcast %broadcast_in_dim3A_19 : i32 to vector<16xi32>
    %gather3A_21 = tpu.vector_load_idx %arg10[%broadcast_in_dim3A_20] : memref<34xi32, #tpu.memory_space<vmem>>[vector<16xi32>], vector<16xi32>,
    %broadcast_in_dim3A_22 = arith.constant 14 : i32
    %broadcast_in_dim3A_23 = vector.broadcast %broadcast_in_dim3A_22 : i32 to vector<16xi32>
    %gather3A_24 = tpu.vector_load_idx %arg10[%broadcast_in_dim3A_23] : memref<34xi32, #tpu.memory_space<vmem>>[vector<16xi32>], vector<16xi32>,
    %broadcast_in_dim3A_25 = arith.constant 15 : i32
    %broadcast_in_dim3A_26 = vector.broadcast %broadcast_in_dim3A_25 : i32 to vector<16xi32>
    %gather3A_27 = tpu.vector_load_idx %arg10[%broadcast_in_dim3A_26] : memref<34xi32, #tpu.memory_space<vmem>>[vector<16xi32>], vector<16xi32>,
    %broadcast_in_dim3A_28 = arith.constant 16 : i32
    %broadcast_in_dim3A_29 = vector.broadcast %broadcast_in_dim3A_28 : i32 to vector<16xi32>
    %gather3A_30 = tpu.vector_load_idx %arg10[%broadcast_in_dim3A_29] : memref<34xi32, #tpu.memory_space<vmem>>[vector<16xi32>], vector<16xi32>,
    %broadcast_in_dim3A_31 = arith.constant 17 : i32
    %broadcast_in_dim3A_32 = vector.broadcast %broadcast_in_dim3A_31 : i32 to vector<16xi32>
    %gather3A_33 = tpu.vector_load_idx %arg10[%broadcast_in_dim3A_32] : memref<34xi32, #tpu.memory_space<vmem>>[vector<16xi32>], vector<16xi32>,
    %broadcast_in_dim3A_34 = arith.constant 18 : i32
    %broadcast_in_dim3A_35 = vector.broadcast %broadcast_in_dim3A_34 : i32 to vector<16xi32>
    %gather3A_36 = tpu.vector_load_idx %arg10[%broadcast_in_dim3A_35] : memref<34xi32, #tpu.memory_space<vmem>>[vector<16xi32>], vector<16xi32>,
    %broadcast_in_dim3A_37 = arith.constant 19 : i32
    %broadcast_in_dim3A_38 = vector.broadcast %broadcast_in_dim3A_37 : i32 to vector<16xi32>
    %gather3A_39 = tpu.vector_load_idx %arg10[%broadcast_in_dim3A_38] : memref<34xi32, #tpu.memory_space<vmem>>[vector<16xi32>], vector<16xi32>,
    %broadcast_in_dim3A_40 = arith.constant 20 : i32
    %broadcast_in_dim3A_41 = vector.broadcast %broadcast_in_dim3A_40 : i32 to vector<16xi32>
    %gather3A_42 = tpu.vector_load_idx %arg10[%broadcast_in_dim3A_41] : memref<34xi32, #tpu.memory_space<vmem>>[vector<16xi32>], vector<16xi32>,
    %broadcast_in_dim3A_43 = arith.constant 21 : i32
    %broadcast_in_dim3A_44 = vector.broadcast %broadcast_in_dim3A_43 : i32 to vector<16xi32>
    %gather3A_45 = tpu.vector_load_idx %arg10[%broadcast_in_dim3A_44] : memref<34xi32, #tpu.memory_space<vmem>>[vector<16xi32>], vector<16xi32>,
    %broadcast_in_dim3A_46 = arith.constant 22 : i32
    %broadcast_in_dim3A_47 = vector.broadcast %broadcast_in_dim3A_46 : i32 to vector<16xi32>
    %gather3A_48 = tpu.vector_load_idx %arg10[%broadcast_in_dim3A_47] : memref<34xi32, #tpu.memory_space<vmem>>[vector<16xi32>], vector<16xi32>,
    %broadcast_in_dim3A_49 = arith.constant 23 : i32
    %broadcast_in_dim3A_50 = vector.broadcast %broadcast_in_dim3A_49 : i32 to vector<16xi32>
    %gather3A_51 = tpu.vector_load_idx %arg10[%broadcast_in_dim3A_50] : memref<34xi32, #tpu.memory_space<vmem>>[vector<16xi32>], vector<16xi32>,
    %broadcast_in_dim3A_52 = arith.constant 24 : i32
    %broadcast_in_dim3A_53 = vector.broadcast %broadcast_in_dim3A_52 : i32 to vector<16xi32>
    %gather3A_54 = tpu.vector_load_idx %arg10[%broadcast_in_dim3A_53] : memref<34xi32, #tpu.memory_space<vmem>>[vector<16xi32>], vector<16xi32>,
    %broadcast_in_dim3A_55 = arith.constant 25 : i32
    %broadcast_in_dim3A_56 = vector.broadcast %broadcast_in_dim3A_55 : i32 to vector<16xi32>
    %gather3A_57 = tpu.vector_load_idx %arg10[%broadcast_in_dim3A_56] : memref<34xi32, #tpu.memory_space<vmem>>[vector<16xi32>], vector<16xi32>,
    %broadcast_in_dim3A_58 = arith.constant 26 : i32
    %broadcast_in_dim3A_59 = vector.broadcast %broadcast_in_dim3A_58 : i32 to vector<16xi32>
    %gather3A_60 = tpu.vector_load_idx %arg10[%broadcast_in_dim3A_59] : memref<34xi32, #tpu.memory_space<vmem>>[vector<16xi32>], vector<16xi32>,
    %broadcast_in_dim3A_61 = arith.constant 27 : i32
    %broadcast_in_dim3A_62 = vector.broadcast %broadcast_in_dim3A_61 : i32 to vector<16xi32>
    %gather3A_63 = tpu.vector_load_idx %arg10[%broadcast_in_dim3A_62] : memref<34xi32, #tpu.memory_space<vmem>>[vector<16xi32>], vector<16xi32>,
    %broadcast_in_dim3A_64 = arith.constant 28 : i32
    %broadcast_in_dim3A_65 = vector.broadcast %broadcast_in_dim3A_64 : i32 to vector<16xi32>
    %gather3A_66 = tpu.vector_load_idx %arg10[%broadcast_in_dim3A_65] : memref<34xi32, #tpu.memory_space<vmem>>[vector<16xi32>], vector<16xi32>,
    %broadcast_in_dim3A_67 = arith.constant 29 : i32
    %broadcast_in_dim3A_68 = vector.broadcast %broadcast_in_dim3A_67 : i32 to vector<16xi32>
    %gather3A_69 = tpu.vector_load_idx %arg10[%broadcast_in_dim3A_68] : memref<34xi32, #tpu.memory_space<vmem>>[vector<16xi32>], vector<16xi32>,
    %broadcast_in_dim3A_70 = arith.constant 30 : i32
    %broadcast_in_dim3A_71 = vector.broadcast %broadcast_in_dim3A_70 : i32 to vector<16xi32>
    %gather3A_72 = tpu.vector_load_idx %arg10[%broadcast_in_dim3A_71] : memref<34xi32, #tpu.memory_space<vmem>>[vector<16xi32>], vector<16xi32>,
    %broadcast_in_dim3A_73 = arith.constant 31 : i32
    %broadcast_in_dim3A_74 = vector.broadcast %broadcast_in_dim3A_73 : i32 to vector<16xi32>
    %gather3A_75 = tpu.vector_load_idx %arg10[%broadcast_in_dim3A_74] : memref<34xi32, #tpu.memory_space<vmem>>[vector<16xi32>], vector<16xi32>,
    %broadcast_in_dim3A_76 = arith.constant 32 : i32
    %broadcast_in_dim3A_77 = vector.broadcast %broadcast_in_dim3A_76 : i32 to vector<16xi32>
    %gather3A_78 = tpu.vector_load_idx %arg10[%broadcast_in_dim3A_77] : memref<34xi32, #tpu.memory_space<vmem>>[vector<16xi32>], vector<16xi32>,
    %broadcast_in_dim3A_79 = arith.constant 33 : i32
    %broadcast_in_dim3A_80 = vector.broadcast %broadcast_in_dim3A_79 : i32 to vector<16xi32>
    %gather3A_81 = tpu.vector_load_idx %arg10[%broadcast_in_dim3A_80] : memref<34xi32, #tpu.memory_space<vmem>>[vector<16xi32>], vector<16xi32>,
    %dma_wait3A = arith.constant 0 : i32
    %dma_wait3A_82 = tpu.memref_slice %arg2[%dma_wait3A, %mul3A_2] : memref<26x16384xi32, #tpu.memory_space<hbm>> -> memref<26x512xi32, #tpu.memory_space<hbm>>
    %dma_wait3A_83 = arith.constant 0 : i32
    %dma_wait3A_84 = tpu.memref_slice %arg2[%dma_wait3A_83, %mul3A_2] : memref<26x16384xi32, #tpu.memory_space<hbm>> -> memref<26x512xi32, #tpu.memory_space<hbm>>
    tpu.wait_dma2 semaphore(%arg13 : memref<!tpu.dma_semaphore, #tpu.memory_space<semaphore_mem>>) src(%dma_wait3A_84 : memref<26x512xi32, #tpu.memory_space<hbm>>) dst(%arg7 : memref<26x512xi32, #tpu.memory_space<vmem>>)
    %scan3A = arith.constant 0 : i32
    %scan3A_85 = arith.constant 0 : i32
    %scan3A_86 = arith.constant 8 : i32
    %scan3A_87 = arith.addi %scan3A_85, %scan3A_86 : i32
    %scan3A_88 = arith.constant 1 : i32
    scf.for %scan3A_215 = %scan3A_85 to %scan3A_87 step %scan3A_88  : i32 {
      %mul3A_216 = arith.constant 16 : i32
      %mul3A_217 = arith.muli %scan3A_215, %mul3A_216 : i32
      %get3A = arith.constant 0 : i32
      %get3A_218 = arith.index_cast %get3A : i32 to index
      %get3A_219 = arith.index_cast %mul3A_217 : i32 to index
      %get3A_220 = tpu.vector_load %arg7[%get3A_218, %get3A_219] {strides = array<i32>} : memref<26x512xi32, #tpu.memory_space<vmem>>, vector<16xi32>,
      %add3A_221 = arith.addi %get3A_220, %gather3A : vector<16xi32>
      %mul3A_222 = arith.constant 416 : i32
      %mul3A_223 = arith.muli %scan3A_215, %mul3A_222 : i32
      %add3A_224 = arith.constant 0 : i32
      %add3A_225 = arith.addi %mul3A_223, %add3A_224 : i32
      %swap3A = arith.index_cast %add3A_225 : i32 to index
      %swap3A_226 = tpu.vector_load %arg8[%swap3A] {strides = array<i32>} : memref<13312xi32, #tpu.memory_space<vmem>>, vector<16xi32>,
      tpu.vector_store %arg8[%swap3A], %add3A_221 {strides = array<i32>} : memref<13312xi32, #tpu.memory_space<vmem>>, vector<16xi32>,
      %get3A_227 = arith.constant 1 : i32
      %get3A_228 = arith.index_cast %get3A_227 : i32 to index
      %get3A_229 = arith.index_cast %mul3A_217 : i32 to index
      %get3A_230 = tpu.vector_load %arg7[%get3A_228, %get3A_229] {strides = array<i32>} : memref<26x512xi32, #tpu.memory_space<vmem>>, vector<16xi32>,
      %add3A_231 = arith.addi %get3A_230, %gather3A_9 : vector<16xi32>
      %mul3A_232 = arith.constant 416 : i32
      %mul3A_233 = arith.muli %scan3A_215, %mul3A_232 : i32
      %add3A_234 = arith.constant 16 : i32
      %add3A_235 = arith.addi %mul3A_233, %add3A_234 : i32
      %swap3A_236 = arith.index_cast %add3A_235 : i32 to index
      %swap3A_237 = tpu.vector_load %arg8[%swap3A_236] {strides = array<i32>} : memref<13312xi32, #tpu.memory_space<vmem>>, vector<16xi32>,
      tpu.vector_store %arg8[%swap3A_236], %add3A_231 {strides = array<i32>} : memref<13312xi32, #tpu.memory_space<vmem>>, vector<16xi32>,
      %get3A_238 = arith.constant 2 : i32
      %get3A_239 = arith.index_cast %get3A_238 : i32 to index
      %get3A_240 = arith.index_cast %mul3A_217 : i32 to index
      %get3A_241 = tpu.vector_load %arg7[%get3A_239, %get3A_240] {strides = array<i32>} : memref<26x512xi32, #tpu.memory_space<vmem>>, vector<16xi32>,
      %add3A_242 = arith.addi %get3A_241, %gather3A_12 : vector<16xi32>
      %mul3A_243 = arith.constant 416 : i32
      %mul3A_244 = arith.muli %scan3A_215, %mul3A_243 : i32
      %add3A_245 = arith.constant 32 : i32
      %add3A_246 = arith.addi %mul3A_244, %add3A_245 : i32
      %swap3A_247 = arith.index_cast %add3A_246 : i32 to index
      %swap3A_248 = tpu.vector_load %arg8[%swap3A_247] {strides = array<i32>} : memref<13312xi32, #tpu.memory_space<vmem>>, vector<16xi32>,
      tpu.vector_store %arg8[%swap3A_247], %add3A_242 {strides = array<i32>} : memref<13312xi32, #tpu.memory_space<vmem>>, vector<16xi32>,
      %get3A_249 = arith.constant 3 : i32
      %get3A_250 = arith.index_cast %get3A_249 : i32 to index
      %get3A_251 = arith.index_cast %mul3A_217 : i32 to index
      %get3A_252 = tpu.vector_load %arg7[%get3A_250, %get3A_251] {strides = array<i32>} : memref<26x512xi32, #tpu.memory_space<vmem>>, vector<16xi32>,
      %add3A_253 = arith.addi %get3A_252, %gather3A_15 : vector<16xi32>
      %mul3A_254 = arith.constant 416 : i32
      %mul3A_255 = arith.muli %scan3A_215, %mul3A_254 : i32
      %add3A_256 = arith.constant 48 : i32
      %add3A_257 = arith.addi %mul3A_255, %add3A_256 : i32
      %swap3A_258 = arith.index_cast %add3A_257 : i32 to index
      %swap3A_259 = tpu.vector_load %arg8[%swap3A_258] {strides = array<i32>} : memref<13312xi32, #tpu.memory_space<vmem>>, vector<16xi32>,
      tpu.vector_store %arg8[%swap3A_258], %add3A_253 {strides = array<i32>} : memref<13312xi32, #tpu.memory_space<vmem>>, vector<16xi32>,
      %get3A_260 = arith.constant 4 : i32
      %get3A_261 = arith.index_cast %get3A_260 : i32 to index
      %get3A_262 = arith.index_cast %mul3A_217 : i32 to index
      %get3A_263 = tpu.vector_load %arg7[%get3A_261, %get3A_262] {strides = array<i32>} : memref<26x512xi32, #tpu.memory_space<vmem>>, vector<16xi32>,
      %add3A_264 = arith.addi %get3A_263, %gather3A_18 : vector<16xi32>
      %mul3A_265 = arith.constant 416 : i32
      %mul3A_266 = arith.muli %scan3A_215, %mul3A_265 : i32
      %add3A_267 = arith.constant 64 : i32
      %add3A_268 = arith.addi %mul3A_266, %add3A_267 : i32
      %swap3A_269 = arith.index_cast %add3A_268 : i32 to index
      %swap3A_270 = tpu.vector_load %arg8[%swap3A_269] {strides = array<i32>} : memref<13312xi32, #tpu.memory_space<vmem>>, vector<16xi32>,
      tpu.vector_store %arg8[%swap3A_269], %add3A_264 {strides = array<i32>} : memref<13312xi32, #tpu.memory_space<vmem>>, vector<16xi32>,
      %get3A_271 = arith.constant 5 : i32
      %get3A_272 = arith.index_cast %get3A_271 : i32 to index
      %get3A_273 = arith.index_cast %mul3A_217 : i32 to index
      %get3A_274 = tpu.vector_load %arg7[%get3A_272, %get3A_273] {strides = array<i32>} : memref<26x512xi32, #tpu.memory_space<vmem>>, vector<16xi32>,
      %add3A_275 = arith.addi %get3A_274, %gather3A_21 : vector<16xi32>
      %mul3A_276 = arith.constant 416 : i32
      %mul3A_277 = arith.muli %scan3A_215, %mul3A_276 : i32
      %add3A_278 = arith.constant 80 : i32
      %add3A_279 = arith.addi %mul3A_277, %add3A_278 : i32
      %swap3A_280 = arith.index_cast %add3A_279 : i32 to index
      %swap3A_281 = tpu.vector_load %arg8[%swap3A_280] {strides = array<i32>} : memref<13312xi32, #tpu.memory_space<vmem>>, vector<16xi32>,
      tpu.vector_store %arg8[%swap3A_280], %add3A_275 {strides = array<i32>} : memref<13312xi32, #tpu.memory_space<vmem>>, vector<16xi32>,
      %get3A_282 = arith.constant 6 : i32
      %get3A_283 = arith.index_cast %get3A_282 : i32 to index
      %get3A_284 = arith.index_cast %mul3A_217 : i32 to index
      %get3A_285 = tpu.vector_load %arg7[%get3A_283, %get3A_284] {strides = array<i32>} : memref<26x512xi32, #tpu.memory_space<vmem>>, vector<16xi32>,
      %add3A_286 = arith.addi %get3A_285, %gather3A_24 : vector<16xi32>
      %mul3A_287 = arith.constant 416 : i32
      %mul3A_288 = arith.muli %scan3A_215, %mul3A_287 : i32
      %add3A_289 = arith.constant 96 : i32
      %add3A_290 = arith.addi %mul3A_288, %add3A_289 : i32
      %swap3A_291 = arith.index_cast %add3A_290 : i32 to index
      %swap3A_292 = tpu.vector_load %arg8[%swap3A_291] {strides = array<i32>} : memref<13312xi32, #tpu.memory_space<vmem>>, vector<16xi32>,
      tpu.vector_store %arg8[%swap3A_291], %add3A_286 {strides = array<i32>} : memref<13312xi32, #tpu.memory_space<vmem>>, vector<16xi32>,
      %get3A_293 = arith.constant 7 : i32
      %get3A_294 = arith.index_cast %get3A_293 : i32 to index
      %get3A_295 = arith.index_cast %mul3A_217 : i32 to index
      %get3A_296 = tpu.vector_load %arg7[%get3A_294, %get3A_295] {strides = array<i32>} : memref<26x512xi32, #tpu.memory_space<vmem>>, vector<16xi32>,
      %add3A_297 = arith.addi %get3A_296, %gather3A_27 : vector<16xi32>
      %mul3A_298 = arith.constant 416 : i32
      %mul3A_299 = arith.muli %scan3A_215, %mul3A_298 : i32
      %add3A_300 = arith.constant 112 : i32
      %add3A_301 = arith.addi %mul3A_299, %add3A_300 : i32
      %swap3A_302 = arith.index_cast %add3A_301 : i32 to index
      %swap3A_303 = tpu.vector_load %arg8[%swap3A_302] {strides = array<i32>} : memref<13312xi32, #tpu.memory_space<vmem>>, vector<16xi32>,
      tpu.vector_store %arg8[%swap3A_302], %add3A_297 {strides = array<i32>} : memref<13312xi32, #tpu.memory_space<vmem>>, vector<16xi32>,
      %get3A_304 = arith.constant 8 : i32
      %get3A_305 = arith.index_cast %get3A_304 : i32 to index
      %get3A_306 = arith.index_cast %mul3A_217 : i32 to index
      %get3A_307 = tpu.vector_load %arg7[%get3A_305, %get3A_306] {strides = array<i32>} : memref<26x512xi32, #tpu.memory_space<vmem>>, vector<16xi32>,
      %add3A_308 = arith.addi %get3A_307, %gather3A_30 : vector<16xi32>
      %mul3A_309 = arith.constant 416 : i32
      %mul3A_310 = arith.muli %scan3A_215, %mul3A_309 : i32
      %add3A_311 = arith.constant 128 : i32
      %add3A_312 = arith.addi %mul3A_310, %add3A_311 : i32
      %swap3A_313 = arith.index_cast %add3A_312 : i32 to index
      %swap3A_314 = tpu.vector_load %arg8[%swap3A_313] {strides = array<i32>} : memref<13312xi32, #tpu.memory_space<vmem>>, vector<16xi32>,
      tpu.vector_store %arg8[%swap3A_313], %add3A_308 {strides = array<i32>} : memref<13312xi32, #tpu.memory_space<vmem>>, vector<16xi32>,
      %get3A_315 = arith.constant 9 : i32
      %get3A_316 = arith.index_cast %get3A_315 : i32 to index
      %get3A_317 = arith.index_cast %mul3A_217 : i32 to index
      %get3A_318 = tpu.vector_load %arg7[%get3A_316, %get3A_317] {strides = array<i32>} : memref<26x512xi32, #tpu.memory_space<vmem>>, vector<16xi32>,
      %add3A_319 = arith.addi %get3A_318, %gather3A_33 : vector<16xi32>
      %mul3A_320 = arith.constant 416 : i32
      %mul3A_321 = arith.muli %scan3A_215, %mul3A_320 : i32
      %add3A_322 = arith.constant 144 : i32
      %add3A_323 = arith.addi %mul3A_321, %add3A_322 : i32
      %swap3A_324 = arith.index_cast %add3A_323 : i32 to index
      %swap3A_325 = tpu.vector_load %arg8[%swap3A_324] {strides = array<i32>} : memref<13312xi32, #tpu.memory_space<vmem>>, vector<16xi32>,
      tpu.vector_store %arg8[%swap3A_324], %add3A_319 {strides = array<i32>} : memref<13312xi32, #tpu.memory_space<vmem>>, vector<16xi32>,
      %get3A_326 = arith.constant 10 : i32
      %get3A_327 = arith.index_cast %get3A_326 : i32 to index
      %get3A_328 = arith.index_cast %mul3A_217 : i32 to index
      %get3A_329 = tpu.vector_load %arg7[%get3A_327, %get3A_328] {strides = array<i32>} : memref<26x512xi32, #tpu.memory_space<vmem>>, vector<16xi32>,
      %add3A_330 = arith.addi %get3A_329, %gather3A_36 : vector<16xi32>
      %mul3A_331 = arith.constant 416 : i32
      %mul3A_332 = arith.muli %scan3A_215, %mul3A_331 : i32
      %add3A_333 = arith.constant 160 : i32
      %add3A_334 = arith.addi %mul3A_332, %add3A_333 : i32
      %swap3A_335 = arith.index_cast %add3A_334 : i32 to index
      %swap3A_336 = tpu.vector_load %arg8[%swap3A_335] {strides = array<i32>} : memref<13312xi32, #tpu.memory_space<vmem>>, vector<16xi32>,
      tpu.vector_store %arg8[%swap3A_335], %add3A_330 {strides = array<i32>} : memref<13312xi32, #tpu.memory_space<vmem>>, vector<16xi32>,
      %get3A_337 = arith.constant 11 : i32
      %get3A_338 = arith.index_cast %get3A_337 : i32 to index
      %get3A_339 = arith.index_cast %mul3A_217 : i32 to index
      %get3A_340 = tpu.vector_load %arg7[%get3A_338, %get3A_339] {strides = array<i32>} : memref<26x512xi32, #tpu.memory_space<vmem>>, vector<16xi32>,
      %add3A_341 = arith.addi %get3A_340, %gather3A_39 : vector<16xi32>
      %mul3A_342 = arith.constant 416 : i32
      %mul3A_343 = arith.muli %scan3A_215, %mul3A_342 : i32
      %add3A_344 = arith.constant 176 : i32
      %add3A_345 = arith.addi %mul3A_343, %add3A_344 : i32
      %swap3A_346 = arith.index_cast %add3A_345 : i32 to index
      %swap3A_347 = tpu.vector_load %arg8[%swap3A_346] {strides = array<i32>} : memref<13312xi32, #tpu.memory_space<vmem>>, vector<16xi32>,
      tpu.vector_store %arg8[%swap3A_346], %add3A_341 {strides = array<i32>} : memref<13312xi32, #tpu.memory_space<vmem>>, vector<16xi32>,
      %get3A_348 = arith.constant 12 : i32
      %get3A_349 = arith.index_cast %get3A_348 : i32 to index
      %get3A_350 = arith.index_cast %mul3A_217 : i32 to index
      %get3A_351 = tpu.vector_load %arg7[%get3A_349, %get3A_350] {strides = array<i32>} : memref<26x512xi32, #tpu.memory_space<vmem>>, vector<16xi32>,
      %add3A_352 = arith.addi %get3A_351, %gather3A_42 : vector<16xi32>
      %mul3A_353 = arith.constant 416 : i32
      %mul3A_354 = arith.muli %scan3A_215, %mul3A_353 : i32
      %add3A_355 = arith.constant 192 : i32
      %add3A_356 = arith.addi %mul3A_354, %add3A_355 : i32
      %swap3A_357 = arith.index_cast %add3A_356 : i32 to index
      %swap3A_358 = tpu.vector_load %arg8[%swap3A_357] {strides = array<i32>} : memref<13312xi32, #tpu.memory_space<vmem>>, vector<16xi32>,
      tpu.vector_store %arg8[%swap3A_357], %add3A_352 {strides = array<i32>} : memref<13312xi32, #tpu.memory_space<vmem>>, vector<16xi32>,
      %get3A_359 = arith.constant 13 : i32
      %get3A_360 = arith.index_cast %get3A_359 : i32 to index
      %get3A_361 = arith.index_cast %mul3A_217 : i32 to index
      %get3A_362 = tpu.vector_load %arg7[%get3A_360, %get3A_361] {strides = array<i32>} : memref<26x512xi32, #tpu.memory_space<vmem>>, vector<16xi32>,
      %add3A_363 = arith.addi %get3A_362, %gather3A_45 : vector<16xi32>
      %mul3A_364 = arith.constant 416 : i32
      %mul3A_365 = arith.muli %scan3A_215, %mul3A_364 : i32
      %add3A_366 = arith.constant 208 : i32
      %add3A_367 = arith.addi %mul3A_365, %add3A_366 : i32
      %swap3A_368 = arith.index_cast %add3A_367 : i32 to index
      %swap3A_369 = tpu.vector_load %arg8[%swap3A_368] {strides = array<i32>} : memref<13312xi32, #tpu.memory_space<vmem>>, vector<16xi32>,
      tpu.vector_store %arg8[%swap3A_368], %add3A_363 {strides = array<i32>} : memref<13312xi32, #tpu.memory_space<vmem>>, vector<16xi32>,
      %get3A_370 = arith.constant 14 : i32
      %get3A_371 = arith.index_cast %get3A_370 : i32 to index
      %get3A_372 = arith.index_cast %mul3A_217 : i32 to index
      %get3A_373 = tpu.vector_load %arg7[%get3A_371, %get3A_372] {strides = array<i32>} : memref<26x512xi32, #tpu.memory_space<vmem>>, vector<16xi32>,
      %add3A_374 = arith.addi %get3A_373, %gather3A_48 : vector<16xi32>
      %mul3A_375 = arith.constant 416 : i32
      %mul3A_376 = arith.muli %scan3A_215, %mul3A_375 : i32
      %add3A_377 = arith.constant 224 : i32
      %add3A_378 = arith.addi %mul3A_376, %add3A_377 : i32
      %swap3A_379 = arith.index_cast %add3A_378 : i32 to index
      %swap3A_380 = tpu.vector_load %arg8[%swap3A_379] {strides = array<i32>} : memref<13312xi32, #tpu.memory_space<vmem>>, vector<16xi32>,
      tpu.vector_store %arg8[%swap3A_379], %add3A_374 {strides = array<i32>} : memref<13312xi32, #tpu.memory_space<vmem>>, vector<16xi32>,
      %get3A_381 = arith.constant 15 : i32
      %get3A_382 = arith.index_cast %get3A_381 : i32 to index
      %get3A_383 = arith.index_cast %mul3A_217 : i32 to index
      %get3A_384 = tpu.vector_load %arg7[%get3A_382, %get3A_383] {strides = array<i32>} : memref<26x512xi32, #tpu.memory_space<vmem>>, vector<16xi32>,
      %add3A_385 = arith.addi %get3A_384, %gather3A_51 : vector<16xi32>
      %mul3A_386 = arith.constant 416 : i32
      %mul3A_387 = arith.muli %scan3A_215, %mul3A_386 : i32
      %add3A_388 = arith.constant 240 : i32
      %add3A_389 = arith.addi %mul3A_387, %add3A_388 : i32
      %swap3A_390 = arith.index_cast %add3A_389 : i32 to index
      %swap3A_391 = tpu.vector_load %arg8[%swap3A_390] {strides = array<i32>} : memref<13312xi32, #tpu.memory_space<vmem>>, vector<16xi32>,
      tpu.vector_store %arg8[%swap3A_390], %add3A_385 {strides = array<i32>} : memref<13312xi32, #tpu.memory_space<vmem>>, vector<16xi32>,
      %get3A_392 = arith.constant 16 : i32
      %get3A_393 = arith.index_cast %get3A_392 : i32 to index
      %get3A_394 = arith.index_cast %mul3A_217 : i32 to index
      %get3A_395 = tpu.vector_load %arg7[%get3A_393, %get3A_394] {strides = array<i32>} : memref<26x512xi32, #tpu.memory_space<vmem>>, vector<16xi32>,
      %add3A_396 = arith.addi %get3A_395, %gather3A_54 : vector<16xi32>
      %mul3A_397 = arith.constant 416 : i32
      %mul3A_398 = arith.muli %scan3A_215, %mul3A_397 : i32
      %add3A_399 = arith.constant 256 : i32
      %add3A_400 = arith.addi %mul3A_398, %add3A_399 : i32
      %swap3A_401 = arith.index_cast %add3A_400 : i32 to index
      %swap3A_402 = tpu.vector_load %arg8[%swap3A_401] {strides = array<i32>} : memref<13312xi32, #tpu.memory_space<vmem>>, vector<16xi32>,
      tpu.vector_store %arg8[%swap3A_401], %add3A_396 {strides = array<i32>} : memref<13312xi32, #tpu.memory_space<vmem>>, vector<16xi32>,
      %get3A_403 = arith.constant 17 : i32
      %get3A_404 = arith.index_cast %get3A_403 : i32 to index
      %get3A_405 = arith.index_cast %mul3A_217 : i32 to index
      %get3A_406 = tpu.vector_load %arg7[%get3A_404, %get3A_405] {strides = array<i32>} : memref<26x512xi32, #tpu.memory_space<vmem>>, vector<16xi32>,
      %add3A_407 = arith.addi %get3A_406, %gather3A_57 : vector<16xi32>
      %mul3A_408 = arith.constant 416 : i32
      %mul3A_409 = arith.muli %scan3A_215, %mul3A_408 : i32
      %add3A_410 = arith.constant 272 : i32
      %add3A_411 = arith.addi %mul3A_409, %add3A_410 : i32
      %swap3A_412 = arith.index_cast %add3A_411 : i32 to index
      %swap3A_413 = tpu.vector_load %arg8[%swap3A_412] {strides = array<i32>} : memref<13312xi32, #tpu.memory_space<vmem>>, vector<16xi32>,
      tpu.vector_store %arg8[%swap3A_412], %add3A_407 {strides = array<i32>} : memref<13312xi32, #tpu.memory_space<vmem>>, vector<16xi32>,
      %get3A_414 = arith.constant 18 : i32
      %get3A_415 = arith.index_cast %get3A_414 : i32 to index
      %get3A_416 = arith.index_cast %mul3A_217 : i32 to index
      %get3A_417 = tpu.vector_load %arg7[%get3A_415, %get3A_416] {strides = array<i32>} : memref<26x512xi32, #tpu.memory_space<vmem>>, vector<16xi32>,
      %add3A_418 = arith.addi %get3A_417, %gather3A_60 : vector<16xi32>
      %mul3A_419 = arith.constant 416 : i32
      %mul3A_420 = arith.muli %scan3A_215, %mul3A_419 : i32
      %add3A_421 = arith.constant 288 : i32
      %add3A_422 = arith.addi %mul3A_420, %add3A_421 : i32
      %swap3A_423 = arith.index_cast %add3A_422 : i32 to index
      %swap3A_424 = tpu.vector_load %arg8[%swap3A_423] {strides = array<i32>} : memref<13312xi32, #tpu.memory_space<vmem>>, vector<16xi32>,
      tpu.vector_store %arg8[%swap3A_423], %add3A_418 {strides = array<i32>} : memref<13312xi32, #tpu.memory_space<vmem>>, vector<16xi32>,
      %get3A_425 = arith.constant 19 : i32
      %get3A_426 = arith.index_cast %get3A_425 : i32 to index
      %get3A_427 = arith.index_cast %mul3A_217 : i32 to index
      %get3A_428 = tpu.vector_load %arg7[%get3A_426, %get3A_427] {strides = array<i32>} : memref<26x512xi32, #tpu.memory_space<vmem>>, vector<16xi32>,
      %add3A_429 = arith.addi %get3A_428, %gather3A_63 : vector<16xi32>
      %mul3A_430 = arith.constant 416 : i32
      %mul3A_431 = arith.muli %scan3A_215, %mul3A_430 : i32
      %add3A_432 = arith.constant 304 : i32
      %add3A_433 = arith.addi %mul3A_431, %add3A_432 : i32
      %swap3A_434 = arith.index_cast %add3A_433 : i32 to index
      %swap3A_435 = tpu.vector_load %arg8[%swap3A_434] {strides = array<i32>} : memref<13312xi32, #tpu.memory_space<vmem>>, vector<16xi32>,
      tpu.vector_store %arg8[%swap3A_434], %add3A_429 {strides = array<i32>} : memref<13312xi32, #tpu.memory_space<vmem>>, vector<16xi32>,
      %get3A_436 = arith.constant 20 : i32
      %get3A_437 = arith.index_cast %get3A_436 : i32 to index
      %get3A_438 = arith.index_cast %mul3A_217 : i32 to index
      %get3A_439 = tpu.vector_load %arg7[%get3A_437, %get3A_438] {strides = array<i32>} : memref<26x512xi32, #tpu.memory_space<vmem>>, vector<16xi32>,
      %add3A_440 = arith.addi %get3A_439, %gather3A_66 : vector<16xi32>
      %mul3A_441 = arith.constant 416 : i32
      %mul3A_442 = arith.muli %scan3A_215, %mul3A_441 : i32
      %add3A_443 = arith.constant 320 : i32
      %add3A_444 = arith.addi %mul3A_442, %add3A_443 : i32
      %swap3A_445 = arith.index_cast %add3A_444 : i32 to index
      %swap3A_446 = tpu.vector_load %arg8[%swap3A_445] {strides = array<i32>} : memref<13312xi32, #tpu.memory_space<vmem>>, vector<16xi32>,
      tpu.vector_store %arg8[%swap3A_445], %add3A_440 {strides = array<i32>} : memref<13312xi32, #tpu.memory_space<vmem>>, vector<16xi32>,
      %get3A_447 = arith.constant 21 : i32
      %get3A_448 = arith.index_cast %get3A_447 : i32 to index
      %get3A_449 = arith.index_cast %mul3A_217 : i32 to index
      %get3A_450 = tpu.vector_load %arg7[%get3A_448, %get3A_449] {strides = array<i32>} : memref<26x512xi32, #tpu.memory_space<vmem>>, vector<16xi32>,
      %add3A_451 = arith.addi %get3A_450, %gather3A_69 : vector<16xi32>
      %mul3A_452 = arith.constant 416 : i32
      %mul3A_453 = arith.muli %scan3A_215, %mul3A_452 : i32
      %add3A_454 = arith.constant 336 : i32
      %add3A_455 = arith.addi %mul3A_453, %add3A_454 : i32
      %swap3A_456 = arith.index_cast %add3A_455 : i32 to index
      %swap3A_457 = tpu.vector_load %arg8[%swap3A_456] {strides = array<i32>} : memref<13312xi32, #tpu.memory_space<vmem>>, vector<16xi32>,
      tpu.vector_store %arg8[%swap3A_456], %add3A_451 {strides = array<i32>} : memref<13312xi32, #tpu.memory_space<vmem>>, vector<16xi32>,
      %get3A_458 = arith.constant 22 : i32
      %get3A_459 = arith.index_cast %get3A_458 : i32 to index
      %get3A_460 = arith.index_cast %mul3A_217 : i32 to index
      %get3A_461 = tpu.vector_load %arg7[%get3A_459, %get3A_460] {strides = array<i32>} : memref<26x512xi32, #tpu.memory_space<vmem>>, vector<16xi32>,
      %add3A_462 = arith.addi %get3A_461, %gather3A_72 : vector<16xi32>
      %mul3A_463 = arith.constant 416 : i32
      %mul3A_464 = arith.muli %scan3A_215, %mul3A_463 : i32
      %add3A_465 = arith.constant 352 : i32
      %add3A_466 = arith.addi %mul3A_464, %add3A_465 : i32
      %swap3A_467 = arith.index_cast %add3A_466 : i32 to index
      %swap3A_468 = tpu.vector_load %arg8[%swap3A_467] {strides = array<i32>} : memref<13312xi32, #tpu.memory_space<vmem>>, vector<16xi32>,
      tpu.vector_store %arg8[%swap3A_467], %add3A_462 {strides = array<i32>} : memref<13312xi32, #tpu.memory_space<vmem>>, vector<16xi32>,
      %get3A_469 = arith.constant 23 : i32
      %get3A_470 = arith.index_cast %get3A_469 : i32 to index
      %get3A_471 = arith.index_cast %mul3A_217 : i32 to index
      %get3A_472 = tpu.vector_load %arg7[%get3A_470, %get3A_471] {strides = array<i32>} : memref<26x512xi32, #tpu.memory_space<vmem>>, vector<16xi32>,
      %add3A_473 = arith.addi %get3A_472, %gather3A_75 : vector<16xi32>
      %mul3A_474 = arith.constant 416 : i32
      %mul3A_475 = arith.muli %scan3A_215, %mul3A_474 : i32
      %add3A_476 = arith.constant 368 : i32
      %add3A_477 = arith.addi %mul3A_475, %add3A_476 : i32
      %swap3A_478 = arith.index_cast %add3A_477 : i32 to index
      %swap3A_479 = tpu.vector_load %arg8[%swap3A_478] {strides = array<i32>} : memref<13312xi32, #tpu.memory_space<vmem>>, vector<16xi32>,
      tpu.vector_store %arg8[%swap3A_478], %add3A_473 {strides = array<i32>} : memref<13312xi32, #tpu.memory_space<vmem>>, vector<16xi32>,
      %get3A_480 = arith.constant 24 : i32
      %get3A_481 = arith.index_cast %get3A_480 : i32 to index
      %get3A_482 = arith.index_cast %mul3A_217 : i32 to index
      %get3A_483 = tpu.vector_load %arg7[%get3A_481, %get3A_482] {strides = array<i32>} : memref<26x512xi32, #tpu.memory_space<vmem>>, vector<16xi32>,
      %add3A_484 = arith.addi %get3A_483, %gather3A_78 : vector<16xi32>
      %mul3A_485 = arith.constant 416 : i32
      %mul3A_486 = arith.muli %scan3A_215, %mul3A_485 : i32
      %add3A_487 = arith.constant 384 : i32
      %add3A_488 = arith.addi %mul3A_486, %add3A_487 : i32
      %swap3A_489 = arith.index_cast %add3A_488 : i32 to index
      %swap3A_490 = tpu.vector_load %arg8[%swap3A_489] {strides = array<i32>} : memref<13312xi32, #tpu.memory_space<vmem>>, vector<16xi32>,
      tpu.vector_store %arg8[%swap3A_489], %add3A_484 {strides = array<i32>} : memref<13312xi32, #tpu.memory_space<vmem>>, vector<16xi32>,
      %get3A_491 = arith.constant 25 : i32
      %get3A_492 = arith.index_cast %get3A_491 : i32 to index
      %get3A_493 = arith.index_cast %mul3A_217 : i32 to index
      %get3A_494 = tpu.vector_load %arg7[%get3A_492, %get3A_493] {strides = array<i32>} : memref<26x512xi32, #tpu.memory_space<vmem>>, vector<16xi32>,
      %add3A_495 = arith.addi %get3A_494, %gather3A_81 : vector<16xi32>
      %mul3A_496 = arith.constant 416 : i32
      %mul3A_497 = arith.muli %scan3A_215, %mul3A_496 : i32
      %add3A_498 = arith.constant 400 : i32
      %add3A_499 = arith.addi %mul3A_497, %add3A_498 : i32
      %swap3A_500 = arith.index_cast %add3A_499 : i32 to index
      %swap3A_501 = tpu.vector_load %arg8[%swap3A_500] {strides = array<i32>} : memref<13312xi32, #tpu.memory_space<vmem>>, vector<16xi32>,
      tpu.vector_store %arg8[%swap3A_500], %add3A_495 {strides = array<i32>} : memref<13312xi32, #tpu.memory_space<vmem>>, vector<16xi32>,
    }
    %scan3A_89 = arith.constant 8 : i32
    %dma_start3A_90 = arith.constant 0 : i32
    %dma_start3A_91 = arith.constant 0 : i32
    %dma_start3A_92 = tpu.memref_slice %arg9[%dma_start3A_91] : memref<13312xf32, #tpu.memory_space<vmem>> -> memref<3328xf32, #tpu.memory_space<vmem>>
    %dma_start3A_93 = arith.constant 0 : i32
    %dma_start3A_94 = tpu.memref_slice %arg8[%dma_start3A_93] : memref<13312xi32, #tpu.memory_space<vmem>> -> memref<3328xi32, #tpu.memory_space<vmem>>
    %dma_start3A_95 = arith.constant 0 : i32
    %dma_start3A_96 = tpu.memref_slice %arg4[%dma_start3A_90, %dma_start3A_95] : memref<1x2600000xf32, #tpu.memory_space<hbm>> -> memref<1x2600000xf32, #tpu.memory_space<hbm>>
    %dma_start3A_97 = tpu.memref_squeeze %dma_start3A_96 : memref<1x2600000xf32, #tpu.memory_space<hbm>> -> memref<2600000xf32, #tpu.memory_space<hbm>>
    %dma_start3A_98 = arith.constant 0 : i32
    %dma_start3A_99 = tpu.memref_slice %dma_start3A_97[%dma_start3A_98] : memref<2600000xf32, #tpu.memory_space<hbm>> -> memref<2600000xf32, #tpu.memory_space<hbm>>
    tpu.enqueue_indirect_dma source(%dma_start3A_99 : memref<2600000xf32, #tpu.memory_space<hbm>>) target(%dma_start3A_92 : memref<3328xf32, #tpu.memory_space<vmem>>) offsets(%dma_start3A_94 : memref<3328xi32, #tpu.memory_space<vmem>>) semaphore(%arg14 : memref<!tpu.dma_semaphore, #tpu.memory_space<semaphore_mem>>)
    %scan3A_100 = arith.constant 0 : i32
    %scan3A_101 = arith.constant 8 : i32
    %scan3A_102 = arith.constant 8 : i32
    %scan3A_103 = arith.addi %scan3A_101, %scan3A_102 : i32
    %scan3A_104 = arith.constant 1 : i32
    scf.for %scan3A_215 = %scan3A_101 to %scan3A_103 step %scan3A_104  : i32 {
      %mul3A_216 = arith.constant 16 : i32
      %mul3A_217 = arith.muli %scan3A_215, %mul3A_216 : i32
      %get3A = arith.constant 0 : i32
      %get3A_218 = arith.index_cast %get3A : i32 to index
      %get3A_219 = arith.index_cast %mul3A_217 : i32 to index
      %get3A_220 = tpu.vector_load %arg7[%get3A_218, %get3A_219] {strides = array<i32>} : memref<26x512xi32, #tpu.memory_space<vmem>>, vector<16xi32>,
      %add3A_221 = arith.addi %get3A_220, %gather3A : vector<16xi32>
      %mul3A_222 = arith.constant 416 : i32
      %mul3A_223 = arith.muli %scan3A_215, %mul3A_222 : i32
      %add3A_224 = arith.constant 0 : i32
      %add3A_225 = arith.addi %mul3A_223, %add3A_224 : i32
      %swap3A = arith.index_cast %add3A_225 : i32 to index
      %swap3A_226 = tpu.vector_load %arg8[%swap3A] {strides = array<i32>} : memref<13312xi32, #tpu.memory_space<vmem>>, vector<16xi32>,
      tpu.vector_store %arg8[%swap3A], %add3A_221 {strides = array<i32>} : memref<13312xi32, #tpu.memory_space<vmem>>, vector<16xi32>,
      %get3A_227 = arith.constant 1 : i32
      %get3A_228 = arith.index_cast %get3A_227 : i32 to index
      %get3A_229 = arith.index_cast %mul3A_217 : i32 to index
      %get3A_230 = tpu.vector_load %arg7[%get3A_228, %get3A_229] {strides = array<i32>} : memref<26x512xi32, #tpu.memory_space<vmem>>, vector<16xi32>,
      %add3A_231 = arith.addi %get3A_230, %gather3A_9 : vector<16xi32>
      %mul3A_232 = arith.constant 416 : i32
      %mul3A_233 = arith.muli %scan3A_215, %mul3A_232 : i32
      %add3A_234 = arith.constant 16 : i32
      %add3A_235 = arith.addi %mul3A_233, %add3A_234 : i32
      %swap3A_236 = arith.index_cast %add3A_235 : i32 to index
      %swap3A_237 = tpu.vector_load %arg8[%swap3A_236] {strides = array<i32>} : memref<13312xi32, #tpu.memory_space<vmem>>, vector<16xi32>,
      tpu.vector_store %arg8[%swap3A_236], %add3A_231 {strides = array<i32>} : memref<13312xi32, #tpu.memory_space<vmem>>, vector<16xi32>,
      %get3A_238 = arith.constant 2 : i32
      %get3A_239 = arith.index_cast %get3A_238 : i32 to index
      %get3A_240 = arith.index_cast %mul3A_217 : i32 to index
      %get3A_241 = tpu.vector_load %arg7[%get3A_239, %get3A_240] {strides = array<i32>} : memref<26x512xi32, #tpu.memory_space<vmem>>, vector<16xi32>,
      %add3A_242 = arith.addi %get3A_241, %gather3A_12 : vector<16xi32>
      %mul3A_243 = arith.constant 416 : i32
      %mul3A_244 = arith.muli %scan3A_215, %mul3A_243 : i32
      %add3A_245 = arith.constant 32 : i32
      %add3A_246 = arith.addi %mul3A_244, %add3A_245 : i32
      %swap3A_247 = arith.index_cast %add3A_246 : i32 to index
      %swap3A_248 = tpu.vector_load %arg8[%swap3A_247] {strides = array<i32>} : memref<13312xi32, #tpu.memory_space<vmem>>, vector<16xi32>,
      tpu.vector_store %arg8[%swap3A_247], %add3A_242 {strides = array<i32>} : memref<13312xi32, #tpu.memory_space<vmem>>, vector<16xi32>,
      %get3A_249 = arith.constant 3 : i32
      %get3A_250 = arith.index_cast %get3A_249 : i32 to index
      %get3A_251 = arith.index_cast %mul3A_217 : i32 to index
      %get3A_252 = tpu.vector_load %arg7[%get3A_250, %get3A_251] {strides = array<i32>} : memref<26x512xi32, #tpu.memory_space<vmem>>, vector<16xi32>,
      %add3A_253 = arith.addi %get3A_252, %gather3A_15 : vector<16xi32>
      %mul3A_254 = arith.constant 416 : i32
      %mul3A_255 = arith.muli %scan3A_215, %mul3A_254 : i32
      %add3A_256 = arith.constant 48 : i32
      %add3A_257 = arith.addi %mul3A_255, %add3A_256 : i32
      %swap3A_258 = arith.index_cast %add3A_257 : i32 to index
      %swap3A_259 = tpu.vector_load %arg8[%swap3A_258] {strides = array<i32>} : memref<13312xi32, #tpu.memory_space<vmem>>, vector<16xi32>,
      tpu.vector_store %arg8[%swap3A_258], %add3A_253 {strides = array<i32>} : memref<13312xi32, #tpu.memory_space<vmem>>, vector<16xi32>,
      %get3A_260 = arith.constant 4 : i32
      %get3A_261 = arith.index_cast %get3A_260 : i32 to index
      %get3A_262 = arith.index_cast %mul3A_217 : i32 to index
      %get3A_263 = tpu.vector_load %arg7[%get3A_261, %get3A_262] {strides = array<i32>} : memref<26x512xi32, #tpu.memory_space<vmem>>, vector<16xi32>,
      %add3A_264 = arith.addi %get3A_263, %gather3A_18 : vector<16xi32>
      %mul3A_265 = arith.constant 416 : i32
      %mul3A_266 = arith.muli %scan3A_215, %mul3A_265 : i32
      %add3A_267 = arith.constant 64 : i32
      %add3A_268 = arith.addi %mul3A_266, %add3A_267 : i32
      %swap3A_269 = arith.index_cast %add3A_268 : i32 to index
      %swap3A_270 = tpu.vector_load %arg8[%swap3A_269] {strides = array<i32>} : memref<13312xi32, #tpu.memory_space<vmem>>, vector<16xi32>,
      tpu.vector_store %arg8[%swap3A_269], %add3A_264 {strides = array<i32>} : memref<13312xi32, #tpu.memory_space<vmem>>, vector<16xi32>,
      %get3A_271 = arith.constant 5 : i32
      %get3A_272 = arith.index_cast %get3A_271 : i32 to index
      %get3A_273 = arith.index_cast %mul3A_217 : i32 to index
      %get3A_274 = tpu.vector_load %arg7[%get3A_272, %get3A_273] {strides = array<i32>} : memref<26x512xi32, #tpu.memory_space<vmem>>, vector<16xi32>,
      %add3A_275 = arith.addi %get3A_274, %gather3A_21 : vector<16xi32>
      %mul3A_276 = arith.constant 416 : i32
      %mul3A_277 = arith.muli %scan3A_215, %mul3A_276 : i32
      %add3A_278 = arith.constant 80 : i32
      %add3A_279 = arith.addi %mul3A_277, %add3A_278 : i32
      %swap3A_280 = arith.index_cast %add3A_279 : i32 to index
      %swap3A_281 = tpu.vector_load %arg8[%swap3A_280] {strides = array<i32>} : memref<13312xi32, #tpu.memory_space<vmem>>, vector<16xi32>,
      tpu.vector_store %arg8[%swap3A_280], %add3A_275 {strides = array<i32>} : memref<13312xi32, #tpu.memory_space<vmem>>, vector<16xi32>,
      %get3A_282 = arith.constant 6 : i32
      %get3A_283 = arith.index_cast %get3A_282 : i32 to index
      %get3A_284 = arith.index_cast %mul3A_217 : i32 to index
      %get3A_285 = tpu.vector_load %arg7[%get3A_283, %get3A_284] {strides = array<i32>} : memref<26x512xi32, #tpu.memory_space<vmem>>, vector<16xi32>,
      %add3A_286 = arith.addi %get3A_285, %gather3A_24 : vector<16xi32>
      %mul3A_287 = arith.constant 416 : i32
      %mul3A_288 = arith.muli %scan3A_215, %mul3A_287 : i32
      %add3A_289 = arith.constant 96 : i32
      %add3A_290 = arith.addi %mul3A_288, %add3A_289 : i32
      %swap3A_291 = arith.index_cast %add3A_290 : i32 to index
      %swap3A_292 = tpu.vector_load %arg8[%swap3A_291] {strides = array<i32>} : memref<13312xi32, #tpu.memory_space<vmem>>, vector<16xi32>,
      tpu.vector_store %arg8[%swap3A_291], %add3A_286 {strides = array<i32>} : memref<13312xi32, #tpu.memory_space<vmem>>, vector<16xi32>,
      %get3A_293 = arith.constant 7 : i32
      %get3A_294 = arith.index_cast %get3A_293 : i32 to index
      %get3A_295 = arith.index_cast %mul3A_217 : i32 to index
      %get3A_296 = tpu.vector_load %arg7[%get3A_294, %get3A_295] {strides = array<i32>} : memref<26x512xi32, #tpu.memory_space<vmem>>, vector<16xi32>,
      %add3A_297 = arith.addi %get3A_296, %gather3A_27 : vector<16xi32>
      %mul3A_298 = arith.constant 416 : i32
      %mul3A_299 = arith.muli %scan3A_215, %mul3A_298 : i32
      %add3A_300 = arith.constant 112 : i32
      %add3A_301 = arith.addi %mul3A_299, %add3A_300 : i32
      %swap3A_302 = arith.index_cast %add3A_301 : i32 to index
      %swap3A_303 = tpu.vector_load %arg8[%swap3A_302] {strides = array<i32>} : memref<13312xi32, #tpu.memory_space<vmem>>, vector<16xi32>,
      tpu.vector_store %arg8[%swap3A_302], %add3A_297 {strides = array<i32>} : memref<13312xi32, #tpu.memory_space<vmem>>, vector<16xi32>,
      %get3A_304 = arith.constant 8 : i32
      %get3A_305 = arith.index_cast %get3A_304 : i32 to index
      %get3A_306 = arith.index_cast %mul3A_217 : i32 to index
      %get3A_307 = tpu.vector_load %arg7[%get3A_305, %get3A_306] {strides = array<i32>} : memref<26x512xi32, #tpu.memory_space<vmem>>, vector<16xi32>,
      %add3A_308 = arith.addi %get3A_307, %gather3A_30 : vector<16xi32>
      %mul3A_309 = arith.constant 416 : i32
      %mul3A_310 = arith.muli %scan3A_215, %mul3A_309 : i32
      %add3A_311 = arith.constant 128 : i32
      %add3A_312 = arith.addi %mul3A_310, %add3A_311 : i32
      %swap3A_313 = arith.index_cast %add3A_312 : i32 to index
      %swap3A_314 = tpu.vector_load %arg8[%swap3A_313] {strides = array<i32>} : memref<13312xi32, #tpu.memory_space<vmem>>, vector<16xi32>,
      tpu.vector_store %arg8[%swap3A_313], %add3A_308 {strides = array<i32>} : memref<13312xi32, #tpu.memory_space<vmem>>, vector<16xi32>,
      %get3A_315 = arith.constant 9 : i32
      %get3A_316 = arith.index_cast %get3A_315 : i32 to index
      %get3A_317 = arith.index_cast %mul3A_217 : i32 to index
      %get3A_318 = tpu.vector_load %arg7[%get3A_316, %get3A_317] {strides = array<i32>} : memref<26x512xi32, #tpu.memory_space<vmem>>, vector<16xi32>,
      %add3A_319 = arith.addi %get3A_318, %gather3A_33 : vector<16xi32>
      %mul3A_320 = arith.constant 416 : i32
      %mul3A_321 = arith.muli %scan3A_215, %mul3A_320 : i32
      %add3A_322 = arith.constant 144 : i32
      %add3A_323 = arith.addi %mul3A_321, %add3A_322 : i32
      %swap3A_324 = arith.index_cast %add3A_323 : i32 to index
      %swap3A_325 = tpu.vector_load %arg8[%swap3A_324] {strides = array<i32>} : memref<13312xi32, #tpu.memory_space<vmem>>, vector<16xi32>,
      tpu.vector_store %arg8[%swap3A_324], %add3A_319 {strides = array<i32>} : memref<13312xi32, #tpu.memory_space<vmem>>, vector<16xi32>,
      %get3A_326 = arith.constant 10 : i32
      %get3A_327 = arith.index_cast %get3A_326 : i32 to index
      %get3A_328 = arith.index_cast %mul3A_217 : i32 to index
      %get3A_329 = tpu.vector_load %arg7[%get3A_327, %get3A_328] {strides = array<i32>} : memref<26x512xi32, #tpu.memory_space<vmem>>, vector<16xi32>,
      %add3A_330 = arith.addi %get3A_329, %gather3A_36 : vector<16xi32>
      %mul3A_331 = arith.constant 416 : i32
      %mul3A_332 = arith.muli %scan3A_215, %mul3A_331 : i32
      %add3A_333 = arith.constant 160 : i32
      %add3A_334 = arith.addi %mul3A_332, %add3A_333 : i32
      %swap3A_335 = arith.index_cast %add3A_334 : i32 to index
      %swap3A_336 = tpu.vector_load %arg8[%swap3A_335] {strides = array<i32>} : memref<13312xi32, #tpu.memory_space<vmem>>, vector<16xi32>,
      tpu.vector_store %arg8[%swap3A_335], %add3A_330 {strides = array<i32>} : memref<13312xi32, #tpu.memory_space<vmem>>, vector<16xi32>,
      %get3A_337 = arith.constant 11 : i32
      %get3A_338 = arith.index_cast %get3A_337 : i32 to index
      %get3A_339 = arith.index_cast %mul3A_217 : i32 to index
      %get3A_340 = tpu.vector_load %arg7[%get3A_338, %get3A_339] {strides = array<i32>} : memref<26x512xi32, #tpu.memory_space<vmem>>, vector<16xi32>,
      %add3A_341 = arith.addi %get3A_340, %gather3A_39 : vector<16xi32>
      %mul3A_342 = arith.constant 416 : i32
      %mul3A_343 = arith.muli %scan3A_215, %mul3A_342 : i32
      %add3A_344 = arith.constant 176 : i32
      %add3A_345 = arith.addi %mul3A_343, %add3A_344 : i32
      %swap3A_346 = arith.index_cast %add3A_345 : i32 to index
      %swap3A_347 = tpu.vector_load %arg8[%swap3A_346] {strides = array<i32>} : memref<13312xi32, #tpu.memory_space<vmem>>, vector<16xi32>,
      tpu.vector_store %arg8[%swap3A_346], %add3A_341 {strides = array<i32>} : memref<13312xi32, #tpu.memory_space<vmem>>, vector<16xi32>,
      %get3A_348 = arith.constant 12 : i32
      %get3A_349 = arith.index_cast %get3A_348 : i32 to index
      %get3A_350 = arith.index_cast %mul3A_217 : i32 to index
      %get3A_351 = tpu.vector_load %arg7[%get3A_349, %get3A_350] {strides = array<i32>} : memref<26x512xi32, #tpu.memory_space<vmem>>, vector<16xi32>,
      %add3A_352 = arith.addi %get3A_351, %gather3A_42 : vector<16xi32>
      %mul3A_353 = arith.constant 416 : i32
      %mul3A_354 = arith.muli %scan3A_215, %mul3A_353 : i32
      %add3A_355 = arith.constant 192 : i32
      %add3A_356 = arith.addi %mul3A_354, %add3A_355 : i32
      %swap3A_357 = arith.index_cast %add3A_356 : i32 to index
      %swap3A_358 = tpu.vector_load %arg8[%swap3A_357] {strides = array<i32>} : memref<13312xi32, #tpu.memory_space<vmem>>, vector<16xi32>,
      tpu.vector_store %arg8[%swap3A_357], %add3A_352 {strides = array<i32>} : memref<13312xi32, #tpu.memory_space<vmem>>, vector<16xi32>,
      %get3A_359 = arith.constant 13 : i32
      %get3A_360 = arith.index_cast %get3A_359 : i32 to index
      %get3A_361 = arith.index_cast %mul3A_217 : i32 to index
      %get3A_362 = tpu.vector_load %arg7[%get3A_360, %get3A_361] {strides = array<i32>} : memref<26x512xi32, #tpu.memory_space<vmem>>, vector<16xi32>,
      %add3A_363 = arith.addi %get3A_362, %gather3A_45 : vector<16xi32>
      %mul3A_364 = arith.constant 416 : i32
      %mul3A_365 = arith.muli %scan3A_215, %mul3A_364 : i32
      %add3A_366 = arith.constant 208 : i32
      %add3A_367 = arith.addi %mul3A_365, %add3A_366 : i32
      %swap3A_368 = arith.index_cast %add3A_367 : i32 to index
      %swap3A_369 = tpu.vector_load %arg8[%swap3A_368] {strides = array<i32>} : memref<13312xi32, #tpu.memory_space<vmem>>, vector<16xi32>,
      tpu.vector_store %arg8[%swap3A_368], %add3A_363 {strides = array<i32>} : memref<13312xi32, #tpu.memory_space<vmem>>, vector<16xi32>,
      %get3A_370 = arith.constant 14 : i32
      %get3A_371 = arith.index_cast %get3A_370 : i32 to index
      %get3A_372 = arith.index_cast %mul3A_217 : i32 to index
      %get3A_373 = tpu.vector_load %arg7[%get3A_371, %get3A_372] {strides = array<i32>} : memref<26x512xi32, #tpu.memory_space<vmem>>, vector<16xi32>,
      %add3A_374 = arith.addi %get3A_373, %gather3A_48 : vector<16xi32>
      %mul3A_375 = arith.constant 416 : i32
      %mul3A_376 = arith.muli %scan3A_215, %mul3A_375 : i32
      %add3A_377 = arith.constant 224 : i32
      %add3A_378 = arith.addi %mul3A_376, %add3A_377 : i32
      %swap3A_379 = arith.index_cast %add3A_378 : i32 to index
      %swap3A_380 = tpu.vector_load %arg8[%swap3A_379] {strides = array<i32>} : memref<13312xi32, #tpu.memory_space<vmem>>, vector<16xi32>,
      tpu.vector_store %arg8[%swap3A_379], %add3A_374 {strides = array<i32>} : memref<13312xi32, #tpu.memory_space<vmem>>, vector<16xi32>,
      %get3A_381 = arith.constant 15 : i32
      %get3A_382 = arith.index_cast %get3A_381 : i32 to index
      %get3A_383 = arith.index_cast %mul3A_217 : i32 to index
      %get3A_384 = tpu.vector_load %arg7[%get3A_382, %get3A_383] {strides = array<i32>} : memref<26x512xi32, #tpu.memory_space<vmem>>, vector<16xi32>,
      %add3A_385 = arith.addi %get3A_384, %gather3A_51 : vector<16xi32>
      %mul3A_386 = arith.constant 416 : i32
      %mul3A_387 = arith.muli %scan3A_215, %mul3A_386 : i32
      %add3A_388 = arith.constant 240 : i32
      %add3A_389 = arith.addi %mul3A_387, %add3A_388 : i32
      %swap3A_390 = arith.index_cast %add3A_389 : i32 to index
      %swap3A_391 = tpu.vector_load %arg8[%swap3A_390] {strides = array<i32>} : memref<13312xi32, #tpu.memory_space<vmem>>, vector<16xi32>,
      tpu.vector_store %arg8[%swap3A_390], %add3A_385 {strides = array<i32>} : memref<13312xi32, #tpu.memory_space<vmem>>, vector<16xi32>,
      %get3A_392 = arith.constant 16 : i32
      %get3A_393 = arith.index_cast %get3A_392 : i32 to index
      %get3A_394 = arith.index_cast %mul3A_217 : i32 to index
      %get3A_395 = tpu.vector_load %arg7[%get3A_393, %get3A_394] {strides = array<i32>} : memref<26x512xi32, #tpu.memory_space<vmem>>, vector<16xi32>,
      %add3A_396 = arith.addi %get3A_395, %gather3A_54 : vector<16xi32>
      %mul3A_397 = arith.constant 416 : i32
      %mul3A_398 = arith.muli %scan3A_215, %mul3A_397 : i32
      %add3A_399 = arith.constant 256 : i32
      %add3A_400 = arith.addi %mul3A_398, %add3A_399 : i32
      %swap3A_401 = arith.index_cast %add3A_400 : i32 to index
      %swap3A_402 = tpu.vector_load %arg8[%swap3A_401] {strides = array<i32>} : memref<13312xi32, #tpu.memory_space<vmem>>, vector<16xi32>,
      tpu.vector_store %arg8[%swap3A_401], %add3A_396 {strides = array<i32>} : memref<13312xi32, #tpu.memory_space<vmem>>, vector<16xi32>,
      %get3A_403 = arith.constant 17 : i32
      %get3A_404 = arith.index_cast %get3A_403 : i32 to index
      %get3A_405 = arith.index_cast %mul3A_217 : i32 to index
      %get3A_406 = tpu.vector_load %arg7[%get3A_404, %get3A_405] {strides = array<i32>} : memref<26x512xi32, #tpu.memory_space<vmem>>, vector<16xi32>,
      %add3A_407 = arith.addi %get3A_406, %gather3A_57 : vector<16xi32>
      %mul3A_408 = arith.constant 416 : i32
      %mul3A_409 = arith.muli %scan3A_215, %mul3A_408 : i32
      %add3A_410 = arith.constant 272 : i32
      %add3A_411 = arith.addi %mul3A_409, %add3A_410 : i32
      %swap3A_412 = arith.index_cast %add3A_411 : i32 to index
      %swap3A_413 = tpu.vector_load %arg8[%swap3A_412] {strides = array<i32>} : memref<13312xi32, #tpu.memory_space<vmem>>, vector<16xi32>,
      tpu.vector_store %arg8[%swap3A_412], %add3A_407 {strides = array<i32>} : memref<13312xi32, #tpu.memory_space<vmem>>, vector<16xi32>,
      %get3A_414 = arith.constant 18 : i32
      %get3A_415 = arith.index_cast %get3A_414 : i32 to index
      %get3A_416 = arith.index_cast %mul3A_217 : i32 to index
      %get3A_417 = tpu.vector_load %arg7[%get3A_415, %get3A_416] {strides = array<i32>} : memref<26x512xi32, #tpu.memory_space<vmem>>, vector<16xi32>,
      %add3A_418 = arith.addi %get3A_417, %gather3A_60 : vector<16xi32>
      %mul3A_419 = arith.constant 416 : i32
      %mul3A_420 = arith.muli %scan3A_215, %mul3A_419 : i32
      %add3A_421 = arith.constant 288 : i32
      %add3A_422 = arith.addi %mul3A_420, %add3A_421 : i32
      %swap3A_423 = arith.index_cast %add3A_422 : i32 to index
      %swap3A_424 = tpu.vector_load %arg8[%swap3A_423] {strides = array<i32>} : memref<13312xi32, #tpu.memory_space<vmem>>, vector<16xi32>,
      tpu.vector_store %arg8[%swap3A_423], %add3A_418 {strides = array<i32>} : memref<13312xi32, #tpu.memory_space<vmem>>, vector<16xi32>,
      %get3A_425 = arith.constant 19 : i32
      %get3A_426 = arith.index_cast %get3A_425 : i32 to index
      %get3A_427 = arith.index_cast %mul3A_217 : i32 to index
      %get3A_428 = tpu.vector_load %arg7[%get3A_426, %get3A_427] {strides = array<i32>} : memref<26x512xi32, #tpu.memory_space<vmem>>, vector<16xi32>,
      %add3A_429 = arith.addi %get3A_428, %gather3A_63 : vector<16xi32>
      %mul3A_430 = arith.constant 416 : i32
      %mul3A_431 = arith.muli %scan3A_215, %mul3A_430 : i32
      %add3A_432 = arith.constant 304 : i32
      %add3A_433 = arith.addi %mul3A_431, %add3A_432 : i32
      %swap3A_434 = arith.index_cast %add3A_433 : i32 to index
      %swap3A_435 = tpu.vector_load %arg8[%swap3A_434] {strides = array<i32>} : memref<13312xi32, #tpu.memory_space<vmem>>, vector<16xi32>,
      tpu.vector_store %arg8[%swap3A_434], %add3A_429 {strides = array<i32>} : memref<13312xi32, #tpu.memory_space<vmem>>, vector<16xi32>,
      %get3A_436 = arith.constant 20 : i32
      %get3A_437 = arith.index_cast %get3A_436 : i32 to index
      %get3A_438 = arith.index_cast %mul3A_217 : i32 to index
      %get3A_439 = tpu.vector_load %arg7[%get3A_437, %get3A_438] {strides = array<i32>} : memref<26x512xi32, #tpu.memory_space<vmem>>, vector<16xi32>,
      %add3A_440 = arith.addi %get3A_439, %gather3A_66 : vector<16xi32>
      %mul3A_441 = arith.constant 416 : i32
      %mul3A_442 = arith.muli %scan3A_215, %mul3A_441 : i32
      %add3A_443 = arith.constant 320 : i32
      %add3A_444 = arith.addi %mul3A_442, %add3A_443 : i32
      %swap3A_445 = arith.index_cast %add3A_444 : i32 to index
      %swap3A_446 = tpu.vector_load %arg8[%swap3A_445] {strides = array<i32>} : memref<13312xi32, #tpu.memory_space<vmem>>, vector<16xi32>,
      tpu.vector_store %arg8[%swap3A_445], %add3A_440 {strides = array<i32>} : memref<13312xi32, #tpu.memory_space<vmem>>, vector<16xi32>,
      %get3A_447 = arith.constant 21 : i32
      %get3A_448 = arith.index_cast %get3A_447 : i32 to index
      %get3A_449 = arith.index_cast %mul3A_217 : i32 to index
      %get3A_450 = tpu.vector_load %arg7[%get3A_448, %get3A_449] {strides = array<i32>} : memref<26x512xi32, #tpu.memory_space<vmem>>, vector<16xi32>,
      %add3A_451 = arith.addi %get3A_450, %gather3A_69 : vector<16xi32>
      %mul3A_452 = arith.constant 416 : i32
      %mul3A_453 = arith.muli %scan3A_215, %mul3A_452 : i32
      %add3A_454 = arith.constant 336 : i32
      %add3A_455 = arith.addi %mul3A_453, %add3A_454 : i32
      %swap3A_456 = arith.index_cast %add3A_455 : i32 to index
      %swap3A_457 = tpu.vector_load %arg8[%swap3A_456] {strides = array<i32>} : memref<13312xi32, #tpu.memory_space<vmem>>, vector<16xi32>,
      tpu.vector_store %arg8[%swap3A_456], %add3A_451 {strides = array<i32>} : memref<13312xi32, #tpu.memory_space<vmem>>, vector<16xi32>,
      %get3A_458 = arith.constant 22 : i32
      %get3A_459 = arith.index_cast %get3A_458 : i32 to index
      %get3A_460 = arith.index_cast %mul3A_217 : i32 to index
      %get3A_461 = tpu.vector_load %arg7[%get3A_459, %get3A_460] {strides = array<i32>} : memref<26x512xi32, #tpu.memory_space<vmem>>, vector<16xi32>,
      %add3A_462 = arith.addi %get3A_461, %gather3A_72 : vector<16xi32>
      %mul3A_463 = arith.constant 416 : i32
      %mul3A_464 = arith.muli %scan3A_215, %mul3A_463 : i32
      %add3A_465 = arith.constant 352 : i32
      %add3A_466 = arith.addi %mul3A_464, %add3A_465 : i32
      %swap3A_467 = arith.index_cast %add3A_466 : i32 to index
      %swap3A_468 = tpu.vector_load %arg8[%swap3A_467] {strides = array<i32>} : memref<13312xi32, #tpu.memory_space<vmem>>, vector<16xi32>,
      tpu.vector_store %arg8[%swap3A_467], %add3A_462 {strides = array<i32>} : memref<13312xi32, #tpu.memory_space<vmem>>, vector<16xi32>,
      %get3A_469 = arith.constant 23 : i32
      %get3A_470 = arith.index_cast %get3A_469 : i32 to index
      %get3A_471 = arith.index_cast %mul3A_217 : i32 to index
      %get3A_472 = tpu.vector_load %arg7[%get3A_470, %get3A_471] {strides = array<i32>} : memref<26x512xi32, #tpu.memory_space<vmem>>, vector<16xi32>,
      %add3A_473 = arith.addi %get3A_472, %gather3A_75 : vector<16xi32>
      %mul3A_474 = arith.constant 416 : i32
      %mul3A_475 = arith.muli %scan3A_215, %mul3A_474 : i32
      %add3A_476 = arith.constant 368 : i32
      %add3A_477 = arith.addi %mul3A_475, %add3A_476 : i32
      %swap3A_478 = arith.index_cast %add3A_477 : i32 to index
      %swap3A_479 = tpu.vector_load %arg8[%swap3A_478] {strides = array<i32>} : memref<13312xi32, #tpu.memory_space<vmem>>, vector<16xi32>,
      tpu.vector_store %arg8[%swap3A_478], %add3A_473 {strides = array<i32>} : memref<13312xi32, #tpu.memory_space<vmem>>, vector<16xi32>,
      %get3A_480 = arith.constant 24 : i32
      %get3A_481 = arith.index_cast %get3A_480 : i32 to index
      %get3A_482 = arith.index_cast %mul3A_217 : i32 to index
      %get3A_483 = tpu.vector_load %arg7[%get3A_481, %get3A_482] {strides = array<i32>} : memref<26x512xi32, #tpu.memory_space<vmem>>, vector<16xi32>,
      %add3A_484 = arith.addi %get3A_483, %gather3A_78 : vector<16xi32>
      %mul3A_485 = arith.constant 416 : i32
      %mul3A_486 = arith.muli %scan3A_215, %mul3A_485 : i32
      %add3A_487 = arith.constant 384 : i32
      %add3A_488 = arith.addi %mul3A_486, %add3A_487 : i32
      %swap3A_489 = arith.index_cast %add3A_488 : i32 to index
      %swap3A_490 = tpu.vector_load %arg8[%swap3A_489] {strides = array<i32>} : memref<13312xi32, #tpu.memory_space<vmem>>, vector<16xi32>,
      tpu.vector_store %arg8[%swap3A_489], %add3A_484 {strides = array<i32>} : memref<13312xi32, #tpu.memory_space<vmem>>, vector<16xi32>,
      %get3A_491 = arith.constant 25 : i32
      %get3A_492 = arith.index_cast %get3A_491 : i32 to index
      %get3A_493 = arith.index_cast %mul3A_217 : i32 to index
      %get3A_494 = tpu.vector_load %arg7[%get3A_492, %get3A_493] {strides = array<i32>} : memref<26x512xi32, #tpu.memory_space<vmem>>, vector<16xi32>,
      %add3A_495 = arith.addi %get3A_494, %gather3A_81 : vector<16xi32>
      %mul3A_496 = arith.constant 416 : i32
      %mul3A_497 = arith.muli %scan3A_215, %mul3A_496 : i32
      %add3A_498 = arith.constant 400 : i32
      %add3A_499 = arith.addi %mul3A_497, %add3A_498 : i32
      %swap3A_500 = arith.index_cast %add3A_499 : i32 to index
      %swap3A_501 = tpu.vector_load %arg8[%swap3A_500] {strides = array<i32>} : memref<13312xi32, #tpu.memory_space<vmem>>, vector<16xi32>,
      tpu.vector_store %arg8[%swap3A_500], %add3A_495 {strides = array<i32>} : memref<13312xi32, #tpu.memory_space<vmem>>, vector<16xi32>,
    }
    %scan3A_105 = arith.constant 8 : i32
    %dma_start3A_106 = arith.constant 0 : i32
    %dma_start3A_107 = arith.constant 3328 : i32
    %dma_start3A_108 = tpu.memref_slice %arg9[%dma_start3A_107] : memref<13312xf32, #tpu.memory_space<vmem>> -> memref<3328xf32, #tpu.memory_space<vmem>>
    %dma_start3A_109 = arith.constant 3328 : i32
    %dma_start3A_110 = tpu.memref_slice %arg8[%dma_start3A_109] : memref<13312xi32, #tpu.memory_space<vmem>> -> memref<3328xi32, #tpu.memory_space<vmem>>
    %dma_start3A_111 = arith.constant 0 : i32
    %dma_start3A_112 = tpu.memref_slice %arg4[%dma_start3A_106, %dma_start3A_111] : memref<1x2600000xf32, #tpu.memory_space<hbm>> -> memref<1x2600000xf32, #tpu.memory_space<hbm>>
    %dma_start3A_113 = tpu.memref_squeeze %dma_start3A_112 : memref<1x2600000xf32, #tpu.memory_space<hbm>> -> memref<2600000xf32, #tpu.memory_space<hbm>>
    %dma_start3A_114 = arith.constant 0 : i32
    %dma_start3A_115 = tpu.memref_slice %dma_start3A_113[%dma_start3A_114] : memref<2600000xf32, #tpu.memory_space<hbm>> -> memref<2600000xf32, #tpu.memory_space<hbm>>
    tpu.enqueue_indirect_dma source(%dma_start3A_115 : memref<2600000xf32, #tpu.memory_space<hbm>>) target(%dma_start3A_108 : memref<3328xf32, #tpu.memory_space<vmem>>) offsets(%dma_start3A_110 : memref<3328xi32, #tpu.memory_space<vmem>>) semaphore(%arg15 : memref<!tpu.dma_semaphore, #tpu.memory_space<semaphore_mem>>)
    %scan3A_116 = arith.constant 0 : i32
    %scan3A_117 = arith.constant 16 : i32
    %scan3A_118 = arith.constant 8 : i32
    %scan3A_119 = arith.addi %scan3A_117, %scan3A_118 : i32
    %scan3A_120 = arith.constant 1 : i32
    scf.for %scan3A_215 = %scan3A_117 to %scan3A_119 step %scan3A_120  : i32 {
      %mul3A_216 = arith.constant 16 : i32
      %mul3A_217 = arith.muli %scan3A_215, %mul3A_216 : i32
      %get3A = arith.constant 0 : i32
      %get3A_218 = arith.index_cast %get3A : i32 to index
      %get3A_219 = arith.index_cast %mul3A_217 : i32 to index
      %get3A_220 = tpu.vector_load %arg7[%get3A_218, %get3A_219] {strides = array<i32>} : memref<26x512xi32, #tpu.memory_space<vmem>>, vector<16xi32>,
      %add3A_221 = arith.addi %get3A_220, %gather3A : vector<16xi32>
      %mul3A_222 = arith.constant 416 : i32
      %mul3A_223 = arith.muli %scan3A_215, %mul3A_222 : i32
      %add3A_224 = arith.constant 0 : i32
      %add3A_225 = arith.addi %mul3A_223, %add3A_224 : i32
      %swap3A = arith.index_cast %add3A_225 : i32 to index
      %swap3A_226 = tpu.vector_load %arg8[%swap3A] {strides = array<i32>} : memref<13312xi32, #tpu.memory_space<vmem>>, vector<16xi32>,
      tpu.vector_store %arg8[%swap3A], %add3A_221 {strides = array<i32>} : memref<13312xi32, #tpu.memory_space<vmem>>, vector<16xi32>,
      %get3A_227 = arith.constant 1 : i32
      %get3A_228 = arith.index_cast %get3A_227 : i32 to index
      %get3A_229 = arith.index_cast %mul3A_217 : i32 to index
      %get3A_230 = tpu.vector_load %arg7[%get3A_228, %get3A_229] {strides = array<i32>} : memref<26x512xi32, #tpu.memory_space<vmem>>, vector<16xi32>,
      %add3A_231 = arith.addi %get3A_230, %gather3A_9 : vector<16xi32>
      %mul3A_232 = arith.constant 416 : i32
      %mul3A_233 = arith.muli %scan3A_215, %mul3A_232 : i32
      %add3A_234 = arith.constant 16 : i32
      %add3A_235 = arith.addi %mul3A_233, %add3A_234 : i32
      %swap3A_236 = arith.index_cast %add3A_235 : i32 to index
      %swap3A_237 = tpu.vector_load %arg8[%swap3A_236] {strides = array<i32>} : memref<13312xi32, #tpu.memory_space<vmem>>, vector<16xi32>,
      tpu.vector_store %arg8[%swap3A_236], %add3A_231 {strides = array<i32>} : memref<13312xi32, #tpu.memory_space<vmem>>, vector<16xi32>,
      %get3A_238 = arith.constant 2 : i32
      %get3A_239 = arith.index_cast %get3A_238 : i32 to index
      %get3A_240 = arith.index_cast %mul3A_217 : i32 to index
      %get3A_241 = tpu.vector_load %arg7[%get3A_239, %get3A_240] {strides = array<i32>} : memref<26x512xi32, #tpu.memory_space<vmem>>, vector<16xi32>,
      %add3A_242 = arith.addi %get3A_241, %gather3A_12 : vector<16xi32>
      %mul3A_243 = arith.constant 416 : i32
      %mul3A_244 = arith.muli %scan3A_215, %mul3A_243 : i32
      %add3A_245 = arith.constant 32 : i32
      %add3A_246 = arith.addi %mul3A_244, %add3A_245 : i32
      %swap3A_247 = arith.index_cast %add3A_246 : i32 to index
      %swap3A_248 = tpu.vector_load %arg8[%swap3A_247] {strides = array<i32>} : memref<13312xi32, #tpu.memory_space<vmem>>, vector<16xi32>,
      tpu.vector_store %arg8[%swap3A_247], %add3A_242 {strides = array<i32>} : memref<13312xi32, #tpu.memory_space<vmem>>, vector<16xi32>,
      %get3A_249 = arith.constant 3 : i32
      %get3A_250 = arith.index_cast %get3A_249 : i32 to index
      %get3A_251 = arith.index_cast %mul3A_217 : i32 to index
      %get3A_252 = tpu.vector_load %arg7[%get3A_250, %get3A_251] {strides = array<i32>} : memref<26x512xi32, #tpu.memory_space<vmem>>, vector<16xi32>,
      %add3A_253 = arith.addi %get3A_252, %gather3A_15 : vector<16xi32>
      %mul3A_254 = arith.constant 416 : i32
      %mul3A_255 = arith.muli %scan3A_215, %mul3A_254 : i32
      %add3A_256 = arith.constant 48 : i32
      %add3A_257 = arith.addi %mul3A_255, %add3A_256 : i32
      %swap3A_258 = arith.index_cast %add3A_257 : i32 to index
      %swap3A_259 = tpu.vector_load %arg8[%swap3A_258] {strides = array<i32>} : memref<13312xi32, #tpu.memory_space<vmem>>, vector<16xi32>,
      tpu.vector_store %arg8[%swap3A_258], %add3A_253 {strides = array<i32>} : memref<13312xi32, #tpu.memory_space<vmem>>, vector<16xi32>,
      %get3A_260 = arith.constant 4 : i32
      %get3A_261 = arith.index_cast %get3A_260 : i32 to index
      %get3A_262 = arith.index_cast %mul3A_217 : i32 to index
      %get3A_263 = tpu.vector_load %arg7[%get3A_261, %get3A_262] {strides = array<i32>} : memref<26x512xi32, #tpu.memory_space<vmem>>, vector<16xi32>,
      %add3A_264 = arith.addi %get3A_263, %gather3A_18 : vector<16xi32>
      %mul3A_265 = arith.constant 416 : i32
      %mul3A_266 = arith.muli %scan3A_215, %mul3A_265 : i32
      %add3A_267 = arith.constant 64 : i32
      %add3A_268 = arith.addi %mul3A_266, %add3A_267 : i32
      %swap3A_269 = arith.index_cast %add3A_268 : i32 to index
      %swap3A_270 = tpu.vector_load %arg8[%swap3A_269] {strides = array<i32>} : memref<13312xi32, #tpu.memory_space<vmem>>, vector<16xi32>,
      tpu.vector_store %arg8[%swap3A_269], %add3A_264 {strides = array<i32>} : memref<13312xi32, #tpu.memory_space<vmem>>, vector<16xi32>,
      %get3A_271 = arith.constant 5 : i32
      %get3A_272 = arith.index_cast %get3A_271 : i32 to index
      %get3A_273 = arith.index_cast %mul3A_217 : i32 to index
      %get3A_274 = tpu.vector_load %arg7[%get3A_272, %get3A_273] {strides = array<i32>} : memref<26x512xi32, #tpu.memory_space<vmem>>, vector<16xi32>,
      %add3A_275 = arith.addi %get3A_274, %gather3A_21 : vector<16xi32>
      %mul3A_276 = arith.constant 416 : i32
      %mul3A_277 = arith.muli %scan3A_215, %mul3A_276 : i32
      %add3A_278 = arith.constant 80 : i32
      %add3A_279 = arith.addi %mul3A_277, %add3A_278 : i32
      %swap3A_280 = arith.index_cast %add3A_279 : i32 to index
      %swap3A_281 = tpu.vector_load %arg8[%swap3A_280] {strides = array<i32>} : memref<13312xi32, #tpu.memory_space<vmem>>, vector<16xi32>,
      tpu.vector_store %arg8[%swap3A_280], %add3A_275 {strides = array<i32>} : memref<13312xi32, #tpu.memory_space<vmem>>, vector<16xi32>,
      %get3A_282 = arith.constant 6 : i32
      %get3A_283 = arith.index_cast %get3A_282 : i32 to index
      %get3A_284 = arith.index_cast %mul3A_217 : i32 to index
      %get3A_285 = tpu.vector_load %arg7[%get3A_283, %get3A_284] {strides = array<i32>} : memref<26x512xi32, #tpu.memory_space<vmem>>, vector<16xi32>,
      %add3A_286 = arith.addi %get3A_285, %gather3A_24 : vector<16xi32>
      %mul3A_287 = arith.constant 416 : i32
      %mul3A_288 = arith.muli %scan3A_215, %mul3A_287 : i32
      %add3A_289 = arith.constant 96 : i32
      %add3A_290 = arith.addi %mul3A_288, %add3A_289 : i32
      %swap3A_291 = arith.index_cast %add3A_290 : i32 to index
      %swap3A_292 = tpu.vector_load %arg8[%swap3A_291] {strides = array<i32>} : memref<13312xi32, #tpu.memory_space<vmem>>, vector<16xi32>,
      tpu.vector_store %arg8[%swap3A_291], %add3A_286 {strides = array<i32>} : memref<13312xi32, #tpu.memory_space<vmem>>, vector<16xi32>,
      %get3A_293 = arith.constant 7 : i32
      %get3A_294 = arith.index_cast %get3A_293 : i32 to index
      %get3A_295 = arith.index_cast %mul3A_217 : i32 to index
      %get3A_296 = tpu.vector_load %arg7[%get3A_294, %get3A_295] {strides = array<i32>} : memref<26x512xi32, #tpu.memory_space<vmem>>, vector<16xi32>,
      %add3A_297 = arith.addi %get3A_296, %gather3A_27 : vector<16xi32>
      %mul3A_298 = arith.constant 416 : i32
      %mul3A_299 = arith.muli %scan3A_215, %mul3A_298 : i32
      %add3A_300 = arith.constant 112 : i32
      %add3A_301 = arith.addi %mul3A_299, %add3A_300 : i32
      %swap3A_302 = arith.index_cast %add3A_301 : i32 to index
      %swap3A_303 = tpu.vector_load %arg8[%swap3A_302] {strides = array<i32>} : memref<13312xi32, #tpu.memory_space<vmem>>, vector<16xi32>,
      tpu.vector_store %arg8[%swap3A_302], %add3A_297 {strides = array<i32>} : memref<13312xi32, #tpu.memory_space<vmem>>, vector<16xi32>,
      %get3A_304 = arith.constant 8 : i32
      %get3A_305 = arith.index_cast %get3A_304 : i32 to index
      %get3A_306 = arith.index_cast %mul3A_217 : i32 to index
      %get3A_307 = tpu.vector_load %arg7[%get3A_305, %get3A_306] {strides = array<i32>} : memref<26x512xi32, #tpu.memory_space<vmem>>, vector<16xi32>,
      %add3A_308 = arith.addi %get3A_307, %gather3A_30 : vector<16xi32>
      %mul3A_309 = arith.constant 416 : i32
      %mul3A_310 = arith.muli %scan3A_215, %mul3A_309 : i32
      %add3A_311 = arith.constant 128 : i32
      %add3A_312 = arith.addi %mul3A_310, %add3A_311 : i32
      %swap3A_313 = arith.index_cast %add3A_312 : i32 to index
      %swap3A_314 = tpu.vector_load %arg8[%swap3A_313] {strides = array<i32>} : memref<13312xi32, #tpu.memory_space<vmem>>, vector<16xi32>,
      tpu.vector_store %arg8[%swap3A_313], %add3A_308 {strides = array<i32>} : memref<13312xi32, #tpu.memory_space<vmem>>, vector<16xi32>,
      %get3A_315 = arith.constant 9 : i32
      %get3A_316 = arith.index_cast %get3A_315 : i32 to index
      %get3A_317 = arith.index_cast %mul3A_217 : i32 to index
      %get3A_318 = tpu.vector_load %arg7[%get3A_316, %get3A_317] {strides = array<i32>} : memref<26x512xi32, #tpu.memory_space<vmem>>, vector<16xi32>,
      %add3A_319 = arith.addi %get3A_318, %gather3A_33 : vector<16xi32>
      %mul3A_320 = arith.constant 416 : i32
      %mul3A_321 = arith.muli %scan3A_215, %mul3A_320 : i32
      %add3A_322 = arith.constant 144 : i32
      %add3A_323 = arith.addi %mul3A_321, %add3A_322 : i32
      %swap3A_324 = arith.index_cast %add3A_323 : i32 to index
      %swap3A_325 = tpu.vector_load %arg8[%swap3A_324] {strides = array<i32>} : memref<13312xi32, #tpu.memory_space<vmem>>, vector<16xi32>,
      tpu.vector_store %arg8[%swap3A_324], %add3A_319 {strides = array<i32>} : memref<13312xi32, #tpu.memory_space<vmem>>, vector<16xi32>,
      %get3A_326 = arith.constant 10 : i32
      %get3A_327 = arith.index_cast %get3A_326 : i32 to index
      %get3A_328 = arith.index_cast %mul3A_217 : i32 to index
      %get3A_329 = tpu.vector_load %arg7[%get3A_327, %get3A_328] {strides = array<i32>} : memref<26x512xi32, #tpu.memory_space<vmem>>, vector<16xi32>,
      %add3A_330 = arith.addi %get3A_329, %gather3A_36 : vector<16xi32>
      %mul3A_331 = arith.constant 416 : i32
      %mul3A_332 = arith.muli %scan3A_215, %mul3A_331 : i32
      %add3A_333 = arith.constant 160 : i32
      %add3A_334 = arith.addi %mul3A_332, %add3A_333 : i32
      %swap3A_335 = arith.index_cast %add3A_334 : i32 to index
      %swap3A_336 = tpu.vector_load %arg8[%swap3A_335] {strides = array<i32>} : memref<13312xi32, #tpu.memory_space<vmem>>, vector<16xi32>,
      tpu.vector_store %arg8[%swap3A_335], %add3A_330 {strides = array<i32>} : memref<13312xi32, #tpu.memory_space<vmem>>, vector<16xi32>,
      %get3A_337 = arith.constant 11 : i32
      %get3A_338 = arith.index_cast %get3A_337 : i32 to index
      %get3A_339 = arith.index_cast %mul3A_217 : i32 to index
      %get3A_340 = tpu.vector_load %arg7[%get3A_338, %get3A_339] {strides = array<i32>} : memref<26x512xi32, #tpu.memory_space<vmem>>, vector<16xi32>,
      %add3A_341 = arith.addi %get3A_340, %gather3A_39 : vector<16xi32>
      %mul3A_342 = arith.constant 416 : i32
      %mul3A_343 = arith.muli %scan3A_215, %mul3A_342 : i32
      %add3A_344 = arith.constant 176 : i32
      %add3A_345 = arith.addi %mul3A_343, %add3A_344 : i32
      %swap3A_346 = arith.index_cast %add3A_345 : i32 to index
      %swap3A_347 = tpu.vector_load %arg8[%swap3A_346] {strides = array<i32>} : memref<13312xi32, #tpu.memory_space<vmem>>, vector<16xi32>,
      tpu.vector_store %arg8[%swap3A_346], %add3A_341 {strides = array<i32>} : memref<13312xi32, #tpu.memory_space<vmem>>, vector<16xi32>,
      %get3A_348 = arith.constant 12 : i32
      %get3A_349 = arith.index_cast %get3A_348 : i32 to index
      %get3A_350 = arith.index_cast %mul3A_217 : i32 to index
      %get3A_351 = tpu.vector_load %arg7[%get3A_349, %get3A_350] {strides = array<i32>} : memref<26x512xi32, #tpu.memory_space<vmem>>, vector<16xi32>,
      %add3A_352 = arith.addi %get3A_351, %gather3A_42 : vector<16xi32>
      %mul3A_353 = arith.constant 416 : i32
      %mul3A_354 = arith.muli %scan3A_215, %mul3A_353 : i32
      %add3A_355 = arith.constant 192 : i32
      %add3A_356 = arith.addi %mul3A_354, %add3A_355 : i32
      %swap3A_357 = arith.index_cast %add3A_356 : i32 to index
      %swap3A_358 = tpu.vector_load %arg8[%swap3A_357] {strides = array<i32>} : memref<13312xi32, #tpu.memory_space<vmem>>, vector<16xi32>,
      tpu.vector_store %arg8[%swap3A_357], %add3A_352 {strides = array<i32>} : memref<13312xi32, #tpu.memory_space<vmem>>, vector<16xi32>,
      %get3A_359 = arith.constant 13 : i32
      %get3A_360 = arith.index_cast %get3A_359 : i32 to index
      %get3A_361 = arith.index_cast %mul3A_217 : i32 to index
      %get3A_362 = tpu.vector_load %arg7[%get3A_360, %get3A_361] {strides = array<i32>} : memref<26x512xi32, #tpu.memory_space<vmem>>, vector<16xi32>,
      %add3A_363 = arith.addi %get3A_362, %gather3A_45 : vector<16xi32>
      %mul3A_364 = arith.constant 416 : i32
      %mul3A_365 = arith.muli %scan3A_215, %mul3A_364 : i32
      %add3A_366 = arith.constant 208 : i32
      %add3A_367 = arith.addi %mul3A_365, %add3A_366 : i32
      %swap3A_368 = arith.index_cast %add3A_367 : i32 to index
      %swap3A_369 = tpu.vector_load %arg8[%swap3A_368] {strides = array<i32>} : memref<13312xi32, #tpu.memory_space<vmem>>, vector<16xi32>,
      tpu.vector_store %arg8[%swap3A_368], %add3A_363 {strides = array<i32>} : memref<13312xi32, #tpu.memory_space<vmem>>, vector<16xi32>,
      %get3A_370 = arith.constant 14 : i32
      %get3A_371 = arith.index_cast %get3A_370 : i32 to index
      %get3A_372 = arith.index_cast %mul3A_217 : i32 to index
      %get3A_373 = tpu.vector_load %arg7[%get3A_371, %get3A_372] {strides = array<i32>} : memref<26x512xi32, #tpu.memory_space<vmem>>, vector<16xi32>,
      %add3A_374 = arith.addi %get3A_373, %gather3A_48 : vector<16xi32>
      %mul3A_375 = arith.constant 416 : i32
      %mul3A_376 = arith.muli %scan3A_215, %mul3A_375 : i32
      %add3A_377 = arith.constant 224 : i32
      %add3A_378 = arith.addi %mul3A_376, %add3A_377 : i32
      %swap3A_379 = arith.index_cast %add3A_378 : i32 to index
      %swap3A_380 = tpu.vector_load %arg8[%swap3A_379] {strides = array<i32>} : memref<13312xi32, #tpu.memory_space<vmem>>, vector<16xi32>,
      tpu.vector_store %arg8[%swap3A_379], %add3A_374 {strides = array<i32>} : memref<13312xi32, #tpu.memory_space<vmem>>, vector<16xi32>,
      %get3A_381 = arith.constant 15 : i32
      %get3A_382 = arith.index_cast %get3A_381 : i32 to index
      %get3A_383 = arith.index_cast %mul3A_217 : i32 to index
      %get3A_384 = tpu.vector_load %arg7[%get3A_382, %get3A_383] {strides = array<i32>} : memref<26x512xi32, #tpu.memory_space<vmem>>, vector<16xi32>,
      %add3A_385 = arith.addi %get3A_384, %gather3A_51 : vector<16xi32>
      %mul3A_386 = arith.constant 416 : i32
      %mul3A_387 = arith.muli %scan3A_215, %mul3A_386 : i32
      %add3A_388 = arith.constant 240 : i32
      %add3A_389 = arith.addi %mul3A_387, %add3A_388 : i32
      %swap3A_390 = arith.index_cast %add3A_389 : i32 to index
      %swap3A_391 = tpu.vector_load %arg8[%swap3A_390] {strides = array<i32>} : memref<13312xi32, #tpu.memory_space<vmem>>, vector<16xi32>,
      tpu.vector_store %arg8[%swap3A_390], %add3A_385 {strides = array<i32>} : memref<13312xi32, #tpu.memory_space<vmem>>, vector<16xi32>,
      %get3A_392 = arith.constant 16 : i32
      %get3A_393 = arith.index_cast %get3A_392 : i32 to index
      %get3A_394 = arith.index_cast %mul3A_217 : i32 to index
      %get3A_395 = tpu.vector_load %arg7[%get3A_393, %get3A_394] {strides = array<i32>} : memref<26x512xi32, #tpu.memory_space<vmem>>, vector<16xi32>,
      %add3A_396 = arith.addi %get3A_395, %gather3A_54 : vector<16xi32>
      %mul3A_397 = arith.constant 416 : i32
      %mul3A_398 = arith.muli %scan3A_215, %mul3A_397 : i32
      %add3A_399 = arith.constant 256 : i32
      %add3A_400 = arith.addi %mul3A_398, %add3A_399 : i32
      %swap3A_401 = arith.index_cast %add3A_400 : i32 to index
      %swap3A_402 = tpu.vector_load %arg8[%swap3A_401] {strides = array<i32>} : memref<13312xi32, #tpu.memory_space<vmem>>, vector<16xi32>,
      tpu.vector_store %arg8[%swap3A_401], %add3A_396 {strides = array<i32>} : memref<13312xi32, #tpu.memory_space<vmem>>, vector<16xi32>,
      %get3A_403 = arith.constant 17 : i32
      %get3A_404 = arith.index_cast %get3A_403 : i32 to index
      %get3A_405 = arith.index_cast %mul3A_217 : i32 to index
      %get3A_406 = tpu.vector_load %arg7[%get3A_404, %get3A_405] {strides = array<i32>} : memref<26x512xi32, #tpu.memory_space<vmem>>, vector<16xi32>,
      %add3A_407 = arith.addi %get3A_406, %gather3A_57 : vector<16xi32>
      %mul3A_408 = arith.constant 416 : i32
      %mul3A_409 = arith.muli %scan3A_215, %mul3A_408 : i32
      %add3A_410 = arith.constant 272 : i32
      %add3A_411 = arith.addi %mul3A_409, %add3A_410 : i32
      %swap3A_412 = arith.index_cast %add3A_411 : i32 to index
      %swap3A_413 = tpu.vector_load %arg8[%swap3A_412] {strides = array<i32>} : memref<13312xi32, #tpu.memory_space<vmem>>, vector<16xi32>,
      tpu.vector_store %arg8[%swap3A_412], %add3A_407 {strides = array<i32>} : memref<13312xi32, #tpu.memory_space<vmem>>, vector<16xi32>,
      %get3A_414 = arith.constant 18 : i32
      %get3A_415 = arith.index_cast %get3A_414 : i32 to index
      %get3A_416 = arith.index_cast %mul3A_217 : i32 to index
      %get3A_417 = tpu.vector_load %arg7[%get3A_415, %get3A_416] {strides = array<i32>} : memref<26x512xi32, #tpu.memory_space<vmem>>, vector<16xi32>,
      %add3A_418 = arith.addi %get3A_417, %gather3A_60 : vector<16xi32>
      %mul3A_419 = arith.constant 416 : i32
      %mul3A_420 = arith.muli %scan3A_215, %mul3A_419 : i32
      %add3A_421 = arith.constant 288 : i32
      %add3A_422 = arith.addi %mul3A_420, %add3A_421 : i32
      %swap3A_423 = arith.index_cast %add3A_422 : i32 to index
      %swap3A_424 = tpu.vector_load %arg8[%swap3A_423] {strides = array<i32>} : memref<13312xi32, #tpu.memory_space<vmem>>, vector<16xi32>,
      tpu.vector_store %arg8[%swap3A_423], %add3A_418 {strides = array<i32>} : memref<13312xi32, #tpu.memory_space<vmem>>, vector<16xi32>,
      %get3A_425 = arith.constant 19 : i32
      %get3A_426 = arith.index_cast %get3A_425 : i32 to index
      %get3A_427 = arith.index_cast %mul3A_217 : i32 to index
      %get3A_428 = tpu.vector_load %arg7[%get3A_426, %get3A_427] {strides = array<i32>} : memref<26x512xi32, #tpu.memory_space<vmem>>, vector<16xi32>,
      %add3A_429 = arith.addi %get3A_428, %gather3A_63 : vector<16xi32>
      %mul3A_430 = arith.constant 416 : i32
      %mul3A_431 = arith.muli %scan3A_215, %mul3A_430 : i32
      %add3A_432 = arith.constant 304 : i32
      %add3A_433 = arith.addi %mul3A_431, %add3A_432 : i32
      %swap3A_434 = arith.index_cast %add3A_433 : i32 to index
      %swap3A_435 = tpu.vector_load %arg8[%swap3A_434] {strides = array<i32>} : memref<13312xi32, #tpu.memory_space<vmem>>, vector<16xi32>,
      tpu.vector_store %arg8[%swap3A_434], %add3A_429 {strides = array<i32>} : memref<13312xi32, #tpu.memory_space<vmem>>, vector<16xi32>,
      %get3A_436 = arith.constant 20 : i32
      %get3A_437 = arith.index_cast %get3A_436 : i32 to index
      %get3A_438 = arith.index_cast %mul3A_217 : i32 to index
      %get3A_439 = tpu.vector_load %arg7[%get3A_437, %get3A_438] {strides = array<i32>} : memref<26x512xi32, #tpu.memory_space<vmem>>, vector<16xi32>,
      %add3A_440 = arith.addi %get3A_439, %gather3A_66 : vector<16xi32>
      %mul3A_441 = arith.constant 416 : i32
      %mul3A_442 = arith.muli %scan3A_215, %mul3A_441 : i32
      %add3A_443 = arith.constant 320 : i32
      %add3A_444 = arith.addi %mul3A_442, %add3A_443 : i32
      %swap3A_445 = arith.index_cast %add3A_444 : i32 to index
      %swap3A_446 = tpu.vector_load %arg8[%swap3A_445] {strides = array<i32>} : memref<13312xi32, #tpu.memory_space<vmem>>, vector<16xi32>,
      tpu.vector_store %arg8[%swap3A_445], %add3A_440 {strides = array<i32>} : memref<13312xi32, #tpu.memory_space<vmem>>, vector<16xi32>,
      %get3A_447 = arith.constant 21 : i32
      %get3A_448 = arith.index_cast %get3A_447 : i32 to index
      %get3A_449 = arith.index_cast %mul3A_217 : i32 to index
      %get3A_450 = tpu.vector_load %arg7[%get3A_448, %get3A_449] {strides = array<i32>} : memref<26x512xi32, #tpu.memory_space<vmem>>, vector<16xi32>,
      %add3A_451 = arith.addi %get3A_450, %gather3A_69 : vector<16xi32>
      %mul3A_452 = arith.constant 416 : i32
      %mul3A_453 = arith.muli %scan3A_215, %mul3A_452 : i32
      %add3A_454 = arith.constant 336 : i32
      %add3A_455 = arith.addi %mul3A_453, %add3A_454 : i32
      %swap3A_456 = arith.index_cast %add3A_455 : i32 to index
      %swap3A_457 = tpu.vector_load %arg8[%swap3A_456] {strides = array<i32>} : memref<13312xi32, #tpu.memory_space<vmem>>, vector<16xi32>,
      tpu.vector_store %arg8[%swap3A_456], %add3A_451 {strides = array<i32>} : memref<13312xi32, #tpu.memory_space<vmem>>, vector<16xi32>,
      %get3A_458 = arith.constant 22 : i32
      %get3A_459 = arith.index_cast %get3A_458 : i32 to index
      %get3A_460 = arith.index_cast %mul3A_217 : i32 to index
      %get3A_461 = tpu.vector_load %arg7[%get3A_459, %get3A_460] {strides = array<i32>} : memref<26x512xi32, #tpu.memory_space<vmem>>, vector<16xi32>,
      %add3A_462 = arith.addi %get3A_461, %gather3A_72 : vector<16xi32>
      %mul3A_463 = arith.constant 416 : i32
      %mul3A_464 = arith.muli %scan3A_215, %mul3A_463 : i32
      %add3A_465 = arith.constant 352 : i32
      %add3A_466 = arith.addi %mul3A_464, %add3A_465 : i32
      %swap3A_467 = arith.index_cast %add3A_466 : i32 to index
      %swap3A_468 = tpu.vector_load %arg8[%swap3A_467] {strides = array<i32>} : memref<13312xi32, #tpu.memory_space<vmem>>, vector<16xi32>,
      tpu.vector_store %arg8[%swap3A_467], %add3A_462 {strides = array<i32>} : memref<13312xi32, #tpu.memory_space<vmem>>, vector<16xi32>,
      %get3A_469 = arith.constant 23 : i32
      %get3A_470 = arith.index_cast %get3A_469 : i32 to index
      %get3A_471 = arith.index_cast %mul3A_217 : i32 to index
      %get3A_472 = tpu.vector_load %arg7[%get3A_470, %get3A_471] {strides = array<i32>} : memref<26x512xi32, #tpu.memory_space<vmem>>, vector<16xi32>,
      %add3A_473 = arith.addi %get3A_472, %gather3A_75 : vector<16xi32>
      %mul3A_474 = arith.constant 416 : i32
      %mul3A_475 = arith.muli %scan3A_215, %mul3A_474 : i32
      %add3A_476 = arith.constant 368 : i32
      %add3A_477 = arith.addi %mul3A_475, %add3A_476 : i32
      %swap3A_478 = arith.index_cast %add3A_477 : i32 to index
      %swap3A_479 = tpu.vector_load %arg8[%swap3A_478] {strides = array<i32>} : memref<13312xi32, #tpu.memory_space<vmem>>, vector<16xi32>,
      tpu.vector_store %arg8[%swap3A_478], %add3A_473 {strides = array<i32>} : memref<13312xi32, #tpu.memory_space<vmem>>, vector<16xi32>,
      %get3A_480 = arith.constant 24 : i32
      %get3A_481 = arith.index_cast %get3A_480 : i32 to index
      %get3A_482 = arith.index_cast %mul3A_217 : i32 to index
      %get3A_483 = tpu.vector_load %arg7[%get3A_481, %get3A_482] {strides = array<i32>} : memref<26x512xi32, #tpu.memory_space<vmem>>, vector<16xi32>,
      %add3A_484 = arith.addi %get3A_483, %gather3A_78 : vector<16xi32>
      %mul3A_485 = arith.constant 416 : i32
      %mul3A_486 = arith.muli %scan3A_215, %mul3A_485 : i32
      %add3A_487 = arith.constant 384 : i32
      %add3A_488 = arith.addi %mul3A_486, %add3A_487 : i32
      %swap3A_489 = arith.index_cast %add3A_488 : i32 to index
      %swap3A_490 = tpu.vector_load %arg8[%swap3A_489] {strides = array<i32>} : memref<13312xi32, #tpu.memory_space<vmem>>, vector<16xi32>,
      tpu.vector_store %arg8[%swap3A_489], %add3A_484 {strides = array<i32>} : memref<13312xi32, #tpu.memory_space<vmem>>, vector<16xi32>,
      %get3A_491 = arith.constant 25 : i32
      %get3A_492 = arith.index_cast %get3A_491 : i32 to index
      %get3A_493 = arith.index_cast %mul3A_217 : i32 to index
      %get3A_494 = tpu.vector_load %arg7[%get3A_492, %get3A_493] {strides = array<i32>} : memref<26x512xi32, #tpu.memory_space<vmem>>, vector<16xi32>,
      %add3A_495 = arith.addi %get3A_494, %gather3A_81 : vector<16xi32>
      %mul3A_496 = arith.constant 416 : i32
      %mul3A_497 = arith.muli %scan3A_215, %mul3A_496 : i32
      %add3A_498 = arith.constant 400 : i32
      %add3A_499 = arith.addi %mul3A_497, %add3A_498 : i32
      %swap3A_500 = arith.index_cast %add3A_499 : i32 to index
      %swap3A_501 = tpu.vector_load %arg8[%swap3A_500] {strides = array<i32>} : memref<13312xi32, #tpu.memory_space<vmem>>, vector<16xi32>,
      tpu.vector_store %arg8[%swap3A_500], %add3A_495 {strides = array<i32>} : memref<13312xi32, #tpu.memory_space<vmem>>, vector<16xi32>,
    }
    %scan3A_121 = arith.constant 8 : i32
    %dma_start3A_122 = arith.constant 0 : i32
    %dma_start3A_123 = arith.constant 6656 : i32
    %dma_start3A_124 = tpu.memref_slice %arg9[%dma_start3A_123] : memref<13312xf32, #tpu.memory_space<vmem>> -> memref<3328xf32, #tpu.memory_space<vmem>>
    %dma_start3A_125 = arith.constant 6656 : i32
    %dma_start3A_126 = tpu.memref_slice %arg8[%dma_start3A_125] : memref<13312xi32, #tpu.memory_space<vmem>> -> memref<3328xi32, #tpu.memory_space<vmem>>
    %dma_start3A_127 = arith.constant 0 : i32
    %dma_start3A_128 = tpu.memref_slice %arg4[%dma_start3A_122, %dma_start3A_127] : memref<1x2600000xf32, #tpu.memory_space<hbm>> -> memref<1x2600000xf32, #tpu.memory_space<hbm>>
    %dma_start3A_129 = tpu.memref_squeeze %dma_start3A_128 : memref<1x2600000xf32, #tpu.memory_space<hbm>> -> memref<2600000xf32, #tpu.memory_space<hbm>>
    %dma_start3A_130 = arith.constant 0 : i32
    %dma_start3A_131 = tpu.memref_slice %dma_start3A_129[%dma_start3A_130] : memref<2600000xf32, #tpu.memory_space<hbm>> -> memref<2600000xf32, #tpu.memory_space<hbm>>
    tpu.enqueue_indirect_dma source(%dma_start3A_131 : memref<2600000xf32, #tpu.memory_space<hbm>>) target(%dma_start3A_124 : memref<3328xf32, #tpu.memory_space<vmem>>) offsets(%dma_start3A_126 : memref<3328xi32, #tpu.memory_space<vmem>>) semaphore(%arg16 : memref<!tpu.dma_semaphore, #tpu.memory_space<semaphore_mem>>)
    %scan3A_132 = arith.constant 0 : i32
    %scan3A_133 = arith.constant 24 : i32
    %scan3A_134 = arith.constant 8 : i32
    %scan3A_135 = arith.addi %scan3A_133, %scan3A_134 : i32
    %scan3A_136 = arith.constant 1 : i32
    scf.for %scan3A_215 = %scan3A_133 to %scan3A_135 step %scan3A_136  : i32 {
      %mul3A_216 = arith.constant 16 : i32
      %mul3A_217 = arith.muli %scan3A_215, %mul3A_216 : i32
      %get3A = arith.constant 0 : i32
      %get3A_218 = arith.index_cast %get3A : i32 to index
      %get3A_219 = arith.index_cast %mul3A_217 : i32 to index
      %get3A_220 = tpu.vector_load %arg7[%get3A_218, %get3A_219] {strides = array<i32>} : memref<26x512xi32, #tpu.memory_space<vmem>>, vector<16xi32>,
      %add3A_221 = arith.addi %get3A_220, %gather3A : vector<16xi32>
      %mul3A_222 = arith.constant 416 : i32
      %mul3A_223 = arith.muli %scan3A_215, %mul3A_222 : i32
      %add3A_224 = arith.constant 0 : i32
      %add3A_225 = arith.addi %mul3A_223, %add3A_224 : i32
      %swap3A = arith.index_cast %add3A_225 : i32 to index
      %swap3A_226 = tpu.vector_load %arg8[%swap3A] {strides = array<i32>} : memref<13312xi32, #tpu.memory_space<vmem>>, vector<16xi32>,
      tpu.vector_store %arg8[%swap3A], %add3A_221 {strides = array<i32>} : memref<13312xi32, #tpu.memory_space<vmem>>, vector<16xi32>,
      %get3A_227 = arith.constant 1 : i32
      %get3A_228 = arith.index_cast %get3A_227 : i32 to index
      %get3A_229 = arith.index_cast %mul3A_217 : i32 to index
      %get3A_230 = tpu.vector_load %arg7[%get3A_228, %get3A_229] {strides = array<i32>} : memref<26x512xi32, #tpu.memory_space<vmem>>, vector<16xi32>,
      %add3A_231 = arith.addi %get3A_230, %gather3A_9 : vector<16xi32>
      %mul3A_232 = arith.constant 416 : i32
      %mul3A_233 = arith.muli %scan3A_215, %mul3A_232 : i32
      %add3A_234 = arith.constant 16 : i32
      %add3A_235 = arith.addi %mul3A_233, %add3A_234 : i32
      %swap3A_236 = arith.index_cast %add3A_235 : i32 to index
      %swap3A_237 = tpu.vector_load %arg8[%swap3A_236] {strides = array<i32>} : memref<13312xi32, #tpu.memory_space<vmem>>, vector<16xi32>,
      tpu.vector_store %arg8[%swap3A_236], %add3A_231 {strides = array<i32>} : memref<13312xi32, #tpu.memory_space<vmem>>, vector<16xi32>,
      %get3A_238 = arith.constant 2 : i32
      %get3A_239 = arith.index_cast %get3A_238 : i32 to index
      %get3A_240 = arith.index_cast %mul3A_217 : i32 to index
      %get3A_241 = tpu.vector_load %arg7[%get3A_239, %get3A_240] {strides = array<i32>} : memref<26x512xi32, #tpu.memory_space<vmem>>, vector<16xi32>,
      %add3A_242 = arith.addi %get3A_241, %gather3A_12 : vector<16xi32>
      %mul3A_243 = arith.constant 416 : i32
      %mul3A_244 = arith.muli %scan3A_215, %mul3A_243 : i32
      %add3A_245 = arith.constant 32 : i32
      %add3A_246 = arith.addi %mul3A_244, %add3A_245 : i32
      %swap3A_247 = arith.index_cast %add3A_246 : i32 to index
      %swap3A_248 = tpu.vector_load %arg8[%swap3A_247] {strides = array<i32>} : memref<13312xi32, #tpu.memory_space<vmem>>, vector<16xi32>,
      tpu.vector_store %arg8[%swap3A_247], %add3A_242 {strides = array<i32>} : memref<13312xi32, #tpu.memory_space<vmem>>, vector<16xi32>,
      %get3A_249 = arith.constant 3 : i32
      %get3A_250 = arith.index_cast %get3A_249 : i32 to index
      %get3A_251 = arith.index_cast %mul3A_217 : i32 to index
      %get3A_252 = tpu.vector_load %arg7[%get3A_250, %get3A_251] {strides = array<i32>} : memref<26x512xi32, #tpu.memory_space<vmem>>, vector<16xi32>,
      %add3A_253 = arith.addi %get3A_252, %gather3A_15 : vector<16xi32>
      %mul3A_254 = arith.constant 416 : i32
      %mul3A_255 = arith.muli %scan3A_215, %mul3A_254 : i32
      %add3A_256 = arith.constant 48 : i32
      %add3A_257 = arith.addi %mul3A_255, %add3A_256 : i32
      %swap3A_258 = arith.index_cast %add3A_257 : i32 to index
      %swap3A_259 = tpu.vector_load %arg8[%swap3A_258] {strides = array<i32>} : memref<13312xi32, #tpu.memory_space<vmem>>, vector<16xi32>,
      tpu.vector_store %arg8[%swap3A_258], %add3A_253 {strides = array<i32>} : memref<13312xi32, #tpu.memory_space<vmem>>, vector<16xi32>,
      %get3A_260 = arith.constant 4 : i32
      %get3A_261 = arith.index_cast %get3A_260 : i32 to index
      %get3A_262 = arith.index_cast %mul3A_217 : i32 to index
      %get3A_263 = tpu.vector_load %arg7[%get3A_261, %get3A_262] {strides = array<i32>} : memref<26x512xi32, #tpu.memory_space<vmem>>, vector<16xi32>,
      %add3A_264 = arith.addi %get3A_263, %gather3A_18 : vector<16xi32>
      %mul3A_265 = arith.constant 416 : i32
      %mul3A_266 = arith.muli %scan3A_215, %mul3A_265 : i32
      %add3A_267 = arith.constant 64 : i32
      %add3A_268 = arith.addi %mul3A_266, %add3A_267 : i32
      %swap3A_269 = arith.index_cast %add3A_268 : i32 to index
      %swap3A_270 = tpu.vector_load %arg8[%swap3A_269] {strides = array<i32>} : memref<13312xi32, #tpu.memory_space<vmem>>, vector<16xi32>,
      tpu.vector_store %arg8[%swap3A_269], %add3A_264 {strides = array<i32>} : memref<13312xi32, #tpu.memory_space<vmem>>, vector<16xi32>,
      %get3A_271 = arith.constant 5 : i32
      %get3A_272 = arith.index_cast %get3A_271 : i32 to index
      %get3A_273 = arith.index_cast %mul3A_217 : i32 to index
      %get3A_274 = tpu.vector_load %arg7[%get3A_272, %get3A_273] {strides = array<i32>} : memref<26x512xi32, #tpu.memory_space<vmem>>, vector<16xi32>,
      %add3A_275 = arith.addi %get3A_274, %gather3A_21 : vector<16xi32>
      %mul3A_276 = arith.constant 416 : i32
      %mul3A_277 = arith.muli %scan3A_215, %mul3A_276 : i32
      %add3A_278 = arith.constant 80 : i32
      %add3A_279 = arith.addi %mul3A_277, %add3A_278 : i32
      %swap3A_280 = arith.index_cast %add3A_279 : i32 to index
      %swap3A_281 = tpu.vector_load %arg8[%swap3A_280] {strides = array<i32>} : memref<13312xi32, #tpu.memory_space<vmem>>, vector<16xi32>,
      tpu.vector_store %arg8[%swap3A_280], %add3A_275 {strides = array<i32>} : memref<13312xi32, #tpu.memory_space<vmem>>, vector<16xi32>,
      %get3A_282 = arith.constant 6 : i32
      %get3A_283 = arith.index_cast %get3A_282 : i32 to index
      %get3A_284 = arith.index_cast %mul3A_217 : i32 to index
      %get3A_285 = tpu.vector_load %arg7[%get3A_283, %get3A_284] {strides = array<i32>} : memref<26x512xi32, #tpu.memory_space<vmem>>, vector<16xi32>,
      %add3A_286 = arith.addi %get3A_285, %gather3A_24 : vector<16xi32>
      %mul3A_287 = arith.constant 416 : i32
      %mul3A_288 = arith.muli %scan3A_215, %mul3A_287 : i32
      %add3A_289 = arith.constant 96 : i32
      %add3A_290 = arith.addi %mul3A_288, %add3A_289 : i32
      %swap3A_291 = arith.index_cast %add3A_290 : i32 to index
      %swap3A_292 = tpu.vector_load %arg8[%swap3A_291] {strides = array<i32>} : memref<13312xi32, #tpu.memory_space<vmem>>, vector<16xi32>,
      tpu.vector_store %arg8[%swap3A_291], %add3A_286 {strides = array<i32>} : memref<13312xi32, #tpu.memory_space<vmem>>, vector<16xi32>,
      %get3A_293 = arith.constant 7 : i32
      %get3A_294 = arith.index_cast %get3A_293 : i32 to index
      %get3A_295 = arith.index_cast %mul3A_217 : i32 to index
      %get3A_296 = tpu.vector_load %arg7[%get3A_294, %get3A_295] {strides = array<i32>} : memref<26x512xi32, #tpu.memory_space<vmem>>, vector<16xi32>,
      %add3A_297 = arith.addi %get3A_296, %gather3A_27 : vector<16xi32>
      %mul3A_298 = arith.constant 416 : i32
      %mul3A_299 = arith.muli %scan3A_215, %mul3A_298 : i32
      %add3A_300 = arith.constant 112 : i32
      %add3A_301 = arith.addi %mul3A_299, %add3A_300 : i32
      %swap3A_302 = arith.index_cast %add3A_301 : i32 to index
      %swap3A_303 = tpu.vector_load %arg8[%swap3A_302] {strides = array<i32>} : memref<13312xi32, #tpu.memory_space<vmem>>, vector<16xi32>,
      tpu.vector_store %arg8[%swap3A_302], %add3A_297 {strides = array<i32>} : memref<13312xi32, #tpu.memory_space<vmem>>, vector<16xi32>,
      %get3A_304 = arith.constant 8 : i32
      %get3A_305 = arith.index_cast %get3A_304 : i32 to index
      %get3A_306 = arith.index_cast %mul3A_217 : i32 to index
      %get3A_307 = tpu.vector_load %arg7[%get3A_305, %get3A_306] {strides = array<i32>} : memref<26x512xi32, #tpu.memory_space<vmem>>, vector<16xi32>,
      %add3A_308 = arith.addi %get3A_307, %gather3A_30 : vector<16xi32>
      %mul3A_309 = arith.constant 416 : i32
      %mul3A_310 = arith.muli %scan3A_215, %mul3A_309 : i32
      %add3A_311 = arith.constant 128 : i32
      %add3A_312 = arith.addi %mul3A_310, %add3A_311 : i32
      %swap3A_313 = arith.index_cast %add3A_312 : i32 to index
      %swap3A_314 = tpu.vector_load %arg8[%swap3A_313] {strides = array<i32>} : memref<13312xi32, #tpu.memory_space<vmem>>, vector<16xi32>,
      tpu.vector_store %arg8[%swap3A_313], %add3A_308 {strides = array<i32>} : memref<13312xi32, #tpu.memory_space<vmem>>, vector<16xi32>,
      %get3A_315 = arith.constant 9 : i32
      %get3A_316 = arith.index_cast %get3A_315 : i32 to index
      %get3A_317 = arith.index_cast %mul3A_217 : i32 to index
      %get3A_318 = tpu.vector_load %arg7[%get3A_316, %get3A_317] {strides = array<i32>} : memref<26x512xi32, #tpu.memory_space<vmem>>, vector<16xi32>,
      %add3A_319 = arith.addi %get3A_318, %gather3A_33 : vector<16xi32>
      %mul3A_320 = arith.constant 416 : i32
      %mul3A_321 = arith.muli %scan3A_215, %mul3A_320 : i32
      %add3A_322 = arith.constant 144 : i32
      %add3A_323 = arith.addi %mul3A_321, %add3A_322 : i32
      %swap3A_324 = arith.index_cast %add3A_323 : i32 to index
      %swap3A_325 = tpu.vector_load %arg8[%swap3A_324] {strides = array<i32>} : memref<13312xi32, #tpu.memory_space<vmem>>, vector<16xi32>,
      tpu.vector_store %arg8[%swap3A_324], %add3A_319 {strides = array<i32>} : memref<13312xi32, #tpu.memory_space<vmem>>, vector<16xi32>,
      %get3A_326 = arith.constant 10 : i32
      %get3A_327 = arith.index_cast %get3A_326 : i32 to index
      %get3A_328 = arith.index_cast %mul3A_217 : i32 to index
      %get3A_329 = tpu.vector_load %arg7[%get3A_327, %get3A_328] {strides = array<i32>} : memref<26x512xi32, #tpu.memory_space<vmem>>, vector<16xi32>,
      %add3A_330 = arith.addi %get3A_329, %gather3A_36 : vector<16xi32>
      %mul3A_331 = arith.constant 416 : i32
      %mul3A_332 = arith.muli %scan3A_215, %mul3A_331 : i32
      %add3A_333 = arith.constant 160 : i32
      %add3A_334 = arith.addi %mul3A_332, %add3A_333 : i32
      %swap3A_335 = arith.index_cast %add3A_334 : i32 to index
      %swap3A_336 = tpu.vector_load %arg8[%swap3A_335] {strides = array<i32>} : memref<13312xi32, #tpu.memory_space<vmem>>, vector<16xi32>,
      tpu.vector_store %arg8[%swap3A_335], %add3A_330 {strides = array<i32>} : memref<13312xi32, #tpu.memory_space<vmem>>, vector<16xi32>,
      %get3A_337 = arith.constant 11 : i32
      %get3A_338 = arith.index_cast %get3A_337 : i32 to index
      %get3A_339 = arith.index_cast %mul3A_217 : i32 to index
      %get3A_340 = tpu.vector_load %arg7[%get3A_338, %get3A_339] {strides = array<i32>} : memref<26x512xi32, #tpu.memory_space<vmem>>, vector<16xi32>,
      %add3A_341 = arith.addi %get3A_340, %gather3A_39 : vector<16xi32>
      %mul3A_342 = arith.constant 416 : i32
      %mul3A_343 = arith.muli %scan3A_215, %mul3A_342 : i32
      %add3A_344 = arith.constant 176 : i32
      %add3A_345 = arith.addi %mul3A_343, %add3A_344 : i32
      %swap3A_346 = arith.index_cast %add3A_345 : i32 to index
      %swap3A_347 = tpu.vector_load %arg8[%swap3A_346] {strides = array<i32>} : memref<13312xi32, #tpu.memory_space<vmem>>, vector<16xi32>,
      tpu.vector_store %arg8[%swap3A_346], %add3A_341 {strides = array<i32>} : memref<13312xi32, #tpu.memory_space<vmem>>, vector<16xi32>,
      %get3A_348 = arith.constant 12 : i32
      %get3A_349 = arith.index_cast %get3A_348 : i32 to index
      %get3A_350 = arith.index_cast %mul3A_217 : i32 to index
      %get3A_351 = tpu.vector_load %arg7[%get3A_349, %get3A_350] {strides = array<i32>} : memref<26x512xi32, #tpu.memory_space<vmem>>, vector<16xi32>,
      %add3A_352 = arith.addi %get3A_351, %gather3A_42 : vector<16xi32>
      %mul3A_353 = arith.constant 416 : i32
      %mul3A_354 = arith.muli %scan3A_215, %mul3A_353 : i32
      %add3A_355 = arith.constant 192 : i32
      %add3A_356 = arith.addi %mul3A_354, %add3A_355 : i32
      %swap3A_357 = arith.index_cast %add3A_356 : i32 to index
      %swap3A_358 = tpu.vector_load %arg8[%swap3A_357] {strides = array<i32>} : memref<13312xi32, #tpu.memory_space<vmem>>, vector<16xi32>,
      tpu.vector_store %arg8[%swap3A_357], %add3A_352 {strides = array<i32>} : memref<13312xi32, #tpu.memory_space<vmem>>, vector<16xi32>,
      %get3A_359 = arith.constant 13 : i32
      %get3A_360 = arith.index_cast %get3A_359 : i32 to index
      %get3A_361 = arith.index_cast %mul3A_217 : i32 to index
      %get3A_362 = tpu.vector_load %arg7[%get3A_360, %get3A_361] {strides = array<i32>} : memref<26x512xi32, #tpu.memory_space<vmem>>, vector<16xi32>,
      %add3A_363 = arith.addi %get3A_362, %gather3A_45 : vector<16xi32>
      %mul3A_364 = arith.constant 416 : i32
      %mul3A_365 = arith.muli %scan3A_215, %mul3A_364 : i32
      %add3A_366 = arith.constant 208 : i32
      %add3A_367 = arith.addi %mul3A_365, %add3A_366 : i32
      %swap3A_368 = arith.index_cast %add3A_367 : i32 to index
      %swap3A_369 = tpu.vector_load %arg8[%swap3A_368] {strides = array<i32>} : memref<13312xi32, #tpu.memory_space<vmem>>, vector<16xi32>,
      tpu.vector_store %arg8[%swap3A_368], %add3A_363 {strides = array<i32>} : memref<13312xi32, #tpu.memory_space<vmem>>, vector<16xi32>,
      %get3A_370 = arith.constant 14 : i32
      %get3A_371 = arith.index_cast %get3A_370 : i32 to index
      %get3A_372 = arith.index_cast %mul3A_217 : i32 to index
      %get3A_373 = tpu.vector_load %arg7[%get3A_371, %get3A_372] {strides = array<i32>} : memref<26x512xi32, #tpu.memory_space<vmem>>, vector<16xi32>,
      %add3A_374 = arith.addi %get3A_373, %gather3A_48 : vector<16xi32>
      %mul3A_375 = arith.constant 416 : i32
      %mul3A_376 = arith.muli %scan3A_215, %mul3A_375 : i32
      %add3A_377 = arith.constant 224 : i32
      %add3A_378 = arith.addi %mul3A_376, %add3A_377 : i32
      %swap3A_379 = arith.index_cast %add3A_378 : i32 to index
      %swap3A_380 = tpu.vector_load %arg8[%swap3A_379] {strides = array<i32>} : memref<13312xi32, #tpu.memory_space<vmem>>, vector<16xi32>,
      tpu.vector_store %arg8[%swap3A_379], %add3A_374 {strides = array<i32>} : memref<13312xi32, #tpu.memory_space<vmem>>, vector<16xi32>,
      %get3A_381 = arith.constant 15 : i32
      %get3A_382 = arith.index_cast %get3A_381 : i32 to index
      %get3A_383 = arith.index_cast %mul3A_217 : i32 to index
      %get3A_384 = tpu.vector_load %arg7[%get3A_382, %get3A_383] {strides = array<i32>} : memref<26x512xi32, #tpu.memory_space<vmem>>, vector<16xi32>,
      %add3A_385 = arith.addi %get3A_384, %gather3A_51 : vector<16xi32>
      %mul3A_386 = arith.constant 416 : i32
      %mul3A_387 = arith.muli %scan3A_215, %mul3A_386 : i32
      %add3A_388 = arith.constant 240 : i32
      %add3A_389 = arith.addi %mul3A_387, %add3A_388 : i32
      %swap3A_390 = arith.index_cast %add3A_389 : i32 to index
      %swap3A_391 = tpu.vector_load %arg8[%swap3A_390] {strides = array<i32>} : memref<13312xi32, #tpu.memory_space<vmem>>, vector<16xi32>,
      tpu.vector_store %arg8[%swap3A_390], %add3A_385 {strides = array<i32>} : memref<13312xi32, #tpu.memory_space<vmem>>, vector<16xi32>,
      %get3A_392 = arith.constant 16 : i32
      %get3A_393 = arith.index_cast %get3A_392 : i32 to index
      %get3A_394 = arith.index_cast %mul3A_217 : i32 to index
      %get3A_395 = tpu.vector_load %arg7[%get3A_393, %get3A_394] {strides = array<i32>} : memref<26x512xi32, #tpu.memory_space<vmem>>, vector<16xi32>,
      %add3A_396 = arith.addi %get3A_395, %gather3A_54 : vector<16xi32>
      %mul3A_397 = arith.constant 416 : i32
      %mul3A_398 = arith.muli %scan3A_215, %mul3A_397 : i32
      %add3A_399 = arith.constant 256 : i32
      %add3A_400 = arith.addi %mul3A_398, %add3A_399 : i32
      %swap3A_401 = arith.index_cast %add3A_400 : i32 to index
      %swap3A_402 = tpu.vector_load %arg8[%swap3A_401] {strides = array<i32>} : memref<13312xi32, #tpu.memory_space<vmem>>, vector<16xi32>,
      tpu.vector_store %arg8[%swap3A_401], %add3A_396 {strides = array<i32>} : memref<13312xi32, #tpu.memory_space<vmem>>, vector<16xi32>,
      %get3A_403 = arith.constant 17 : i32
      %get3A_404 = arith.index_cast %get3A_403 : i32 to index
      %get3A_405 = arith.index_cast %mul3A_217 : i32 to index
      %get3A_406 = tpu.vector_load %arg7[%get3A_404, %get3A_405] {strides = array<i32>} : memref<26x512xi32, #tpu.memory_space<vmem>>, vector<16xi32>,
      %add3A_407 = arith.addi %get3A_406, %gather3A_57 : vector<16xi32>
      %mul3A_408 = arith.constant 416 : i32
      %mul3A_409 = arith.muli %scan3A_215, %mul3A_408 : i32
      %add3A_410 = arith.constant 272 : i32
      %add3A_411 = arith.addi %mul3A_409, %add3A_410 : i32
      %swap3A_412 = arith.index_cast %add3A_411 : i32 to index
      %swap3A_413 = tpu.vector_load %arg8[%swap3A_412] {strides = array<i32>} : memref<13312xi32, #tpu.memory_space<vmem>>, vector<16xi32>,
      tpu.vector_store %arg8[%swap3A_412], %add3A_407 {strides = array<i32>} : memref<13312xi32, #tpu.memory_space<vmem>>, vector<16xi32>,
      %get3A_414 = arith.constant 18 : i32
      %get3A_415 = arith.index_cast %get3A_414 : i32 to index
      %get3A_416 = arith.index_cast %mul3A_217 : i32 to index
      %get3A_417 = tpu.vector_load %arg7[%get3A_415, %get3A_416] {strides = array<i32>} : memref<26x512xi32, #tpu.memory_space<vmem>>, vector<16xi32>,
      %add3A_418 = arith.addi %get3A_417, %gather3A_60 : vector<16xi32>
      %mul3A_419 = arith.constant 416 : i32
      %mul3A_420 = arith.muli %scan3A_215, %mul3A_419 : i32
      %add3A_421 = arith.constant 288 : i32
      %add3A_422 = arith.addi %mul3A_420, %add3A_421 : i32
      %swap3A_423 = arith.index_cast %add3A_422 : i32 to index
      %swap3A_424 = tpu.vector_load %arg8[%swap3A_423] {strides = array<i32>} : memref<13312xi32, #tpu.memory_space<vmem>>, vector<16xi32>,
      tpu.vector_store %arg8[%swap3A_423], %add3A_418 {strides = array<i32>} : memref<13312xi32, #tpu.memory_space<vmem>>, vector<16xi32>,
      %get3A_425 = arith.constant 19 : i32
      %get3A_426 = arith.index_cast %get3A_425 : i32 to index
      %get3A_427 = arith.index_cast %mul3A_217 : i32 to index
      %get3A_428 = tpu.vector_load %arg7[%get3A_426, %get3A_427] {strides = array<i32>} : memref<26x512xi32, #tpu.memory_space<vmem>>, vector<16xi32>,
      %add3A_429 = arith.addi %get3A_428, %gather3A_63 : vector<16xi32>
      %mul3A_430 = arith.constant 416 : i32
      %mul3A_431 = arith.muli %scan3A_215, %mul3A_430 : i32
      %add3A_432 = arith.constant 304 : i32
      %add3A_433 = arith.addi %mul3A_431, %add3A_432 : i32
      %swap3A_434 = arith.index_cast %add3A_433 : i32 to index
      %swap3A_435 = tpu.vector_load %arg8[%swap3A_434] {strides = array<i32>} : memref<13312xi32, #tpu.memory_space<vmem>>, vector<16xi32>,
      tpu.vector_store %arg8[%swap3A_434], %add3A_429 {strides = array<i32>} : memref<13312xi32, #tpu.memory_space<vmem>>, vector<16xi32>,
      %get3A_436 = arith.constant 20 : i32
      %get3A_437 = arith.index_cast %get3A_436 : i32 to index
      %get3A_438 = arith.index_cast %mul3A_217 : i32 to index
      %get3A_439 = tpu.vector_load %arg7[%get3A_437, %get3A_438] {strides = array<i32>} : memref<26x512xi32, #tpu.memory_space<vmem>>, vector<16xi32>,
      %add3A_440 = arith.addi %get3A_439, %gather3A_66 : vector<16xi32>
      %mul3A_441 = arith.constant 416 : i32
      %mul3A_442 = arith.muli %scan3A_215, %mul3A_441 : i32
      %add3A_443 = arith.constant 320 : i32
      %add3A_444 = arith.addi %mul3A_442, %add3A_443 : i32
      %swap3A_445 = arith.index_cast %add3A_444 : i32 to index
      %swap3A_446 = tpu.vector_load %arg8[%swap3A_445] {strides = array<i32>} : memref<13312xi32, #tpu.memory_space<vmem>>, vector<16xi32>,
      tpu.vector_store %arg8[%swap3A_445], %add3A_440 {strides = array<i32>} : memref<13312xi32, #tpu.memory_space<vmem>>, vector<16xi32>,
      %get3A_447 = arith.constant 21 : i32
      %get3A_448 = arith.index_cast %get3A_447 : i32 to index
      %get3A_449 = arith.index_cast %mul3A_217 : i32 to index
      %get3A_450 = tpu.vector_load %arg7[%get3A_448, %get3A_449] {strides = array<i32>} : memref<26x512xi32, #tpu.memory_space<vmem>>, vector<16xi32>,
      %add3A_451 = arith.addi %get3A_450, %gather3A_69 : vector<16xi32>
      %mul3A_452 = arith.constant 416 : i32
      %mul3A_453 = arith.muli %scan3A_215, %mul3A_452 : i32
      %add3A_454 = arith.constant 336 : i32
      %add3A_455 = arith.addi %mul3A_453, %add3A_454 : i32
      %swap3A_456 = arith.index_cast %add3A_455 : i32 to index
      %swap3A_457 = tpu.vector_load %arg8[%swap3A_456] {strides = array<i32>} : memref<13312xi32, #tpu.memory_space<vmem>>, vector<16xi32>,
      tpu.vector_store %arg8[%swap3A_456], %add3A_451 {strides = array<i32>} : memref<13312xi32, #tpu.memory_space<vmem>>, vector<16xi32>,
      %get3A_458 = arith.constant 22 : i32
      %get3A_459 = arith.index_cast %get3A_458 : i32 to index
      %get3A_460 = arith.index_cast %mul3A_217 : i32 to index
      %get3A_461 = tpu.vector_load %arg7[%get3A_459, %get3A_460] {strides = array<i32>} : memref<26x512xi32, #tpu.memory_space<vmem>>, vector<16xi32>,
      %add3A_462 = arith.addi %get3A_461, %gather3A_72 : vector<16xi32>
      %mul3A_463 = arith.constant 416 : i32
      %mul3A_464 = arith.muli %scan3A_215, %mul3A_463 : i32
      %add3A_465 = arith.constant 352 : i32
      %add3A_466 = arith.addi %mul3A_464, %add3A_465 : i32
      %swap3A_467 = arith.index_cast %add3A_466 : i32 to index
      %swap3A_468 = tpu.vector_load %arg8[%swap3A_467] {strides = array<i32>} : memref<13312xi32, #tpu.memory_space<vmem>>, vector<16xi32>,
      tpu.vector_store %arg8[%swap3A_467], %add3A_462 {strides = array<i32>} : memref<13312xi32, #tpu.memory_space<vmem>>, vector<16xi32>,
      %get3A_469 = arith.constant 23 : i32
      %get3A_470 = arith.index_cast %get3A_469 : i32 to index
      %get3A_471 = arith.index_cast %mul3A_217 : i32 to index
      %get3A_472 = tpu.vector_load %arg7[%get3A_470, %get3A_471] {strides = array<i32>} : memref<26x512xi32, #tpu.memory_space<vmem>>, vector<16xi32>,
      %add3A_473 = arith.addi %get3A_472, %gather3A_75 : vector<16xi32>
      %mul3A_474 = arith.constant 416 : i32
      %mul3A_475 = arith.muli %scan3A_215, %mul3A_474 : i32
      %add3A_476 = arith.constant 368 : i32
      %add3A_477 = arith.addi %mul3A_475, %add3A_476 : i32
      %swap3A_478 = arith.index_cast %add3A_477 : i32 to index
      %swap3A_479 = tpu.vector_load %arg8[%swap3A_478] {strides = array<i32>} : memref<13312xi32, #tpu.memory_space<vmem>>, vector<16xi32>,
      tpu.vector_store %arg8[%swap3A_478], %add3A_473 {strides = array<i32>} : memref<13312xi32, #tpu.memory_space<vmem>>, vector<16xi32>,
      %get3A_480 = arith.constant 24 : i32
      %get3A_481 = arith.index_cast %get3A_480 : i32 to index
      %get3A_482 = arith.index_cast %mul3A_217 : i32 to index
      %get3A_483 = tpu.vector_load %arg7[%get3A_481, %get3A_482] {strides = array<i32>} : memref<26x512xi32, #tpu.memory_space<vmem>>, vector<16xi32>,
      %add3A_484 = arith.addi %get3A_483, %gather3A_78 : vector<16xi32>
      %mul3A_485 = arith.constant 416 : i32
      %mul3A_486 = arith.muli %scan3A_215, %mul3A_485 : i32
      %add3A_487 = arith.constant 384 : i32
      %add3A_488 = arith.addi %mul3A_486, %add3A_487 : i32
      %swap3A_489 = arith.index_cast %add3A_488 : i32 to index
      %swap3A_490 = tpu.vector_load %arg8[%swap3A_489] {strides = array<i32>} : memref<13312xi32, #tpu.memory_space<vmem>>, vector<16xi32>,
      tpu.vector_store %arg8[%swap3A_489], %add3A_484 {strides = array<i32>} : memref<13312xi32, #tpu.memory_space<vmem>>, vector<16xi32>,
      %get3A_491 = arith.constant 25 : i32
      %get3A_492 = arith.index_cast %get3A_491 : i32 to index
      %get3A_493 = arith.index_cast %mul3A_217 : i32 to index
      %get3A_494 = tpu.vector_load %arg7[%get3A_492, %get3A_493] {strides = array<i32>} : memref<26x512xi32, #tpu.memory_space<vmem>>, vector<16xi32>,
      %add3A_495 = arith.addi %get3A_494, %gather3A_81 : vector<16xi32>
      %mul3A_496 = arith.constant 416 : i32
      %mul3A_497 = arith.muli %scan3A_215, %mul3A_496 : i32
      %add3A_498 = arith.constant 400 : i32
      %add3A_499 = arith.addi %mul3A_497, %add3A_498 : i32
      %swap3A_500 = arith.index_cast %add3A_499 : i32 to index
      %swap3A_501 = tpu.vector_load %arg8[%swap3A_500] {strides = array<i32>} : memref<13312xi32, #tpu.memory_space<vmem>>, vector<16xi32>,
      tpu.vector_store %arg8[%swap3A_500], %add3A_495 {strides = array<i32>} : memref<13312xi32, #tpu.memory_space<vmem>>, vector<16xi32>,
    }
    %scan3A_137 = arith.constant 8 : i32
    %dma_start3A_138 = arith.constant 0 : i32
    %dma_start3A_139 = arith.constant 9984 : i32
    %dma_start3A_140 = tpu.memref_slice %arg9[%dma_start3A_139] : memref<13312xf32, #tpu.memory_space<vmem>> -> memref<3328xf32, #tpu.memory_space<vmem>>
    %dma_start3A_141 = arith.constant 9984 : i32
    %dma_start3A_142 = tpu.memref_slice %arg8[%dma_start3A_141] : memref<13312xi32, #tpu.memory_space<vmem>> -> memref<3328xi32, #tpu.memory_space<vmem>>
    %dma_start3A_143 = arith.constant 0 : i32
    %dma_start3A_144 = tpu.memref_slice %arg4[%dma_start3A_138, %dma_start3A_143] : memref<1x2600000xf32, #tpu.memory_space<hbm>> -> memref<1x2600000xf32, #tpu.memory_space<hbm>>
    %dma_start3A_145 = tpu.memref_squeeze %dma_start3A_144 : memref<1x2600000xf32, #tpu.memory_space<hbm>> -> memref<2600000xf32, #tpu.memory_space<hbm>>
    %dma_start3A_146 = arith.constant 0 : i32
    %dma_start3A_147 = tpu.memref_slice %dma_start3A_145[%dma_start3A_146] : memref<2600000xf32, #tpu.memory_space<hbm>> -> memref<2600000xf32, #tpu.memory_space<hbm>>
    tpu.enqueue_indirect_dma source(%dma_start3A_147 : memref<2600000xf32, #tpu.memory_space<hbm>>) target(%dma_start3A_140 : memref<3328xf32, #tpu.memory_space<vmem>>) offsets(%dma_start3A_142 : memref<3328xi32, #tpu.memory_space<vmem>>) semaphore(%arg17 : memref<!tpu.dma_semaphore, #tpu.memory_space<semaphore_mem>>)
    %broadcast_in_dim3A_148 = arith.constant 8 : i32
    %broadcast_in_dim3A_149 = vector.broadcast %broadcast_in_dim3A_148 : i32 to vector<16xi32>
    %gather3A_150 = tpu.vector_load_idx %arg11[%broadcast_in_dim3A_149] : memref<16xf32, #tpu.memory_space<vmem>>[vector<16xi32>], vector<16xf32>,
    %dma_wait3A_151 = arith.constant 0 : i32
    %dma_wait3A_152 = arith.constant 0 : i32
    %dma_wait3A_153 = tpu.memref_slice %arg9[%dma_wait3A_152] : memref<13312xf32, #tpu.memory_space<vmem>> -> memref<3328xf32, #tpu.memory_space<vmem>>
    %dma_wait3A_154 = arith.constant 0 : i32
    %dma_wait3A_155 = tpu.memref_slice %arg8[%dma_wait3A_154] : memref<13312xi32, #tpu.memory_space<vmem>> -> memref<3328xi32, #tpu.memory_space<vmem>>
    %dma_wait3A_156 = arith.constant 0 : i32
    %dma_wait3A_157 = tpu.memref_slice %arg4[%dma_wait3A_151, %dma_wait3A_156] : memref<1x2600000xf32, #tpu.memory_space<hbm>> -> memref<1x2600000xf32, #tpu.memory_space<hbm>>
    %dma_wait3A_158 = tpu.memref_squeeze %dma_wait3A_157 : memref<1x2600000xf32, #tpu.memory_space<hbm>> -> memref<2600000xf32, #tpu.memory_space<hbm>>
    %dma_wait3A_159 = arith.constant 0 : i32
    %dma_wait3A_160 = tpu.memref_slice %dma_wait3A_158[%dma_wait3A_159] : memref<2600000xf32, #tpu.memory_space<hbm>> -> memref<2600000xf32, #tpu.memory_space<hbm>>
    tpu.wait_indirect_dma semaphore(%arg14 : memref<!tpu.dma_semaphore, #tpu.memory_space<semaphore_mem>>) src(%dma_wait3A_160 : memref<2600000xf32, #tpu.memory_space<hbm>>) dst(%dma_wait3A_153 : memref<3328xf32, #tpu.memory_space<vmem>>)
    %scan3A_161 = arith.constant 0 : i32
    %scan3A_162 = arith.constant 0 : i32
    %scan3A_163 = arith.constant 8 : i32
    %scan3A_164 = arith.addi %scan3A_162, %scan3A_163 : i32
    %scan3A_165 = arith.constant 1 : i32
    scf.for %scan3A_215 = %scan3A_162 to %scan3A_164 step %scan3A_165  : i32 {
      %mul3A_216 = arith.constant 416 : i32
      %mul3A_217 = arith.muli %scan3A_215, %mul3A_216 : i32
      %add3A_218 = arith.constant 0 : i32
      %add3A_219 = arith.addi %mul3A_217, %add3A_218 : i32
      %get3A = arith.index_cast %add3A_219 : i32 to index
      %get3A_220 = tpu.vector_load %arg9[%get3A] {strides = array<i32>} : memref<13312xf32, #tpu.memory_space<vmem>>, vector<16xf32>,
      %add3A_221 = arith.addf %gather3A_150, %get3A_220 : vector<16xf32>
      %mul3A_222 = arith.constant 416 : i32
      %mul3A_223 = arith.muli %scan3A_215, %mul3A_222 : i32
      %add3A_224 = arith.constant 16 : i32
      %add3A_225 = arith.addi %mul3A_223, %add3A_224 : i32
      %get3A_226 = arith.index_cast %add3A_225 : i32 to index
      %get3A_227 = tpu.vector_load %arg9[%get3A_226] {strides = array<i32>} : memref<13312xf32, #tpu.memory_space<vmem>>, vector<16xf32>,
      %add3A_228 = arith.addf %add3A_221, %get3A_227 : vector<16xf32>
      %mul3A_229 = arith.constant 416 : i32
      %mul3A_230 = arith.muli %scan3A_215, %mul3A_229 : i32
      %add3A_231 = arith.constant 32 : i32
      %add3A_232 = arith.addi %mul3A_230, %add3A_231 : i32
      %get3A_233 = arith.index_cast %add3A_232 : i32 to index
      %get3A_234 = tpu.vector_load %arg9[%get3A_233] {strides = array<i32>} : memref<13312xf32, #tpu.memory_space<vmem>>, vector<16xf32>,
      %add3A_235 = arith.addf %add3A_228, %get3A_234 : vector<16xf32>
      %mul3A_236 = arith.constant 416 : i32
      %mul3A_237 = arith.muli %scan3A_215, %mul3A_236 : i32
      %add3A_238 = arith.constant 48 : i32
      %add3A_239 = arith.addi %mul3A_237, %add3A_238 : i32
      %get3A_240 = arith.index_cast %add3A_239 : i32 to index
      %get3A_241 = tpu.vector_load %arg9[%get3A_240] {strides = array<i32>} : memref<13312xf32, #tpu.memory_space<vmem>>, vector<16xf32>,
      %add3A_242 = arith.addf %add3A_235, %get3A_241 : vector<16xf32>
      %mul3A_243 = arith.constant 416 : i32
      %mul3A_244 = arith.muli %scan3A_215, %mul3A_243 : i32
      %add3A_245 = arith.constant 64 : i32
      %add3A_246 = arith.addi %mul3A_244, %add3A_245 : i32
      %get3A_247 = arith.index_cast %add3A_246 : i32 to index
      %get3A_248 = tpu.vector_load %arg9[%get3A_247] {strides = array<i32>} : memref<13312xf32, #tpu.memory_space<vmem>>, vector<16xf32>,
      %add3A_249 = arith.addf %add3A_242, %get3A_248 : vector<16xf32>
      %mul3A_250 = arith.constant 416 : i32
      %mul3A_251 = arith.muli %scan3A_215, %mul3A_250 : i32
      %add3A_252 = arith.constant 80 : i32
      %add3A_253 = arith.addi %mul3A_251, %add3A_252 : i32
      %get3A_254 = arith.index_cast %add3A_253 : i32 to index
      %get3A_255 = tpu.vector_load %arg9[%get3A_254] {strides = array<i32>} : memref<13312xf32, #tpu.memory_space<vmem>>, vector<16xf32>,
      %add3A_256 = arith.addf %add3A_249, %get3A_255 : vector<16xf32>
      %mul3A_257 = arith.constant 416 : i32
      %mul3A_258 = arith.muli %scan3A_215, %mul3A_257 : i32
      %add3A_259 = arith.constant 96 : i32
      %add3A_260 = arith.addi %mul3A_258, %add3A_259 : i32
      %get3A_261 = arith.index_cast %add3A_260 : i32 to index
      %get3A_262 = tpu.vector_load %arg9[%get3A_261] {strides = array<i32>} : memref<13312xf32, #tpu.memory_space<vmem>>, vector<16xf32>,
      %add3A_263 = arith.addf %add3A_256, %get3A_262 : vector<16xf32>
      %mul3A_264 = arith.constant 416 : i32
      %mul3A_265 = arith.muli %scan3A_215, %mul3A_264 : i32
      %add3A_266 = arith.constant 112 : i32
      %add3A_267 = arith.addi %mul3A_265, %add3A_266 : i32
      %get3A_268 = arith.index_cast %add3A_267 : i32 to index
      %get3A_269 = tpu.vector_load %arg9[%get3A_268] {strides = array<i32>} : memref<13312xf32, #tpu.memory_space<vmem>>, vector<16xf32>,
      %add3A_270 = arith.addf %add3A_263, %get3A_269 : vector<16xf32>
      %mul3A_271 = arith.constant 416 : i32
      %mul3A_272 = arith.muli %scan3A_215, %mul3A_271 : i32
      %add3A_273 = arith.constant 128 : i32
      %add3A_274 = arith.addi %mul3A_272, %add3A_273 : i32
      %get3A_275 = arith.index_cast %add3A_274 : i32 to index
      %get3A_276 = tpu.vector_load %arg9[%get3A_275] {strides = array<i32>} : memref<13312xf32, #tpu.memory_space<vmem>>, vector<16xf32>,
      %add3A_277 = arith.addf %add3A_270, %get3A_276 : vector<16xf32>
      %mul3A_278 = arith.constant 416 : i32
      %mul3A_279 = arith.muli %scan3A_215, %mul3A_278 : i32
      %add3A_280 = arith.constant 144 : i32
      %add3A_281 = arith.addi %mul3A_279, %add3A_280 : i32
      %get3A_282 = arith.index_cast %add3A_281 : i32 to index
      %get3A_283 = tpu.vector_load %arg9[%get3A_282] {strides = array<i32>} : memref<13312xf32, #tpu.memory_space<vmem>>, vector<16xf32>,
      %add3A_284 = arith.addf %add3A_277, %get3A_283 : vector<16xf32>
      %mul3A_285 = arith.constant 416 : i32
      %mul3A_286 = arith.muli %scan3A_215, %mul3A_285 : i32
      %add3A_287 = arith.constant 160 : i32
      %add3A_288 = arith.addi %mul3A_286, %add3A_287 : i32
      %get3A_289 = arith.index_cast %add3A_288 : i32 to index
      %get3A_290 = tpu.vector_load %arg9[%get3A_289] {strides = array<i32>} : memref<13312xf32, #tpu.memory_space<vmem>>, vector<16xf32>,
      %add3A_291 = arith.addf %add3A_284, %get3A_290 : vector<16xf32>
      %mul3A_292 = arith.constant 416 : i32
      %mul3A_293 = arith.muli %scan3A_215, %mul3A_292 : i32
      %add3A_294 = arith.constant 176 : i32
      %add3A_295 = arith.addi %mul3A_293, %add3A_294 : i32
      %get3A_296 = arith.index_cast %add3A_295 : i32 to index
      %get3A_297 = tpu.vector_load %arg9[%get3A_296] {strides = array<i32>} : memref<13312xf32, #tpu.memory_space<vmem>>, vector<16xf32>,
      %add3A_298 = arith.addf %add3A_291, %get3A_297 : vector<16xf32>
      %mul3A_299 = arith.constant 416 : i32
      %mul3A_300 = arith.muli %scan3A_215, %mul3A_299 : i32
      %add3A_301 = arith.constant 192 : i32
      %add3A_302 = arith.addi %mul3A_300, %add3A_301 : i32
      %get3A_303 = arith.index_cast %add3A_302 : i32 to index
      %get3A_304 = tpu.vector_load %arg9[%get3A_303] {strides = array<i32>} : memref<13312xf32, #tpu.memory_space<vmem>>, vector<16xf32>,
      %add3A_305 = arith.addf %add3A_298, %get3A_304 : vector<16xf32>
      %mul3A_306 = arith.constant 416 : i32
      %mul3A_307 = arith.muli %scan3A_215, %mul3A_306 : i32
      %add3A_308 = arith.constant 208 : i32
      %add3A_309 = arith.addi %mul3A_307, %add3A_308 : i32
      %get3A_310 = arith.index_cast %add3A_309 : i32 to index
      %get3A_311 = tpu.vector_load %arg9[%get3A_310] {strides = array<i32>} : memref<13312xf32, #tpu.memory_space<vmem>>, vector<16xf32>,
      %add3A_312 = arith.addf %add3A_305, %get3A_311 : vector<16xf32>
      %mul3A_313 = arith.constant 416 : i32
      %mul3A_314 = arith.muli %scan3A_215, %mul3A_313 : i32
      %add3A_315 = arith.constant 224 : i32
      %add3A_316 = arith.addi %mul3A_314, %add3A_315 : i32
      %get3A_317 = arith.index_cast %add3A_316 : i32 to index
      %get3A_318 = tpu.vector_load %arg9[%get3A_317] {strides = array<i32>} : memref<13312xf32, #tpu.memory_space<vmem>>, vector<16xf32>,
      %add3A_319 = arith.addf %add3A_312, %get3A_318 : vector<16xf32>
      %mul3A_320 = arith.constant 416 : i32
      %mul3A_321 = arith.muli %scan3A_215, %mul3A_320 : i32
      %add3A_322 = arith.constant 240 : i32
      %add3A_323 = arith.addi %mul3A_321, %add3A_322 : i32
      %get3A_324 = arith.index_cast %add3A_323 : i32 to index
      %get3A_325 = tpu.vector_load %arg9[%get3A_324] {strides = array<i32>} : memref<13312xf32, #tpu.memory_space<vmem>>, vector<16xf32>,
      %add3A_326 = arith.addf %add3A_319, %get3A_325 : vector<16xf32>
      %mul3A_327 = arith.constant 416 : i32
      %mul3A_328 = arith.muli %scan3A_215, %mul3A_327 : i32
      %add3A_329 = arith.constant 256 : i32
      %add3A_330 = arith.addi %mul3A_328, %add3A_329 : i32
      %get3A_331 = arith.index_cast %add3A_330 : i32 to index
      %get3A_332 = tpu.vector_load %arg9[%get3A_331] {strides = array<i32>} : memref<13312xf32, #tpu.memory_space<vmem>>, vector<16xf32>,
      %add3A_333 = arith.addf %add3A_326, %get3A_332 : vector<16xf32>
      %mul3A_334 = arith.constant 416 : i32
      %mul3A_335 = arith.muli %scan3A_215, %mul3A_334 : i32
      %add3A_336 = arith.constant 272 : i32
      %add3A_337 = arith.addi %mul3A_335, %add3A_336 : i32
      %get3A_338 = arith.index_cast %add3A_337 : i32 to index
      %get3A_339 = tpu.vector_load %arg9[%get3A_338] {strides = array<i32>} : memref<13312xf32, #tpu.memory_space<vmem>>, vector<16xf32>,
      %add3A_340 = arith.addf %add3A_333, %get3A_339 : vector<16xf32>
      %mul3A_341 = arith.constant 416 : i32
      %mul3A_342 = arith.muli %scan3A_215, %mul3A_341 : i32
      %add3A_343 = arith.constant 288 : i32
      %add3A_344 = arith.addi %mul3A_342, %add3A_343 : i32
      %get3A_345 = arith.index_cast %add3A_344 : i32 to index
      %get3A_346 = tpu.vector_load %arg9[%get3A_345] {strides = array<i32>} : memref<13312xf32, #tpu.memory_space<vmem>>, vector<16xf32>,
      %add3A_347 = arith.addf %add3A_340, %get3A_346 : vector<16xf32>
      %mul3A_348 = arith.constant 416 : i32
      %mul3A_349 = arith.muli %scan3A_215, %mul3A_348 : i32
      %add3A_350 = arith.constant 304 : i32
      %add3A_351 = arith.addi %mul3A_349, %add3A_350 : i32
      %get3A_352 = arith.index_cast %add3A_351 : i32 to index
      %get3A_353 = tpu.vector_load %arg9[%get3A_352] {strides = array<i32>} : memref<13312xf32, #tpu.memory_space<vmem>>, vector<16xf32>,
      %add3A_354 = arith.addf %add3A_347, %get3A_353 : vector<16xf32>
      %mul3A_355 = arith.constant 416 : i32
      %mul3A_356 = arith.muli %scan3A_215, %mul3A_355 : i32
      %add3A_357 = arith.constant 320 : i32
      %add3A_358 = arith.addi %mul3A_356, %add3A_357 : i32
      %get3A_359 = arith.index_cast %add3A_358 : i32 to index
      %get3A_360 = tpu.vector_load %arg9[%get3A_359] {strides = array<i32>} : memref<13312xf32, #tpu.memory_space<vmem>>, vector<16xf32>,
      %add3A_361 = arith.addf %add3A_354, %get3A_360 : vector<16xf32>
      %mul3A_362 = arith.constant 416 : i32
      %mul3A_363 = arith.muli %scan3A_215, %mul3A_362 : i32
      %add3A_364 = arith.constant 336 : i32
      %add3A_365 = arith.addi %mul3A_363, %add3A_364 : i32
      %get3A_366 = arith.index_cast %add3A_365 : i32 to index
      %get3A_367 = tpu.vector_load %arg9[%get3A_366] {strides = array<i32>} : memref<13312xf32, #tpu.memory_space<vmem>>, vector<16xf32>,
      %add3A_368 = arith.addf %add3A_361, %get3A_367 : vector<16xf32>
      %mul3A_369 = arith.constant 416 : i32
      %mul3A_370 = arith.muli %scan3A_215, %mul3A_369 : i32
      %add3A_371 = arith.constant 352 : i32
      %add3A_372 = arith.addi %mul3A_370, %add3A_371 : i32
      %get3A_373 = arith.index_cast %add3A_372 : i32 to index
      %get3A_374 = tpu.vector_load %arg9[%get3A_373] {strides = array<i32>} : memref<13312xf32, #tpu.memory_space<vmem>>, vector<16xf32>,
      %add3A_375 = arith.addf %add3A_368, %get3A_374 : vector<16xf32>
      %mul3A_376 = arith.constant 416 : i32
      %mul3A_377 = arith.muli %scan3A_215, %mul3A_376 : i32
      %add3A_378 = arith.constant 368 : i32
      %add3A_379 = arith.addi %mul3A_377, %add3A_378 : i32
      %get3A_380 = arith.index_cast %add3A_379 : i32 to index
      %get3A_381 = tpu.vector_load %arg9[%get3A_380] {strides = array<i32>} : memref<13312xf32, #tpu.memory_space<vmem>>, vector<16xf32>,
      %add3A_382 = arith.addf %add3A_375, %get3A_381 : vector<16xf32>
      %mul3A_383 = arith.constant 416 : i32
      %mul3A_384 = arith.muli %scan3A_215, %mul3A_383 : i32
      %add3A_385 = arith.constant 384 : i32
      %add3A_386 = arith.addi %mul3A_384, %add3A_385 : i32
      %get3A_387 = arith.index_cast %add3A_386 : i32 to index
      %get3A_388 = tpu.vector_load %arg9[%get3A_387] {strides = array<i32>} : memref<13312xf32, #tpu.memory_space<vmem>>, vector<16xf32>,
      %add3A_389 = arith.addf %add3A_382, %get3A_388 : vector<16xf32>
      %mul3A_390 = arith.constant 416 : i32
      %mul3A_391 = arith.muli %scan3A_215, %mul3A_390 : i32
      %add3A_392 = arith.constant 400 : i32
      %add3A_393 = arith.addi %mul3A_391, %add3A_392 : i32
      %get3A_394 = arith.index_cast %add3A_393 : i32 to index
      %get3A_395 = tpu.vector_load %arg9[%get3A_394] {strides = array<i32>} : memref<13312xf32, #tpu.memory_space<vmem>>, vector<16xf32>,
      %add3A_396 = arith.addf %add3A_389, %get3A_395 : vector<16xf32>
      %mul3A_397 = arith.constant 16 : i32
      %mul3A_398 = arith.muli %scan3A_215, %mul3A_397 : i32
      %swap3A = arith.index_cast %mul3A_398 : i32 to index
      %swap3A_399 = tpu.vector_load %arg12[%swap3A] {strides = array<i32>} : memref<512xf32, #tpu.memory_space<vmem>>, vector<16xf32>,
      tpu.vector_store %arg12[%swap3A], %add3A_396 {strides = array<i32>} : memref<512xf32, #tpu.memory_space<vmem>>, vector<16xf32>,
    }
    %scan3A_166 = arith.constant 8 : i32
    %dma_wait3A_167 = arith.constant 0 : i32
    %dma_wait3A_168 = arith.constant 3328 : i32
    %dma_wait3A_169 = tpu.memref_slice %arg9[%dma_wait3A_168] : memref<13312xf32, #tpu.memory_space<vmem>> -> memref<3328xf32, #tpu.memory_space<vmem>>
    %dma_wait3A_170 = arith.constant 3328 : i32
    %dma_wait3A_171 = tpu.memref_slice %arg8[%dma_wait3A_170] : memref<13312xi32, #tpu.memory_space<vmem>> -> memref<3328xi32, #tpu.memory_space<vmem>>
    %dma_wait3A_172 = arith.constant 0 : i32
    %dma_wait3A_173 = tpu.memref_slice %arg4[%dma_wait3A_167, %dma_wait3A_172] : memref<1x2600000xf32, #tpu.memory_space<hbm>> -> memref<1x2600000xf32, #tpu.memory_space<hbm>>
    %dma_wait3A_174 = tpu.memref_squeeze %dma_wait3A_173 : memref<1x2600000xf32, #tpu.memory_space<hbm>> -> memref<2600000xf32, #tpu.memory_space<hbm>>
    %dma_wait3A_175 = arith.constant 0 : i32
    %dma_wait3A_176 = tpu.memref_slice %dma_wait3A_174[%dma_wait3A_175] : memref<2600000xf32, #tpu.memory_space<hbm>> -> memref<2600000xf32, #tpu.memory_space<hbm>>
    tpu.wait_indirect_dma semaphore(%arg15 : memref<!tpu.dma_semaphore, #tpu.memory_space<semaphore_mem>>) src(%dma_wait3A_176 : memref<2600000xf32, #tpu.memory_space<hbm>>) dst(%dma_wait3A_169 : memref<3328xf32, #tpu.memory_space<vmem>>)
    %scan3A_177 = arith.constant 0 : i32
    %scan3A_178 = arith.constant 8 : i32
    %scan3A_179 = arith.constant 8 : i32
    %scan3A_180 = arith.addi %scan3A_178, %scan3A_179 : i32
    %scan3A_181 = arith.constant 1 : i32
    scf.for %scan3A_215 = %scan3A_178 to %scan3A_180 step %scan3A_181  : i32 {
      %mul3A_216 = arith.constant 416 : i32
      %mul3A_217 = arith.muli %scan3A_215, %mul3A_216 : i32
      %add3A_218 = arith.constant 0 : i32
      %add3A_219 = arith.addi %mul3A_217, %add3A_218 : i32
      %get3A = arith.index_cast %add3A_219 : i32 to index
      %get3A_220 = tpu.vector_load %arg9[%get3A] {strides = array<i32>} : memref<13312xf32, #tpu.memory_space<vmem>>, vector<16xf32>,
      %add3A_221 = arith.addf %gather3A_150, %get3A_220 : vector<16xf32>
      %mul3A_222 = arith.constant 416 : i32
      %mul3A_223 = arith.muli %scan3A_215, %mul3A_222 : i32
      %add3A_224 = arith.constant 16 : i32
      %add3A_225 = arith.addi %mul3A_223, %add3A_224 : i32
      %get3A_226 = arith.index_cast %add3A_225 : i32 to index
      %get3A_227 = tpu.vector_load %arg9[%get3A_226] {strides = array<i32>} : memref<13312xf32, #tpu.memory_space<vmem>>, vector<16xf32>,
      %add3A_228 = arith.addf %add3A_221, %get3A_227 : vector<16xf32>
      %mul3A_229 = arith.constant 416 : i32
      %mul3A_230 = arith.muli %scan3A_215, %mul3A_229 : i32
      %add3A_231 = arith.constant 32 : i32
      %add3A_232 = arith.addi %mul3A_230, %add3A_231 : i32
      %get3A_233 = arith.index_cast %add3A_232 : i32 to index
      %get3A_234 = tpu.vector_load %arg9[%get3A_233] {strides = array<i32>} : memref<13312xf32, #tpu.memory_space<vmem>>, vector<16xf32>,
      %add3A_235 = arith.addf %add3A_228, %get3A_234 : vector<16xf32>
      %mul3A_236 = arith.constant 416 : i32
      %mul3A_237 = arith.muli %scan3A_215, %mul3A_236 : i32
      %add3A_238 = arith.constant 48 : i32
      %add3A_239 = arith.addi %mul3A_237, %add3A_238 : i32
      %get3A_240 = arith.index_cast %add3A_239 : i32 to index
      %get3A_241 = tpu.vector_load %arg9[%get3A_240] {strides = array<i32>} : memref<13312xf32, #tpu.memory_space<vmem>>, vector<16xf32>,
      %add3A_242 = arith.addf %add3A_235, %get3A_241 : vector<16xf32>
      %mul3A_243 = arith.constant 416 : i32
      %mul3A_244 = arith.muli %scan3A_215, %mul3A_243 : i32
      %add3A_245 = arith.constant 64 : i32
      %add3A_246 = arith.addi %mul3A_244, %add3A_245 : i32
      %get3A_247 = arith.index_cast %add3A_246 : i32 to index
      %get3A_248 = tpu.vector_load %arg9[%get3A_247] {strides = array<i32>} : memref<13312xf32, #tpu.memory_space<vmem>>, vector<16xf32>,
      %add3A_249 = arith.addf %add3A_242, %get3A_248 : vector<16xf32>
      %mul3A_250 = arith.constant 416 : i32
      %mul3A_251 = arith.muli %scan3A_215, %mul3A_250 : i32
      %add3A_252 = arith.constant 80 : i32
      %add3A_253 = arith.addi %mul3A_251, %add3A_252 : i32
      %get3A_254 = arith.index_cast %add3A_253 : i32 to index
      %get3A_255 = tpu.vector_load %arg9[%get3A_254] {strides = array<i32>} : memref<13312xf32, #tpu.memory_space<vmem>>, vector<16xf32>,
      %add3A_256 = arith.addf %add3A_249, %get3A_255 : vector<16xf32>
      %mul3A_257 = arith.constant 416 : i32
      %mul3A_258 = arith.muli %scan3A_215, %mul3A_257 : i32
      %add3A_259 = arith.constant 96 : i32
      %add3A_260 = arith.addi %mul3A_258, %add3A_259 : i32
      %get3A_261 = arith.index_cast %add3A_260 : i32 to index
      %get3A_262 = tpu.vector_load %arg9[%get3A_261] {strides = array<i32>} : memref<13312xf32, #tpu.memory_space<vmem>>, vector<16xf32>,
      %add3A_263 = arith.addf %add3A_256, %get3A_262 : vector<16xf32>
      %mul3A_264 = arith.constant 416 : i32
      %mul3A_265 = arith.muli %scan3A_215, %mul3A_264 : i32
      %add3A_266 = arith.constant 112 : i32
      %add3A_267 = arith.addi %mul3A_265, %add3A_266 : i32
      %get3A_268 = arith.index_cast %add3A_267 : i32 to index
      %get3A_269 = tpu.vector_load %arg9[%get3A_268] {strides = array<i32>} : memref<13312xf32, #tpu.memory_space<vmem>>, vector<16xf32>,
      %add3A_270 = arith.addf %add3A_263, %get3A_269 : vector<16xf32>
      %mul3A_271 = arith.constant 416 : i32
      %mul3A_272 = arith.muli %scan3A_215, %mul3A_271 : i32
      %add3A_273 = arith.constant 128 : i32
      %add3A_274 = arith.addi %mul3A_272, %add3A_273 : i32
      %get3A_275 = arith.index_cast %add3A_274 : i32 to index
      %get3A_276 = tpu.vector_load %arg9[%get3A_275] {strides = array<i32>} : memref<13312xf32, #tpu.memory_space<vmem>>, vector<16xf32>,
      %add3A_277 = arith.addf %add3A_270, %get3A_276 : vector<16xf32>
      %mul3A_278 = arith.constant 416 : i32
      %mul3A_279 = arith.muli %scan3A_215, %mul3A_278 : i32
      %add3A_280 = arith.constant 144 : i32
      %add3A_281 = arith.addi %mul3A_279, %add3A_280 : i32
      %get3A_282 = arith.index_cast %add3A_281 : i32 to index
      %get3A_283 = tpu.vector_load %arg9[%get3A_282] {strides = array<i32>} : memref<13312xf32, #tpu.memory_space<vmem>>, vector<16xf32>,
      %add3A_284 = arith.addf %add3A_277, %get3A_283 : vector<16xf32>
      %mul3A_285 = arith.constant 416 : i32
      %mul3A_286 = arith.muli %scan3A_215, %mul3A_285 : i32
      %add3A_287 = arith.constant 160 : i32
      %add3A_288 = arith.addi %mul3A_286, %add3A_287 : i32
      %get3A_289 = arith.index_cast %add3A_288 : i32 to index
      %get3A_290 = tpu.vector_load %arg9[%get3A_289] {strides = array<i32>} : memref<13312xf32, #tpu.memory_space<vmem>>, vector<16xf32>,
      %add3A_291 = arith.addf %add3A_284, %get3A_290 : vector<16xf32>
      %mul3A_292 = arith.constant 416 : i32
      %mul3A_293 = arith.muli %scan3A_215, %mul3A_292 : i32
      %add3A_294 = arith.constant 176 : i32
      %add3A_295 = arith.addi %mul3A_293, %add3A_294 : i32
      %get3A_296 = arith.index_cast %add3A_295 : i32 to index
      %get3A_297 = tpu.vector_load %arg9[%get3A_296] {strides = array<i32>} : memref<13312xf32, #tpu.memory_space<vmem>>, vector<16xf32>,
      %add3A_298 = arith.addf %add3A_291, %get3A_297 : vector<16xf32>
      %mul3A_299 = arith.constant 416 : i32
      %mul3A_300 = arith.muli %scan3A_215, %mul3A_299 : i32
      %add3A_301 = arith.constant 192 : i32
      %add3A_302 = arith.addi %mul3A_300, %add3A_301 : i32
      %get3A_303 = arith.index_cast %add3A_302 : i32 to index
      %get3A_304 = tpu.vector_load %arg9[%get3A_303] {strides = array<i32>} : memref<13312xf32, #tpu.memory_space<vmem>>, vector<16xf32>,
      %add3A_305 = arith.addf %add3A_298, %get3A_304 : vector<16xf32>
      %mul3A_306 = arith.constant 416 : i32
      %mul3A_307 = arith.muli %scan3A_215, %mul3A_306 : i32
      %add3A_308 = arith.constant 208 : i32
      %add3A_309 = arith.addi %mul3A_307, %add3A_308 : i32
      %get3A_310 = arith.index_cast %add3A_309 : i32 to index
      %get3A_311 = tpu.vector_load %arg9[%get3A_310] {strides = array<i32>} : memref<13312xf32, #tpu.memory_space<vmem>>, vector<16xf32>,
      %add3A_312 = arith.addf %add3A_305, %get3A_311 : vector<16xf32>
      %mul3A_313 = arith.constant 416 : i32
      %mul3A_314 = arith.muli %scan3A_215, %mul3A_313 : i32
      %add3A_315 = arith.constant 224 : i32
      %add3A_316 = arith.addi %mul3A_314, %add3A_315 : i32
      %get3A_317 = arith.index_cast %add3A_316 : i32 to index
      %get3A_318 = tpu.vector_load %arg9[%get3A_317] {strides = array<i32>} : memref<13312xf32, #tpu.memory_space<vmem>>, vector<16xf32>,
      %add3A_319 = arith.addf %add3A_312, %get3A_318 : vector<16xf32>
      %mul3A_320 = arith.constant 416 : i32
      %mul3A_321 = arith.muli %scan3A_215, %mul3A_320 : i32
      %add3A_322 = arith.constant 240 : i32
      %add3A_323 = arith.addi %mul3A_321, %add3A_322 : i32
      %get3A_324 = arith.index_cast %add3A_323 : i32 to index
      %get3A_325 = tpu.vector_load %arg9[%get3A_324] {strides = array<i32>} : memref<13312xf32, #tpu.memory_space<vmem>>, vector<16xf32>,
      %add3A_326 = arith.addf %add3A_319, %get3A_325 : vector<16xf32>
      %mul3A_327 = arith.constant 416 : i32
      %mul3A_328 = arith.muli %scan3A_215, %mul3A_327 : i32
      %add3A_329 = arith.constant 256 : i32
      %add3A_330 = arith.addi %mul3A_328, %add3A_329 : i32
      %get3A_331 = arith.index_cast %add3A_330 : i32 to index
      %get3A_332 = tpu.vector_load %arg9[%get3A_331] {strides = array<i32>} : memref<13312xf32, #tpu.memory_space<vmem>>, vector<16xf32>,
      %add3A_333 = arith.addf %add3A_326, %get3A_332 : vector<16xf32>
      %mul3A_334 = arith.constant 416 : i32
      %mul3A_335 = arith.muli %scan3A_215, %mul3A_334 : i32
      %add3A_336 = arith.constant 272 : i32
      %add3A_337 = arith.addi %mul3A_335, %add3A_336 : i32
      %get3A_338 = arith.index_cast %add3A_337 : i32 to index
      %get3A_339 = tpu.vector_load %arg9[%get3A_338] {strides = array<i32>} : memref<13312xf32, #tpu.memory_space<vmem>>, vector<16xf32>,
      %add3A_340 = arith.addf %add3A_333, %get3A_339 : vector<16xf32>
      %mul3A_341 = arith.constant 416 : i32
      %mul3A_342 = arith.muli %scan3A_215, %mul3A_341 : i32
      %add3A_343 = arith.constant 288 : i32
      %add3A_344 = arith.addi %mul3A_342, %add3A_343 : i32
      %get3A_345 = arith.index_cast %add3A_344 : i32 to index
      %get3A_346 = tpu.vector_load %arg9[%get3A_345] {strides = array<i32>} : memref<13312xf32, #tpu.memory_space<vmem>>, vector<16xf32>,
      %add3A_347 = arith.addf %add3A_340, %get3A_346 : vector<16xf32>
      %mul3A_348 = arith.constant 416 : i32
      %mul3A_349 = arith.muli %scan3A_215, %mul3A_348 : i32
      %add3A_350 = arith.constant 304 : i32
      %add3A_351 = arith.addi %mul3A_349, %add3A_350 : i32
      %get3A_352 = arith.index_cast %add3A_351 : i32 to index
      %get3A_353 = tpu.vector_load %arg9[%get3A_352] {strides = array<i32>} : memref<13312xf32, #tpu.memory_space<vmem>>, vector<16xf32>,
      %add3A_354 = arith.addf %add3A_347, %get3A_353 : vector<16xf32>
      %mul3A_355 = arith.constant 416 : i32
      %mul3A_356 = arith.muli %scan3A_215, %mul3A_355 : i32
      %add3A_357 = arith.constant 320 : i32
      %add3A_358 = arith.addi %mul3A_356, %add3A_357 : i32
      %get3A_359 = arith.index_cast %add3A_358 : i32 to index
      %get3A_360 = tpu.vector_load %arg9[%get3A_359] {strides = array<i32>} : memref<13312xf32, #tpu.memory_space<vmem>>, vector<16xf32>,
      %add3A_361 = arith.addf %add3A_354, %get3A_360 : vector<16xf32>
      %mul3A_362 = arith.constant 416 : i32
      %mul3A_363 = arith.muli %scan3A_215, %mul3A_362 : i32
      %add3A_364 = arith.constant 336 : i32
      %add3A_365 = arith.addi %mul3A_363, %add3A_364 : i32
      %get3A_366 = arith.index_cast %add3A_365 : i32 to index
      %get3A_367 = tpu.vector_load %arg9[%get3A_366] {strides = array<i32>} : memref<13312xf32, #tpu.memory_space<vmem>>, vector<16xf32>,
      %add3A_368 = arith.addf %add3A_361, %get3A_367 : vector<16xf32>
      %mul3A_369 = arith.constant 416 : i32
      %mul3A_370 = arith.muli %scan3A_215, %mul3A_369 : i32
      %add3A_371 = arith.constant 352 : i32
      %add3A_372 = arith.addi %mul3A_370, %add3A_371 : i32
      %get3A_373 = arith.index_cast %add3A_372 : i32 to index
      %get3A_374 = tpu.vector_load %arg9[%get3A_373] {strides = array<i32>} : memref<13312xf32, #tpu.memory_space<vmem>>, vector<16xf32>,
      %add3A_375 = arith.addf %add3A_368, %get3A_374 : vector<16xf32>
      %mul3A_376 = arith.constant 416 : i32
      %mul3A_377 = arith.muli %scan3A_215, %mul3A_376 : i32
      %add3A_378 = arith.constant 368 : i32
      %add3A_379 = arith.addi %mul3A_377, %add3A_378 : i32
      %get3A_380 = arith.index_cast %add3A_379 : i32 to index
      %get3A_381 = tpu.vector_load %arg9[%get3A_380] {strides = array<i32>} : memref<13312xf32, #tpu.memory_space<vmem>>, vector<16xf32>,
      %add3A_382 = arith.addf %add3A_375, %get3A_381 : vector<16xf32>
      %mul3A_383 = arith.constant 416 : i32
      %mul3A_384 = arith.muli %scan3A_215, %mul3A_383 : i32
      %add3A_385 = arith.constant 384 : i32
      %add3A_386 = arith.addi %mul3A_384, %add3A_385 : i32
      %get3A_387 = arith.index_cast %add3A_386 : i32 to index
      %get3A_388 = tpu.vector_load %arg9[%get3A_387] {strides = array<i32>} : memref<13312xf32, #tpu.memory_space<vmem>>, vector<16xf32>,
      %add3A_389 = arith.addf %add3A_382, %get3A_388 : vector<16xf32>
      %mul3A_390 = arith.constant 416 : i32
      %mul3A_391 = arith.muli %scan3A_215, %mul3A_390 : i32
      %add3A_392 = arith.constant 400 : i32
      %add3A_393 = arith.addi %mul3A_391, %add3A_392 : i32
      %get3A_394 = arith.index_cast %add3A_393 : i32 to index
      %get3A_395 = tpu.vector_load %arg9[%get3A_394] {strides = array<i32>} : memref<13312xf32, #tpu.memory_space<vmem>>, vector<16xf32>,
      %add3A_396 = arith.addf %add3A_389, %get3A_395 : vector<16xf32>
      %mul3A_397 = arith.constant 16 : i32
      %mul3A_398 = arith.muli %scan3A_215, %mul3A_397 : i32
      %swap3A = arith.index_cast %mul3A_398 : i32 to index
      %swap3A_399 = tpu.vector_load %arg12[%swap3A] {strides = array<i32>} : memref<512xf32, #tpu.memory_space<vmem>>, vector<16xf32>,
      tpu.vector_store %arg12[%swap3A], %add3A_396 {strides = array<i32>} : memref<512xf32, #tpu.memory_space<vmem>>, vector<16xf32>,
    }
    %scan3A_182 = arith.constant 8 : i32
    %dma_wait3A_183 = arith.constant 0 : i32
    %dma_wait3A_184 = arith.constant 6656 : i32
    %dma_wait3A_185 = tpu.memref_slice %arg9[%dma_wait3A_184] : memref<13312xf32, #tpu.memory_space<vmem>> -> memref<3328xf32, #tpu.memory_space<vmem>>
    %dma_wait3A_186 = arith.constant 6656 : i32
    %dma_wait3A_187 = tpu.memref_slice %arg8[%dma_wait3A_186] : memref<13312xi32, #tpu.memory_space<vmem>> -> memref<3328xi32, #tpu.memory_space<vmem>>
    %dma_wait3A_188 = arith.constant 0 : i32
    %dma_wait3A_189 = tpu.memref_slice %arg4[%dma_wait3A_183, %dma_wait3A_188] : memref<1x2600000xf32, #tpu.memory_space<hbm>> -> memref<1x2600000xf32, #tpu.memory_space<hbm>>
    %dma_wait3A_190 = tpu.memref_squeeze %dma_wait3A_189 : memref<1x2600000xf32, #tpu.memory_space<hbm>> -> memref<2600000xf32, #tpu.memory_space<hbm>>
    %dma_wait3A_191 = arith.constant 0 : i32
    %dma_wait3A_192 = tpu.memref_slice %dma_wait3A_190[%dma_wait3A_191] : memref<2600000xf32, #tpu.memory_space<hbm>> -> memref<2600000xf32, #tpu.memory_space<hbm>>
    tpu.wait_indirect_dma semaphore(%arg16 : memref<!tpu.dma_semaphore, #tpu.memory_space<semaphore_mem>>) src(%dma_wait3A_192 : memref<2600000xf32, #tpu.memory_space<hbm>>) dst(%dma_wait3A_185 : memref<3328xf32, #tpu.memory_space<vmem>>)
    %scan3A_193 = arith.constant 0 : i32
    %scan3A_194 = arith.constant 16 : i32
    %scan3A_195 = arith.constant 8 : i32
    %scan3A_196 = arith.addi %scan3A_194, %scan3A_195 : i32
    %scan3A_197 = arith.constant 1 : i32
    scf.for %scan3A_215 = %scan3A_194 to %scan3A_196 step %scan3A_197  : i32 {
      %mul3A_216 = arith.constant 416 : i32
      %mul3A_217 = arith.muli %scan3A_215, %mul3A_216 : i32
      %add3A_218 = arith.constant 0 : i32
      %add3A_219 = arith.addi %mul3A_217, %add3A_218 : i32
      %get3A = arith.index_cast %add3A_219 : i32 to index
      %get3A_220 = tpu.vector_load %arg9[%get3A] {strides = array<i32>} : memref<13312xf32, #tpu.memory_space<vmem>>, vector<16xf32>,
      %add3A_221 = arith.addf %gather3A_150, %get3A_220 : vector<16xf32>
      %mul3A_222 = arith.constant 416 : i32
      %mul3A_223 = arith.muli %scan3A_215, %mul3A_222 : i32
      %add3A_224 = arith.constant 16 : i32
      %add3A_225 = arith.addi %mul3A_223, %add3A_224 : i32
      %get3A_226 = arith.index_cast %add3A_225 : i32 to index
      %get3A_227 = tpu.vector_load %arg9[%get3A_226] {strides = array<i32>} : memref<13312xf32, #tpu.memory_space<vmem>>, vector<16xf32>,
      %add3A_228 = arith.addf %add3A_221, %get3A_227 : vector<16xf32>
      %mul3A_229 = arith.constant 416 : i32
      %mul3A_230 = arith.muli %scan3A_215, %mul3A_229 : i32
      %add3A_231 = arith.constant 32 : i32
      %add3A_232 = arith.addi %mul3A_230, %add3A_231 : i32
      %get3A_233 = arith.index_cast %add3A_232 : i32 to index
      %get3A_234 = tpu.vector_load %arg9[%get3A_233] {strides = array<i32>} : memref<13312xf32, #tpu.memory_space<vmem>>, vector<16xf32>,
      %add3A_235 = arith.addf %add3A_228, %get3A_234 : vector<16xf32>
      %mul3A_236 = arith.constant 416 : i32
      %mul3A_237 = arith.muli %scan3A_215, %mul3A_236 : i32
      %add3A_238 = arith.constant 48 : i32
      %add3A_239 = arith.addi %mul3A_237, %add3A_238 : i32
      %get3A_240 = arith.index_cast %add3A_239 : i32 to index
      %get3A_241 = tpu.vector_load %arg9[%get3A_240] {strides = array<i32>} : memref<13312xf32, #tpu.memory_space<vmem>>, vector<16xf32>,
      %add3A_242 = arith.addf %add3A_235, %get3A_241 : vector<16xf32>
      %mul3A_243 = arith.constant 416 : i32
      %mul3A_244 = arith.muli %scan3A_215, %mul3A_243 : i32
      %add3A_245 = arith.constant 64 : i32
      %add3A_246 = arith.addi %mul3A_244, %add3A_245 : i32
      %get3A_247 = arith.index_cast %add3A_246 : i32 to index
      %get3A_248 = tpu.vector_load %arg9[%get3A_247] {strides = array<i32>} : memref<13312xf32, #tpu.memory_space<vmem>>, vector<16xf32>,
      %add3A_249 = arith.addf %add3A_242, %get3A_248 : vector<16xf32>
      %mul3A_250 = arith.constant 416 : i32
      %mul3A_251 = arith.muli %scan3A_215, %mul3A_250 : i32
      %add3A_252 = arith.constant 80 : i32
      %add3A_253 = arith.addi %mul3A_251, %add3A_252 : i32
      %get3A_254 = arith.index_cast %add3A_253 : i32 to index
      %get3A_255 = tpu.vector_load %arg9[%get3A_254] {strides = array<i32>} : memref<13312xf32, #tpu.memory_space<vmem>>, vector<16xf32>,
      %add3A_256 = arith.addf %add3A_249, %get3A_255 : vector<16xf32>
      %mul3A_257 = arith.constant 416 : i32
      %mul3A_258 = arith.muli %scan3A_215, %mul3A_257 : i32
      %add3A_259 = arith.constant 96 : i32
      %add3A_260 = arith.addi %mul3A_258, %add3A_259 : i32
      %get3A_261 = arith.index_cast %add3A_260 : i32 to index
      %get3A_262 = tpu.vector_load %arg9[%get3A_261] {strides = array<i32>} : memref<13312xf32, #tpu.memory_space<vmem>>, vector<16xf32>,
      %add3A_263 = arith.addf %add3A_256, %get3A_262 : vector<16xf32>
      %mul3A_264 = arith.constant 416 : i32
      %mul3A_265 = arith.muli %scan3A_215, %mul3A_264 : i32
      %add3A_266 = arith.constant 112 : i32
      %add3A_267 = arith.addi %mul3A_265, %add3A_266 : i32
      %get3A_268 = arith.index_cast %add3A_267 : i32 to index
      %get3A_269 = tpu.vector_load %arg9[%get3A_268] {strides = array<i32>} : memref<13312xf32, #tpu.memory_space<vmem>>, vector<16xf32>,
      %add3A_270 = arith.addf %add3A_263, %get3A_269 : vector<16xf32>
      %mul3A_271 = arith.constant 416 : i32
      %mul3A_272 = arith.muli %scan3A_215, %mul3A_271 : i32
      %add3A_273 = arith.constant 128 : i32
      %add3A_274 = arith.addi %mul3A_272, %add3A_273 : i32
      %get3A_275 = arith.index_cast %add3A_274 : i32 to index
      %get3A_276 = tpu.vector_load %arg9[%get3A_275] {strides = array<i32>} : memref<13312xf32, #tpu.memory_space<vmem>>, vector<16xf32>,
      %add3A_277 = arith.addf %add3A_270, %get3A_276 : vector<16xf32>
      %mul3A_278 = arith.constant 416 : i32
      %mul3A_279 = arith.muli %scan3A_215, %mul3A_278 : i32
      %add3A_280 = arith.constant 144 : i32
      %add3A_281 = arith.addi %mul3A_279, %add3A_280 : i32
      %get3A_282 = arith.index_cast %add3A_281 : i32 to index
      %get3A_283 = tpu.vector_load %arg9[%get3A_282] {strides = array<i32>} : memref<13312xf32, #tpu.memory_space<vmem>>, vector<16xf32>,
      %add3A_284 = arith.addf %add3A_277, %get3A_283 : vector<16xf32>
      %mul3A_285 = arith.constant 416 : i32
      %mul3A_286 = arith.muli %scan3A_215, %mul3A_285 : i32
      %add3A_287 = arith.constant 160 : i32
      %add3A_288 = arith.addi %mul3A_286, %add3A_287 : i32
      %get3A_289 = arith.index_cast %add3A_288 : i32 to index
      %get3A_290 = tpu.vector_load %arg9[%get3A_289] {strides = array<i32>} : memref<13312xf32, #tpu.memory_space<vmem>>, vector<16xf32>,
      %add3A_291 = arith.addf %add3A_284, %get3A_290 : vector<16xf32>
      %mul3A_292 = arith.constant 416 : i32
      %mul3A_293 = arith.muli %scan3A_215, %mul3A_292 : i32
      %add3A_294 = arith.constant 176 : i32
      %add3A_295 = arith.addi %mul3A_293, %add3A_294 : i32
      %get3A_296 = arith.index_cast %add3A_295 : i32 to index
      %get3A_297 = tpu.vector_load %arg9[%get3A_296] {strides = array<i32>} : memref<13312xf32, #tpu.memory_space<vmem>>, vector<16xf32>,
      %add3A_298 = arith.addf %add3A_291, %get3A_297 : vector<16xf32>
      %mul3A_299 = arith.constant 416 : i32
      %mul3A_300 = arith.muli %scan3A_215, %mul3A_299 : i32
      %add3A_301 = arith.constant 192 : i32
      %add3A_302 = arith.addi %mul3A_300, %add3A_301 : i32
      %get3A_303 = arith.index_cast %add3A_302 : i32 to index
      %get3A_304 = tpu.vector_load %arg9[%get3A_303] {strides = array<i32>} : memref<13312xf32, #tpu.memory_space<vmem>>, vector<16xf32>,
      %add3A_305 = arith.addf %add3A_298, %get3A_304 : vector<16xf32>
      %mul3A_306 = arith.constant 416 : i32
      %mul3A_307 = arith.muli %scan3A_215, %mul3A_306 : i32
      %add3A_308 = arith.constant 208 : i32
      %add3A_309 = arith.addi %mul3A_307, %add3A_308 : i32
      %get3A_310 = arith.index_cast %add3A_309 : i32 to index
      %get3A_311 = tpu.vector_load %arg9[%get3A_310] {strides = array<i32>} : memref<13312xf32, #tpu.memory_space<vmem>>, vector<16xf32>,
      %add3A_312 = arith.addf %add3A_305, %get3A_311 : vector<16xf32>
      %mul3A_313 = arith.constant 416 : i32
      %mul3A_314 = arith.muli %scan3A_215, %mul3A_313 : i32
      %add3A_315 = arith.constant 224 : i32
      %add3A_316 = arith.addi %mul3A_314, %add3A_315 : i32
      %get3A_317 = arith.index_cast %add3A_316 : i32 to index
      %get3A_318 = tpu.vector_load %arg9[%get3A_317] {strides = array<i32>} : memref<13312xf32, #tpu.memory_space<vmem>>, vector<16xf32>,
      %add3A_319 = arith.addf %add3A_312, %get3A_318 : vector<16xf32>
      %mul3A_320 = arith.constant 416 : i32
      %mul3A_321 = arith.muli %scan3A_215, %mul3A_320 : i32
      %add3A_322 = arith.constant 240 : i32
      %add3A_323 = arith.addi %mul3A_321, %add3A_322 : i32
      %get3A_324 = arith.index_cast %add3A_323 : i32 to index
      %get3A_325 = tpu.vector_load %arg9[%get3A_324] {strides = array<i32>} : memref<13312xf32, #tpu.memory_space<vmem>>, vector<16xf32>,
      %add3A_326 = arith.addf %add3A_319, %get3A_325 : vector<16xf32>
      %mul3A_327 = arith.constant 416 : i32
      %mul3A_328 = arith.muli %scan3A_215, %mul3A_327 : i32
      %add3A_329 = arith.constant 256 : i32
      %add3A_330 = arith.addi %mul3A_328, %add3A_329 : i32
      %get3A_331 = arith.index_cast %add3A_330 : i32 to index
      %get3A_332 = tpu.vector_load %arg9[%get3A_331] {strides = array<i32>} : memref<13312xf32, #tpu.memory_space<vmem>>, vector<16xf32>,
      %add3A_333 = arith.addf %add3A_326, %get3A_332 : vector<16xf32>
      %mul3A_334 = arith.constant 416 : i32
      %mul3A_335 = arith.muli %scan3A_215, %mul3A_334 : i32
      %add3A_336 = arith.constant 272 : i32
      %add3A_337 = arith.addi %mul3A_335, %add3A_336 : i32
      %get3A_338 = arith.index_cast %add3A_337 : i32 to index
      %get3A_339 = tpu.vector_load %arg9[%get3A_338] {strides = array<i32>} : memref<13312xf32, #tpu.memory_space<vmem>>, vector<16xf32>,
      %add3A_340 = arith.addf %add3A_333, %get3A_339 : vector<16xf32>
      %mul3A_341 = arith.constant 416 : i32
      %mul3A_342 = arith.muli %scan3A_215, %mul3A_341 : i32
      %add3A_343 = arith.constant 288 : i32
      %add3A_344 = arith.addi %mul3A_342, %add3A_343 : i32
      %get3A_345 = arith.index_cast %add3A_344 : i32 to index
      %get3A_346 = tpu.vector_load %arg9[%get3A_345] {strides = array<i32>} : memref<13312xf32, #tpu.memory_space<vmem>>, vector<16xf32>,
      %add3A_347 = arith.addf %add3A_340, %get3A_346 : vector<16xf32>
      %mul3A_348 = arith.constant 416 : i32
      %mul3A_349 = arith.muli %scan3A_215, %mul3A_348 : i32
      %add3A_350 = arith.constant 304 : i32
      %add3A_351 = arith.addi %mul3A_349, %add3A_350 : i32
      %get3A_352 = arith.index_cast %add3A_351 : i32 to index
      %get3A_353 = tpu.vector_load %arg9[%get3A_352] {strides = array<i32>} : memref<13312xf32, #tpu.memory_space<vmem>>, vector<16xf32>,
      %add3A_354 = arith.addf %add3A_347, %get3A_353 : vector<16xf32>
      %mul3A_355 = arith.constant 416 : i32
      %mul3A_356 = arith.muli %scan3A_215, %mul3A_355 : i32
      %add3A_357 = arith.constant 320 : i32
      %add3A_358 = arith.addi %mul3A_356, %add3A_357 : i32
      %get3A_359 = arith.index_cast %add3A_358 : i32 to index
      %get3A_360 = tpu.vector_load %arg9[%get3A_359] {strides = array<i32>} : memref<13312xf32, #tpu.memory_space<vmem>>, vector<16xf32>,
      %add3A_361 = arith.addf %add3A_354, %get3A_360 : vector<16xf32>
      %mul3A_362 = arith.constant 416 : i32
      %mul3A_363 = arith.muli %scan3A_215, %mul3A_362 : i32
      %add3A_364 = arith.constant 336 : i32
      %add3A_365 = arith.addi %mul3A_363, %add3A_364 : i32
      %get3A_366 = arith.index_cast %add3A_365 : i32 to index
      %get3A_367 = tpu.vector_load %arg9[%get3A_366] {strides = array<i32>} : memref<13312xf32, #tpu.memory_space<vmem>>, vector<16xf32>,
      %add3A_368 = arith.addf %add3A_361, %get3A_367 : vector<16xf32>
      %mul3A_369 = arith.constant 416 : i32
      %mul3A_370 = arith.muli %scan3A_215, %mul3A_369 : i32
      %add3A_371 = arith.constant 352 : i32
      %add3A_372 = arith.addi %mul3A_370, %add3A_371 : i32
      %get3A_373 = arith.index_cast %add3A_372 : i32 to index
      %get3A_374 = tpu.vector_load %arg9[%get3A_373] {strides = array<i32>} : memref<13312xf32, #tpu.memory_space<vmem>>, vector<16xf32>,
      %add3A_375 = arith.addf %add3A_368, %get3A_374 : vector<16xf32>
      %mul3A_376 = arith.constant 416 : i32
      %mul3A_377 = arith.muli %scan3A_215, %mul3A_376 : i32
      %add3A_378 = arith.constant 368 : i32
      %add3A_379 = arith.addi %mul3A_377, %add3A_378 : i32
      %get3A_380 = arith.index_cast %add3A_379 : i32 to index
      %get3A_381 = tpu.vector_load %arg9[%get3A_380] {strides = array<i32>} : memref<13312xf32, #tpu.memory_space<vmem>>, vector<16xf32>,
      %add3A_382 = arith.addf %add3A_375, %get3A_381 : vector<16xf32>
      %mul3A_383 = arith.constant 416 : i32
      %mul3A_384 = arith.muli %scan3A_215, %mul3A_383 : i32
      %add3A_385 = arith.constant 384 : i32
      %add3A_386 = arith.addi %mul3A_384, %add3A_385 : i32
      %get3A_387 = arith.index_cast %add3A_386 : i32 to index
      %get3A_388 = tpu.vector_load %arg9[%get3A_387] {strides = array<i32>} : memref<13312xf32, #tpu.memory_space<vmem>>, vector<16xf32>,
      %add3A_389 = arith.addf %add3A_382, %get3A_388 : vector<16xf32>
      %mul3A_390 = arith.constant 416 : i32
      %mul3A_391 = arith.muli %scan3A_215, %mul3A_390 : i32
      %add3A_392 = arith.constant 400 : i32
      %add3A_393 = arith.addi %mul3A_391, %add3A_392 : i32
      %get3A_394 = arith.index_cast %add3A_393 : i32 to index
      %get3A_395 = tpu.vector_load %arg9[%get3A_394] {strides = array<i32>} : memref<13312xf32, #tpu.memory_space<vmem>>, vector<16xf32>,
      %add3A_396 = arith.addf %add3A_389, %get3A_395 : vector<16xf32>
      %mul3A_397 = arith.constant 16 : i32
      %mul3A_398 = arith.muli %scan3A_215, %mul3A_397 : i32
      %swap3A = arith.index_cast %mul3A_398 : i32 to index
      %swap3A_399 = tpu.vector_load %arg12[%swap3A] {strides = array<i32>} : memref<512xf32, #tpu.memory_space<vmem>>, vector<16xf32>,
      tpu.vector_store %arg12[%swap3A], %add3A_396 {strides = array<i32>} : memref<512xf32, #tpu.memory_space<vmem>>, vector<16xf32>,
    }
    %scan3A_198 = arith.constant 8 : i32
    %dma_wait3A_199 = arith.constant 0 : i32
    %dma_wait3A_200 = arith.constant 9984 : i32
    %dma_wait3A_201 = tpu.memref_slice %arg9[%dma_wait3A_200] : memref<13312xf32, #tpu.memory_space<vmem>> -> memref<3328xf32, #tpu.memory_space<vmem>>
    %dma_wait3A_202 = arith.constant 9984 : i32
    %dma_wait3A_203 = tpu.memref_slice %arg8[%dma_wait3A_202] : memref<13312xi32, #tpu.memory_space<vmem>> -> memref<3328xi32, #tpu.memory_space<vmem>>
    %dma_wait3A_204 = arith.constant 0 : i32
    %dma_wait3A_205 = tpu.memref_slice %arg4[%dma_wait3A_199, %dma_wait3A_204] : memref<1x2600000xf32, #tpu.memory_space<hbm>> -> memref<1x2600000xf32, #tpu.memory_space<hbm>>
    %dma_wait3A_206 = tpu.memref_squeeze %dma_wait3A_205 : memref<1x2600000xf32, #tpu.memory_space<hbm>> -> memref<2600000xf32, #tpu.memory_space<hbm>>
    %dma_wait3A_207 = arith.constant 0 : i32
    %dma_wait3A_208 = tpu.memref_slice %dma_wait3A_206[%dma_wait3A_207] : memref<2600000xf32, #tpu.memory_space<hbm>> -> memref<2600000xf32, #tpu.memory_space<hbm>>
    tpu.wait_indirect_dma semaphore(%arg17 : memref<!tpu.dma_semaphore, #tpu.memory_space<semaphore_mem>>) src(%dma_wait3A_208 : memref<2600000xf32, #tpu.memory_space<hbm>>) dst(%dma_wait3A_201 : memref<3328xf32, #tpu.memory_space<vmem>>)
    %scan3A_209 = arith.constant 0 : i32
    %scan3A_210 = arith.constant 24 : i32
    %scan3A_211 = arith.constant 8 : i32
    %scan3A_212 = arith.addi %scan3A_210, %scan3A_211 : i32
    %scan3A_213 = arith.constant 1 : i32
    scf.for %scan3A_215 = %scan3A_210 to %scan3A_212 step %scan3A_213  : i32 {
      %mul3A_216 = arith.constant 416 : i32
      %mul3A_217 = arith.muli %scan3A_215, %mul3A_216 : i32
      %add3A_218 = arith.constant 0 : i32
      %add3A_219 = arith.addi %mul3A_217, %add3A_218 : i32
      %get3A = arith.index_cast %add3A_219 : i32 to index
      %get3A_220 = tpu.vector_load %arg9[%get3A] {strides = array<i32>} : memref<13312xf32, #tpu.memory_space<vmem>>, vector<16xf32>,
      %add3A_221 = arith.addf %gather3A_150, %get3A_220 : vector<16xf32>
      %mul3A_222 = arith.constant 416 : i32
      %mul3A_223 = arith.muli %scan3A_215, %mul3A_222 : i32
      %add3A_224 = arith.constant 16 : i32
      %add3A_225 = arith.addi %mul3A_223, %add3A_224 : i32
      %get3A_226 = arith.index_cast %add3A_225 : i32 to index
      %get3A_227 = tpu.vector_load %arg9[%get3A_226] {strides = array<i32>} : memref<13312xf32, #tpu.memory_space<vmem>>, vector<16xf32>,
      %add3A_228 = arith.addf %add3A_221, %get3A_227 : vector<16xf32>
      %mul3A_229 = arith.constant 416 : i32
      %mul3A_230 = arith.muli %scan3A_215, %mul3A_229 : i32
      %add3A_231 = arith.constant 32 : i32
      %add3A_232 = arith.addi %mul3A_230, %add3A_231 : i32
      %get3A_233 = arith.index_cast %add3A_232 : i32 to index
      %get3A_234 = tpu.vector_load %arg9[%get3A_233] {strides = array<i32>} : memref<13312xf32, #tpu.memory_space<vmem>>, vector<16xf32>,
      %add3A_235 = arith.addf %add3A_228, %get3A_234 : vector<16xf32>
      %mul3A_236 = arith.constant 416 : i32
      %mul3A_237 = arith.muli %scan3A_215, %mul3A_236 : i32
      %add3A_238 = arith.constant 48 : i32
      %add3A_239 = arith.addi %mul3A_237, %add3A_238 : i32
      %get3A_240 = arith.index_cast %add3A_239 : i32 to index
      %get3A_241 = tpu.vector_load %arg9[%get3A_240] {strides = array<i32>} : memref<13312xf32, #tpu.memory_space<vmem>>, vector<16xf32>,
      %add3A_242 = arith.addf %add3A_235, %get3A_241 : vector<16xf32>
      %mul3A_243 = arith.constant 416 : i32
      %mul3A_244 = arith.muli %scan3A_215, %mul3A_243 : i32
      %add3A_245 = arith.constant 64 : i32
      %add3A_246 = arith.addi %mul3A_244, %add3A_245 : i32
      %get3A_247 = arith.index_cast %add3A_246 : i32 to index
      %get3A_248 = tpu.vector_load %arg9[%get3A_247] {strides = array<i32>} : memref<13312xf32, #tpu.memory_space<vmem>>, vector<16xf32>,
      %add3A_249 = arith.addf %add3A_242, %get3A_248 : vector<16xf32>
      %mul3A_250 = arith.constant 416 : i32
      %mul3A_251 = arith.muli %scan3A_215, %mul3A_250 : i32
      %add3A_252 = arith.constant 80 : i32
      %add3A_253 = arith.addi %mul3A_251, %add3A_252 : i32
      %get3A_254 = arith.index_cast %add3A_253 : i32 to index
      %get3A_255 = tpu.vector_load %arg9[%get3A_254] {strides = array<i32>} : memref<13312xf32, #tpu.memory_space<vmem>>, vector<16xf32>,
      %add3A_256 = arith.addf %add3A_249, %get3A_255 : vector<16xf32>
      %mul3A_257 = arith.constant 416 : i32
      %mul3A_258 = arith.muli %scan3A_215, %mul3A_257 : i32
      %add3A_259 = arith.constant 96 : i32
      %add3A_260 = arith.addi %mul3A_258, %add3A_259 : i32
      %get3A_261 = arith.index_cast %add3A_260 : i32 to index
      %get3A_262 = tpu.vector_load %arg9[%get3A_261] {strides = array<i32>} : memref<13312xf32, #tpu.memory_space<vmem>>, vector<16xf32>,
      %add3A_263 = arith.addf %add3A_256, %get3A_262 : vector<16xf32>
      %mul3A_264 = arith.constant 416 : i32
      %mul3A_265 = arith.muli %scan3A_215, %mul3A_264 : i32
      %add3A_266 = arith.constant 112 : i32
      %add3A_267 = arith.addi %mul3A_265, %add3A_266 : i32
      %get3A_268 = arith.index_cast %add3A_267 : i32 to index
      %get3A_269 = tpu.vector_load %arg9[%get3A_268] {strides = array<i32>} : memref<13312xf32, #tpu.memory_space<vmem>>, vector<16xf32>,
      %add3A_270 = arith.addf %add3A_263, %get3A_269 : vector<16xf32>
      %mul3A_271 = arith.constant 416 : i32
      %mul3A_272 = arith.muli %scan3A_215, %mul3A_271 : i32
      %add3A_273 = arith.constant 128 : i32
      %add3A_274 = arith.addi %mul3A_272, %add3A_273 : i32
      %get3A_275 = arith.index_cast %add3A_274 : i32 to index
      %get3A_276 = tpu.vector_load %arg9[%get3A_275] {strides = array<i32>} : memref<13312xf32, #tpu.memory_space<vmem>>, vector<16xf32>,
      %add3A_277 = arith.addf %add3A_270, %get3A_276 : vector<16xf32>
      %mul3A_278 = arith.constant 416 : i32
      %mul3A_279 = arith.muli %scan3A_215, %mul3A_278 : i32
      %add3A_280 = arith.constant 144 : i32
      %add3A_281 = arith.addi %mul3A_279, %add3A_280 : i32
      %get3A_282 = arith.index_cast %add3A_281 : i32 to index
      %get3A_283 = tpu.vector_load %arg9[%get3A_282] {strides = array<i32>} : memref<13312xf32, #tpu.memory_space<vmem>>, vector<16xf32>,
      %add3A_284 = arith.addf %add3A_277, %get3A_283 : vector<16xf32>
      %mul3A_285 = arith.constant 416 : i32
      %mul3A_286 = arith.muli %scan3A_215, %mul3A_285 : i32
      %add3A_287 = arith.constant 160 : i32
      %add3A_288 = arith.addi %mul3A_286, %add3A_287 : i32
      %get3A_289 = arith.index_cast %add3A_288 : i32 to index
      %get3A_290 = tpu.vector_load %arg9[%get3A_289] {strides = array<i32>} : memref<13312xf32, #tpu.memory_space<vmem>>, vector<16xf32>,
      %add3A_291 = arith.addf %add3A_284, %get3A_290 : vector<16xf32>
      %mul3A_292 = arith.constant 416 : i32
      %mul3A_293 = arith.muli %scan3A_215, %mul3A_292 : i32
      %add3A_294 = arith.constant 176 : i32
      %add3A_295 = arith.addi %mul3A_293, %add3A_294 : i32
      %get3A_296 = arith.index_cast %add3A_295 : i32 to index
      %get3A_297 = tpu.vector_load %arg9[%get3A_296] {strides = array<i32>} : memref<13312xf32, #tpu.memory_space<vmem>>, vector<16xf32>,
      %add3A_298 = arith.addf %add3A_291, %get3A_297 : vector<16xf32>
      %mul3A_299 = arith.constant 416 : i32
      %mul3A_300 = arith.muli %scan3A_215, %mul3A_299 : i32
      %add3A_301 = arith.constant 192 : i32
      %add3A_302 = arith.addi %mul3A_300, %add3A_301 : i32
      %get3A_303 = arith.index_cast %add3A_302 : i32 to index
      %get3A_304 = tpu.vector_load %arg9[%get3A_303] {strides = array<i32>} : memref<13312xf32, #tpu.memory_space<vmem>>, vector<16xf32>,
      %add3A_305 = arith.addf %add3A_298, %get3A_304 : vector<16xf32>
      %mul3A_306 = arith.constant 416 : i32
      %mul3A_307 = arith.muli %scan3A_215, %mul3A_306 : i32
      %add3A_308 = arith.constant 208 : i32
      %add3A_309 = arith.addi %mul3A_307, %add3A_308 : i32
      %get3A_310 = arith.index_cast %add3A_309 : i32 to index
      %get3A_311 = tpu.vector_load %arg9[%get3A_310] {strides = array<i32>} : memref<13312xf32, #tpu.memory_space<vmem>>, vector<16xf32>,
      %add3A_312 = arith.addf %add3A_305, %get3A_311 : vector<16xf32>
      %mul3A_313 = arith.constant 416 : i32
      %mul3A_314 = arith.muli %scan3A_215, %mul3A_313 : i32
      %add3A_315 = arith.constant 224 : i32
      %add3A_316 = arith.addi %mul3A_314, %add3A_315 : i32
      %get3A_317 = arith.index_cast %add3A_316 : i32 to index
      %get3A_318 = tpu.vector_load %arg9[%get3A_317] {strides = array<i32>} : memref<13312xf32, #tpu.memory_space<vmem>>, vector<16xf32>,
      %add3A_319 = arith.addf %add3A_312, %get3A_318 : vector<16xf32>
      %mul3A_320 = arith.constant 416 : i32
      %mul3A_321 = arith.muli %scan3A_215, %mul3A_320 : i32
      %add3A_322 = arith.constant 240 : i32
      %add3A_323 = arith.addi %mul3A_321, %add3A_322 : i32
      %get3A_324 = arith.index_cast %add3A_323 : i32 to index
      %get3A_325 = tpu.vector_load %arg9[%get3A_324] {strides = array<i32>} : memref<13312xf32, #tpu.memory_space<vmem>>, vector<16xf32>,
      %add3A_326 = arith.addf %add3A_319, %get3A_325 : vector<16xf32>
      %mul3A_327 = arith.constant 416 : i32
      %mul3A_328 = arith.muli %scan3A_215, %mul3A_327 : i32
      %add3A_329 = arith.constant 256 : i32
      %add3A_330 = arith.addi %mul3A_328, %add3A_329 : i32
      %get3A_331 = arith.index_cast %add3A_330 : i32 to index
      %get3A_332 = tpu.vector_load %arg9[%get3A_331] {strides = array<i32>} : memref<13312xf32, #tpu.memory_space<vmem>>, vector<16xf32>,
      %add3A_333 = arith.addf %add3A_326, %get3A_332 : vector<16xf32>
      %mul3A_334 = arith.constant 416 : i32
      %mul3A_335 = arith.muli %scan3A_215, %mul3A_334 : i32
      %add3A_336 = arith.constant 272 : i32
      %add3A_337 = arith.addi %mul3A_335, %add3A_336 : i32
      %get3A_338 = arith.index_cast %add3A_337 : i32 to index
      %get3A_339 = tpu.vector_load %arg9[%get3A_338] {strides = array<i32>} : memref<13312xf32, #tpu.memory_space<vmem>>, vector<16xf32>,
      %add3A_340 = arith.addf %add3A_333, %get3A_339 : vector<16xf32>
      %mul3A_341 = arith.constant 416 : i32
      %mul3A_342 = arith.muli %scan3A_215, %mul3A_341 : i32
      %add3A_343 = arith.constant 288 : i32
      %add3A_344 = arith.addi %mul3A_342, %add3A_343 : i32
      %get3A_345 = arith.index_cast %add3A_344 : i32 to index
      %get3A_346 = tpu.vector_load %arg9[%get3A_345] {strides = array<i32>} : memref<13312xf32, #tpu.memory_space<vmem>>, vector<16xf32>,
      %add3A_347 = arith.addf %add3A_340, %get3A_346 : vector<16xf32>
      %mul3A_348 = arith.constant 416 : i32
      %mul3A_349 = arith.muli %scan3A_215, %mul3A_348 : i32
      %add3A_350 = arith.constant 304 : i32
      %add3A_351 = arith.addi %mul3A_349, %add3A_350 : i32
      %get3A_352 = arith.index_cast %add3A_351 : i32 to index
      %get3A_353 = tpu.vector_load %arg9[%get3A_352] {strides = array<i32>} : memref<13312xf32, #tpu.memory_space<vmem>>, vector<16xf32>,
      %add3A_354 = arith.addf %add3A_347, %get3A_353 : vector<16xf32>
      %mul3A_355 = arith.constant 416 : i32
      %mul3A_356 = arith.muli %scan3A_215, %mul3A_355 : i32
      %add3A_357 = arith.constant 320 : i32
      %add3A_358 = arith.addi %mul3A_356, %add3A_357 : i32
      %get3A_359 = arith.index_cast %add3A_358 : i32 to index
      %get3A_360 = tpu.vector_load %arg9[%get3A_359] {strides = array<i32>} : memref<13312xf32, #tpu.memory_space<vmem>>, vector<16xf32>,
      %add3A_361 = arith.addf %add3A_354, %get3A_360 : vector<16xf32>
      %mul3A_362 = arith.constant 416 : i32
      %mul3A_363 = arith.muli %scan3A_215, %mul3A_362 : i32
      %add3A_364 = arith.constant 336 : i32
      %add3A_365 = arith.addi %mul3A_363, %add3A_364 : i32
      %get3A_366 = arith.index_cast %add3A_365 : i32 to index
      %get3A_367 = tpu.vector_load %arg9[%get3A_366] {strides = array<i32>} : memref<13312xf32, #tpu.memory_space<vmem>>, vector<16xf32>,
      %add3A_368 = arith.addf %add3A_361, %get3A_367 : vector<16xf32>
      %mul3A_369 = arith.constant 416 : i32
      %mul3A_370 = arith.muli %scan3A_215, %mul3A_369 : i32
      %add3A_371 = arith.constant 352 : i32
      %add3A_372 = arith.addi %mul3A_370, %add3A_371 : i32
      %get3A_373 = arith.index_cast %add3A_372 : i32 to index
      %get3A_374 = tpu.vector_load %arg9[%get3A_373] {strides = array<i32>} : memref<13312xf32, #tpu.memory_space<vmem>>, vector<16xf32>,
      %add3A_375 = arith.addf %add3A_368, %get3A_374 : vector<16xf32>
      %mul3A_376 = arith.constant 416 : i32
      %mul3A_377 = arith.muli %scan3A_215, %mul3A_376 : i32
      %add3A_378 = arith.constant 368 : i32
      %add3A_379 = arith.addi %mul3A_377, %add3A_378 : i32
      %get3A_380 = arith.index_cast %add3A_379 : i32 to index
      %get3A_381 = tpu.vector_load %arg9[%get3A_380] {strides = array<i32>} : memref<13312xf32, #tpu.memory_space<vmem>>, vector<16xf32>,
      %add3A_382 = arith.addf %add3A_375, %get3A_381 : vector<16xf32>
      %mul3A_383 = arith.constant 416 : i32
      %mul3A_384 = arith.muli %scan3A_215, %mul3A_383 : i32
      %add3A_385 = arith.constant 384 : i32
      %add3A_386 = arith.addi %mul3A_384, %add3A_385 : i32
      %get3A_387 = arith.index_cast %add3A_386 : i32 to index
      %get3A_388 = tpu.vector_load %arg9[%get3A_387] {strides = array<i32>} : memref<13312xf32, #tpu.memory_space<vmem>>, vector<16xf32>,
      %add3A_389 = arith.addf %add3A_382, %get3A_388 : vector<16xf32>
      %mul3A_390 = arith.constant 416 : i32
      %mul3A_391 = arith.muli %scan3A_215, %mul3A_390 : i32
      %add3A_392 = arith.constant 400 : i32
      %add3A_393 = arith.addi %mul3A_391, %add3A_392 : i32
      %get3A_394 = arith.index_cast %add3A_393 : i32 to index
      %get3A_395 = tpu.vector_load %arg9[%get3A_394] {strides = array<i32>} : memref<13312xf32, #tpu.memory_space<vmem>>, vector<16xf32>,
      %add3A_396 = arith.addf %add3A_389, %get3A_395 : vector<16xf32>
      %mul3A_397 = arith.constant 16 : i32
      %mul3A_398 = arith.muli %scan3A_215, %mul3A_397 : i32
      %swap3A = arith.index_cast %mul3A_398 : i32 to index
      %swap3A_399 = tpu.vector_load %arg12[%swap3A] {strides = array<i32>} : memref<512xf32, #tpu.memory_space<vmem>>, vector<16xf32>,
      tpu.vector_store %arg12[%swap3A], %add3A_396 {strides = array<i32>} : memref<512xf32, #tpu.memory_space<vmem>>, vector<16xf32>,
    }
    %scan3A_214 = arith.constant 8 : i32
    "tpu.region"() ({
      %run_scoped3A = tpu.sem_alloc : memref<!tpu.dma_semaphore, #tpu.memory_space<semaphore_mem>>
      %dma_start3A_215 = tpu.memref_slice %arg6[%mul3A_2] : memref<16384xf32, #tpu.memory_space<hbm>> -> memref<512xf32, #tpu.memory_space<hbm>>
      %dma_start3A_216 = tpu.memref_slice %arg6[%mul3A_2] : memref<16384xf32, #tpu.memory_space<hbm>> -> memref<512xf32, #tpu.memory_space<hbm>>
      tpu.enqueue_dma source(%arg12 : memref<512xf32, #tpu.memory_space<vmem>>) target(%dma_start3A_216 : memref<512xf32, #tpu.memory_space<hbm>>) target_semaphore(%run_scoped3A : memref<!tpu.dma_semaphore, #tpu.memory_space<semaphore_mem>>)
      %dma_wait3A_217 = tpu.memref_slice %arg6[%mul3A_2] : memref<16384xf32, #tpu.memory_space<hbm>> -> memref<512xf32, #tpu.memory_space<hbm>>
      %dma_wait3A_218 = tpu.memref_slice %arg6[%mul3A_2] : memref<16384xf32, #tpu.memory_space<hbm>> -> memref<512xf32, #tpu.memory_space<hbm>>
      tpu.wait_dma2 semaphore(%run_scoped3A : memref<!tpu.dma_semaphore, #tpu.memory_space<semaphore_mem>>) src(%arg12 : memref<512xf32, #tpu.memory_space<vmem>>) dst(%dma_wait3A_218 : memref<512xf32, #tpu.memory_space<hbm>>)
      tpu.yield
    }) : () -> ()
    return
  }
}

</mosaic_0001>

<sc_bundles>
// kernel: kernel.3.cloned.1.call-start
scs
__scs_entry_jumppad:
0x0: {  	(pc) =	sbr.rel $0x88, $3  }
0x1: {  	(tag) =	ssettag $0x0;
	lr =	simm.s32 $0x1  }
0x2: {  	[smem:$0x3F9D] =	sst lr;
	_ =	strace $0xD0000000  }
0x3: {  	_ = 	snop  }
0x4: {  	_ = 	snop  }
0x5: {  	_ = 	snop  }
0x6: {  	_ = 	snop  }
0x7: {  	_ = 	snop  }
__scs_overlays_trampoline_lowered:
0x8: {  	[smem:$0x3FAC] =	sst s0  }
0x9: {  	[smem:$0x3FAD] =	sst s1  }
0xa: {  	[smem:$0x3FAE] =	sst s2  }
0xb: {  	[smem:$0x3FAF] =	sst s3  }
0xc: {  	[smem:$0x3FB0] =	sst s4  }
0xd: {  	[smem:$0x3FB1] =	sst s5  }
0xe: {  	[smem:$0x3FB2] =	sst s6  }
0xf: {  	[smem:$0x3FB3] =	sst s7  }
0x10: {  	[smem:$0x3FB4] =	sst s8  }
0x11: {  	[smem:$0x3FB5] =	sst s9;
	s0 =	simm.s32 @!p0 $0x0  }
0x12: {  	s1 =	sld [smem:$0x3F9B];
	s0 =	simm.s32 @p0 $0x1  }
0x13: {  	[smem:$0x3FB6] =	sst s0;
	s0 =	simm.s32 @!p1 $0x0  }
0x14: {  	s2 =	sld [smem:$0x3F9A];
	s0 =	simm.s32 @p1 $0x1  }
0x15: {  	[smem:$0x3FB7] =	sst s0;
	s0 =	simm.s32 @!p2 $0x0  }
0x16: {  	s3 =	sld [smem:$0x3FDB];
	s0 =	simm.s32 @p2 $0x1  }
0x17: {  	s4 =	simm.s32 $0x1BF5;
	[smem:$0x3FB9] =	sst s0  }
0x18: {  	s0 =	sld [smem:$0x3F9C];
	_ =	swait.ge [sflag:s4], $0x0  }
0x19: {  	s7 =	sld [smem:$0x3F9D]  }
0x1a: {  	s8 =	sadd.s32 $0xFFFFE003, lr  }
0x1b: {  	s9 =	sadd.s32 $0xFFFFFEF7, lr;
	s5 =	simm.s32 $0xFFFFFFFF;
	p2 =	slt.u32 s8, $0xFFFFF086  }
0x1c: {  	p1 =	slt.u32 s9, $0xF7A;
	s5 =	simm.s32 @!p2 $0x0  }
0x1d: {  	s5 =	simm.s32 @p1 $0x1;
	p0 =	seq.s32 s7, s2  }
0x1e: {  	s7 =	smul.u32 @!p0 $0xF7A, s2;
	p2 =	seq.s32 @!p0 s5, $0x0  }
0x1f: {  	s9 =	smul.u32 $0xF7A, s1;
	s8 =	simm.s32 @!p0 $0x1BF5;
	p2 =	por !p2, p0  }
0x20: {  	[sflag:s8] =	ssyncset.s32 @!p0 $0xFFFFF086;
	s6 =	sadd.s32 @!p0 s3, s7;
	s7 =	simm.s32 @!p0 $0x108  }
0x21: {  	s3 =	sadd.s32 s3, s9;
	s6 =	sadd.s32 @!p0 $0x88, s6;
	s7 =	simm.s32 @p2 $0x1082  }
0x22: {  	[simem:s7], [sflag:s8] =	dma.local @!p0 [hbm:s6], $0xF7A  }
0x23: {  	s9 =	sor.u32 $0xD0000000, s2;
	s6 =	simm.s32 $0x108;
	_ =	swait.ge @!p0 [sflag:s8], $0x0  }
0x24: {  	s3 =	sadd.s32 $0x88, s3;
	s6 =	simm.s32 @!p1 $0x1082;
	[sflag:s4] =	ssyncset.s32 $0xFFFFF086  }
0x25: {  	[simem:s6], [sflag:s4] =	dma.local [hbm:s3], $0xF7A  }
0x26: {  	[smem:$0x3F9D] =	sst s1;
	(tag) =	ssettag s2;
	_ =	strace s9  }
0x27: {  	s1 =	sld [smem:$0x3FAD]  }
0x28: {  	s2 =	sld [smem:$0x3FAE]  }
0x29: {  	s4 =	sld [smem:$0x3FB0]  }
0x2a: {  	p0 =	seq.s32 s5, $0x0;
	s5 =	sld [smem:$0x3FB1]  }
0x2b: {  	s6 =	sld [smem:$0x3FB2]  }
0x2c: {  	s7 =	sld [smem:$0x3FB3]  }
0x2d: {  	s3 =	simm.s32 $0x108;
	s8 =	sld [smem:$0x3FB4]  }
0x2e: {  	s3 =	simm.s32 @!p0 $0x1082;
	s9 =	sld [smem:$0x3FB5]  }
0x2f: {  	lr =	sadd.s32 s0, s3;
	s0 =	sld [smem:$0x3FAC]  }
0x30: {  	s3 =	sld [smem:$0x3FAF]  }
0x31: {  	[smem:$0x3FB8] =	sst s10  }
0x32: {  	s10 =	sld [smem:$0x3FB6];
	_ =	sdelay $0x3  }
0x33: {  	p0 =	seq.s32 s10, $0x1;
	s10 =	sld [smem:$0x3FB8];
	_ =	sdelay $0x3  }
0x34: {  	[smem:$0x3FB8] =	sst s10  }
0x35: {  	s10 =	sld [smem:$0x3FB7];
	_ =	sdelay $0x3  }
0x36: {  	p1 =	seq.s32 s10, $0x1;
	s10 =	sld [smem:$0x3FB8];
	_ =	sdelay $0x3  }
0x37: {  	[smem:$0x3FB8] =	sst s10  }
0x38: {  	s10 =	sld [smem:$0x3FB9]  }
0x39: {  	_ = 	snop;
	(pc) =	sbr.ind lr, $3  }
0x3a: {  	_ = 	snop  }
0x3b: {  	_ = 	snop  }
0x3c: {  	p2 =	seq.s32 s10, $0x1;
	s10 =	sld [smem:$0x3FB8]  }
0x3d: {  	_ =	shalt  }
0x3e: {  	_ =	shalt  }
0x3f: {  	_ =	shalt  }
0x40: {  	_ =	shalt  }
0x41: {  	_ =	shalt  }
0x42: {  	_ =	shalt  }
0x43: {  	_ =	shalt  }
0x44: {  	_ =	shalt  }
0x45: {  	_ =	shalt  }
0x46: {  	_ =	shalt  }
0x47: {  	_ =	shalt  }
0x48: {  	_ =	shalt  }
0x49: {  	_ =	shalt  }
0x4a: {  	_ =	shalt  }
0x4b: {  	_ =	shalt  }
0x4c: {  	_ =	shalt  }
0x4d: {  	_ =	shalt  }
0x4e: {  	_ =	shalt  }
0x4f: {  	_ =	shalt  }
0x50: {  	_ =	shalt  }
0x51: {  	_ =	shalt  }
0x52: {  	_ =	shalt  }
0x53: {  	_ =	shalt  }
0x54: {  	_ =	shalt  }
0x55: {  	_ =	shalt  }
0x56: {  	_ =	shalt  }
0x57: {  	_ =	shalt  }
0x58: {  	_ =	shalt  }
0x59: {  	_ =	shalt  }
0x5a: {  	_ =	shalt  }
0x5b: {  	_ =	shalt  }
0x5c: {  	_ =	shalt  }
0x5d: {  	_ =	shalt  }
0x5e: {  	_ =	shalt  }
0x5f: {  	_ =	shalt  }
0x60: {  	_ =	shalt  }
0x61: {  	_ =	shalt  }
0x62: {  	_ =	shalt  }
0x63: {  	_ =	shalt  }
0x64: {  	_ =	shalt  }
0x65: {  	_ =	shalt  }
0x66: {  	_ =	shalt  }
0x67: {  	_ =	shalt  }
0x68: {  	_ =	shalt  }
0x69: {  	_ =	shalt  }
0x6a: {  	_ =	shalt  }
0x6b: {  	_ =	shalt  }
0x6c: {  	_ =	shalt  }
0x6d: {  	_ =	shalt  }
0x6e: {  	_ =	shalt  }
0x6f: {  	_ =	shalt  }
0x70: {  	_ =	shalt  }
0x71: {  	_ =	shalt  }
0x72: {  	_ =	shalt  }
0x73: {  	_ =	shalt  }
0x74: {  	_ =	shalt  }
0x75: {  	_ =	shalt  }
0x76: {  	_ =	shalt  }
0x77: {  	_ =	shalt  }
0x78: {  	_ =	shalt  }
0x79: {  	_ =	shalt  }
0x7a: {  	_ =	shalt  }
0x7b: {  	_ =	shalt  }
0x7c: {  	_ =	shalt  }
0x7d: {  	_ =	shalt  }
0x7e: {  	_ =	shalt  }
0x7f: {  	_ =	shalt  }
0x80: {  	_ =	shalt  }
0x81: {  	_ =	shalt  }
0x82: {  	_ =	shalt  }
0x83: {  	_ =	shalt  }
0x84: {  	_ =	shalt  }
0x85: {  	_ =	shalt  }
0x86: {  	_ =	shalt  }
0x87: {  	_ =	shalt  }
.Lfunc_end0:
.L_simem_size_0:
called_computation_lowered:
.L_overlay_start_0:
0x88: {  	s2 =	sld [smem:$0x3FD9]  }
0x89: {  	s3 =	sld [smem:$0x3FFE];
	_ =	sdelay $0x1  }
0x8a: {  	s1 =	srdreg.scid  }
0x8b: {  	s0 =	sand.u32 $0x1, s1  }
0x8c: {  	s18 =	sshll.u32 s0, $0xA;
	s2 =	sadd.s32 s3, s2  }
0x8d: {  	s2 =	sadd.s32 s2, s18  }
0x8e: {  	[smem:$0x3FC4] =	sst s2  }
0x8f: {  	_ = 	snop  }
0x90: {  	s2 =	sld [smem:$0x3FC9]  }
0x91: {  	s19 =	sld [smem:$0x3FC8]  }
0x92: {  	s4 =	sld [smem:$0x3FC7]  }
0x93: {  	s5 =	sld [smem:$0x3FC6]  }
0x94: {  	s6 =	sld [smem:$0x3FD0];
	(tm) =	ssettm $0x1  }
0x95: {  	s7 =	sld [smem:$0x3FFB];
	_ =	sdelay $0x3  }
0x96: {  	_ =	strace s7  }
0x97: {  	s7 =	sld [smem:$0x3FFC];
	_ =	sdelay $0x3  }
0x98: {  	_ =	strace s7  }
0x99: {  	s7 =	sld [smem:$0x3FFD];
	_ =	sdelay $0x3  }
0x9a: {  	_ =	strace s7  }
0x9b: {  	_ =	strace $0x8FFFFFFF  }
0x9c: {  	s20 =	sld [smem:$0x3FDB];
	_ =	sdelay $0x1  }
0x9d: {  	s8 =	simm.s32 $_scs_section_size  }
0x9e: {  	s9 =	simm.s32 $_size__tile_overlayer_lowered;
	s10 =	simm.s32 $_tile_overlayer_lowered  }
0x9f: {  	s23 =	simm.s32 $0x1BFF;
	s22 =	sshll.u32 s10, $0x1;
	s7 =	sadd.s32 s8, s20  }
0xa0: {  	s11 =	simm.s32 $0x0;
	s21 =	sshll.u32 s9, $0x1;
	s9 =	sadd.s32 s22, s7  }
0xa1: {  	[timem:s11], [sflag:s23] =	dma.local [hbm:s9], s21  }
0xa2: {  	_ =	swait.ge [sflag:s23], s21  }
0xa3: {  	s8 =	ssub.s32 $0x0, s21;
	[sflag:s23] =	ssyncset.done $0x0  }
0xa4: {  	[sflag:s23] =	ssyncadd.s32 s8;
	_ =	sdelay $0x1  }
0xa5: {  	s24 =	simm.s32 $0x1B8B  }
0xa6: {  	_ =	swait.ge [sflag:s24], $0x1  }
0xa7: {  	[sflag:s24] =	ssyncset.done $0x0  }
0xa8: {  	s25 =	simm.s32 $0x1B8E;
	[sflag:s24] =	ssyncadd.s32 $0xFFFFFFFF  }
0xa9: {  	s26 =	simm.s32 $execute0_lowered;
	[smem:$0x3FD2] =	sst s25  }
0xaa: {  	s8 =	sshll.u32 s26, $0x1;
	_ =	strace $0x80000046;
	[dreg:$0x1] =	wrdreg $0xFFFFFFFF  }
0xab: {  	s28 =	simm.s32 $_size_execute0_lowered;
	s7 =	sadd.s32 s7, s8;
	[dreg:$0x0] =	wrdreg $0x0  }
0xac: {  	s8 =	sshll.u32 s28, $0x1;
	[dreg:$0x2] =	wrdreg s7  }
0xad: {  	[dreg:$0x3] =	wrdreg s8  }
0xae: {  	[dreg:$0x4] =	wrdreg $0xC0  }
0xaf: {  	_ =	task [dreg:s11], $0x5FFFF  }
0xb0: {  	[dreg:$0x1] =	wrdreg $0xFFFFFFFF  }
0xb1: {  	[dreg:$0x0] =	wrdreg $0x60  }
0xb2: {  	[dreg:$0x2] =	wrdreg s2  }
0xb3: {  	[dreg:$0x3] =	wrdreg s19  }
0xb4: {  	[dreg:$0x4] =	wrdreg s4  }
0xb5: {  	[dreg:$0x5] =	wrdreg s5  }
0xb6: {  	[dreg:$0x6] =	wrdreg s6  }
0xb7: {  	[dreg:$0x7] =	wrdreg $0x9  }
0xb8: {  	_ =	task.clear_ibuf [dreg:s11], $0x8FFFF;
	_ =	strace $0x90000046  }
0xb9: {  	s29 =	simm.s32 $0x9;
	_ =	strace $0x80000048  }
0xba: {  	_ =	swait.ge [sflag:s29], $0x1  }
0xbb: {  	[sflag:s29] =	ssyncadd.s32 $0xFFFFFFFF  }
0xbc: {  	_ =	strace $0x90000048  }
0xbd: {  	_ =	sfence  }
0xbe: {  	s30 =	sld [smem:$0x0];
	_ =	sdelay $0x2  }
0xbf: {  	s31 =	sshll.u32 s1, $0xD;
	s1 =	sshrl.u32 s1, $0x2  }
0xc0: {  	s3 =	sand.u32 $0x4000, s31;
	s1 =	sadd.s32 s1, s30  }
0xc1: {  	s0 =	sor.u32 s3, s0;
	s1 =	sshll.u32 s1, $0x11  }
0xc2: {  	s0 =	sor.u32 s1, s0  }
0xc3: {  	s0 =	sadd.s32 $0x8F2B, s0  }
0xc4: {  	[sflag:s0] =	ssyncadd.remote.s32 $0x1  }
0xc5: {  	_ =	sfence.sel $0xFFFF  }
0xc6: {  	[dreg:$0x0] =	wrdreg $0xFFFFFFFF;
	(pc) =	sbr.abs _section_cstart, $3  }
0xc7: {  	[dreg:$0x1] =	wrdreg $0xFFFFFFFF  }
0xc8: {  	_ =	task.clear_ibuf [dreg:s11], $0x2FFFF;
	_ =	strace $0x9FFFFFFF  }
0xc9: {  	(tm) =	ssettm $0x7FFFFFFF  }
tec
execute0_lowered:
.L_overlay_start_1:
0x0: {  	(tag) =	ssettag $0x1  }
0x1: {  	s0 =	rddreg [dreg:$0x0]  }
0x2: {  	s2 =	rddreg [dreg:$0x2]  }
0x3: {  	s1 =	rddreg [dreg:$0x4]  }
0x4: {  	s3 =	srdreg.scid;
	s4 =	stileid.u32;
	s5 =	simm.s32 $0x0  }
0x5: {  	s12 =	simm.s32 $0x6;
	s14 =	simm.s32 $0xA800;
	s15 =	simm.s32 $0x1  }
0x6: {  	v0 =	vimm.s32 $0x8;
	v1 =	vimm.s32 $0x9;
	s18 =	simm.s32 $0xD00;
	s19 =	simm.s32 $0x4D00;
	s20 =	simm.s32 $0x8100  }
0x7: {  	v2 =	vimm.s32 $0xA;
	v3 =	vimm.s32 $0xB;
	v4 =	vimm.s32 $0xC;
	s21 =	simm.s32 $0x5A00;
	s22 =	simm.s32 $0x8E00;
	s23 =	simm.s32 $0x6700  }
0x8: {  	v5 =	vimm.s32 $0xD;
	v6 =	vimm.s32 $0xE;
	v7 =	vimm.s32 $0xF;
	s24 =	simm.s32 $0x9B00;
	s25 =	simm.s32 $0xA880;
	s28 =	simm.s32 $0x3  }
0x9: {  	v8 =	vimm.s32 $0x10;
	v9 =	vimm.s32 $0x11;
	v10 =	vimm.s32 $0x12;
	s29 =	simm.s32 $0x4;
	s30 =	simm.s32 $0x5;
	s3 =	sand.u32 $0x1, s3  }
0xa: {  	v11 =	vimm.s32 $0x13;
	v12 =	vimm.s32 $0x14;
	v13 =	vimm.s32 $0x15;
	s31 =	simm.s32 $0xA900;
	s4 =	sshll.u32 s4, $0xA;
	s6 =	sshll.u32 s3, $0x9  }
0xb: {  	v14 =	vimm.s32 $0x16;
	v15 =	vimm.s32 $0x17;
	v16 =	vimm.s32 $0x18;
	[smem:$0x7FF] =	sst s5;
	s3 =	ssub.s32 $0x2, s3;
	s4 =	sor.u32 s6, s4  }
0xc: {  	v17 =	vimm.s32 $0x19;
	v18 =	vimm.s32 $0x1A;
	v19 =	vimm.s32 $0x1B;
	_ =	strace $0x80000047;
	s26 =	sshrl.u32 s3, $0x1;
	s7 =	sshrl.u32 s4, $0x3  }
0xd: {  	v20 =	vimm.s32 $0x1C;
	v21 =	vimm.s32 $0x1D;
	v22 =	vimm.s32 $0x1E;
	s3 =	ssub.s32 s3, s26;
	s6 =	sadd.s32 s0, s4;
	s26 =	simm.s32 $0x2  }
0xe: {  	v23 =	vimm.s32 $0x1F;
	v24 =	vimm.s32 $0x20;
	v25 =	vimm.s32 $0x21;
	s0 =	simm.s32 $0x0;
	s7 =	sadd.s32 s1, s7;
	s8 =	smax.u32 s3, $0x1  }
.LBB2_1:
0xf: {  	s1 =	simm.s32 $0x1000;
	s3 =	simm.s32 $0x20000  }
0x10: {  	[tilespmem:s5], [sflag:$0x1] =	stream.strided.gather [hbm4b:s6+s1], $0x4000, s3, s1, $0x38;
	[tilespmem:$0xAB00] =	vst v63  }
0x11: {  	s11 =	rddreg [dreg:$0x1];
	s13 =	simm.s32 $0xA808  }
0x12: {  	[tilespmem:s13], [sflag:$0x6] =	stream.linear.gather [hbm4b:s11+s5], $0x1A, $0x38;
	[tilespmem:$0xAB00] =	vst v63  }
0x13: {  	_ =	swait.ge [sflag:s12], $0x1A  }
0x14: {  	[sflag:s12] =	ssyncset.done $0x0  }
0x15: {  	[sflag:s12] =	ssyncadd.s32 $0xFFFFFFE6  }
0x16: {  	s17 =	simm.s32 $0xA888;
	s16 =	rddreg [dreg:$0x3]  }
0x17: {  	[tilespmem:s17], [sflag:$0x6] =	stream.linear.gather [hbm4b:s16+s5], $0x1, $0x38;
	[tilespmem:$0xAB00] =	vst v63  }
0x18: {  	_ =	swait.ge [sflag:s12], $0x1  }
0x19: {  	[sflag:s12] =	ssyncset.done $0x0  }
0x1a: {  	[sflag:s12] =	ssyncadd.s32 $0xFFFFFFFF  }
0x1b: {  	v51 =	vld.idx.msk [tilespmem:v0+s14+$0x0], $0xffff  }
0x1c: {  	v50 =	vld.idx.msk [tilespmem:v1+s14+$0x0], $0xffff  }
0x1d: {  	v49 =	vld.idx.msk [tilespmem:v2+s14+$0x0], $0xffff  }
0x1e: {  	v48 =	vld.idx.msk [tilespmem:v3+s14+$0x0], $0xffff  }
0x1f: {  	v47 =	vld.idx.msk [tilespmem:v4+s14+$0x0], $0xffff  }
0x20: {  	v46 =	vld.idx.msk [tilespmem:v5+s14+$0x0], $0xffff  }
0x21: {  	v45 =	vld.idx.msk [tilespmem:v6+s14+$0x0], $0xffff  }
0x22: {  	v44 =	vld.idx.msk [tilespmem:v7+s14+$0x0], $0xffff  }
0x23: {  	v43 =	vld.idx.msk [tilespmem:v8+s14+$0x0], $0xffff  }
0x24: {  	v42 =	vld.idx.msk [tilespmem:v9+s14+$0x0], $0xffff  }
0x25: {  	v41 =	vld.idx.msk [tilespmem:v10+s14+$0x0], $0xffff  }
0x26: {  	v40 =	vld.idx.msk [tilespmem:v11+s14+$0x0], $0xffff  }
0x27: {  	v39 =	vld.idx.msk [tilespmem:v12+s14+$0x0], $0xffff  }
0x28: {  	v38 =	vld.idx.msk [tilespmem:v13+s14+$0x0], $0xffff  }
0x29: {  	v37 =	vld.idx.msk [tilespmem:v14+s14+$0x0], $0xffff  }
0x2a: {  	v36 =	vld.idx.msk [tilespmem:v15+s14+$0x0], $0xffff  }
0x2b: {  	v35 =	vld.idx.msk [tilespmem:v16+s14+$0x0], $0xffff  }
0x2c: {  	v34 =	vld.idx.msk [tilespmem:v17+s14+$0x0], $0xffff  }
0x2d: {  	v33 =	vld.idx.msk [tilespmem:v18+s14+$0x0], $0xffff  }
0x2e: {  	v32 =	vld.idx.msk [tilespmem:v19+s14+$0x0], $0xffff  }
0x2f: {  	v31 =	vld.idx.msk [tilespmem:v20+s14+$0x0], $0xffff  }
0x30: {  	v30 =	vld.idx.msk [tilespmem:v21+s14+$0x0], $0xffff  }
0x31: {  	v29 =	vld.idx.msk [tilespmem:v22+s14+$0x0], $0xffff  }
0x32: {  	v28 =	vld.idx.msk [tilespmem:v23+s14+$0x0], $0xffff  }
0x33: {  	v27 =	vld.idx.msk [tilespmem:v24+s14+$0x0], $0xffff  }
0x34: {  	v26 =	vld.idx.msk [tilespmem:v25+s14+$0x0], $0xffff;
	_ =	swait.ge [sflag:s15], $0x4000  }
0x35: {  	[sflag:s15] =	ssyncset.done $0x0  }
0x36: {  	s1 =	simm.s32 $0x2000;
	[sflag:s15] =	ssyncadd.s32 $0xFFFFC000  }
0x37: {  	v52 =	vld [tilespmem:s1+$0xFFFFE000];
	_ =	sdelay $0x4  }
0x38: {  	s3 =	simm.s32 $0x40D0;
	v52 =	vadd.s32 v51, v52  }
0x39: {  	[tilespmem:s3+$0xFFFFFF30] =	vst v52  }
0x3a: {  	v52 =	vld [tilespmem:s1+$0xFFFFE080];
	_ =	sdelay $0x4  }
0x3b: {  	v52 =	vadd.s32 v50, v52  }
0x3c: {  	[tilespmem:s3+$0xFFFFFF40] =	vst v52  }
0x3d: {  	v52 =	vld [tilespmem:s1+$0xFFFFE100];
	_ =	sdelay $0x4  }
0x3e: {  	v52 =	vadd.s32 v49, v52  }
0x3f: {  	[tilespmem:s3+$0xFFFFFF50] =	vst v52  }
0x40: {  	v52 =	vld [tilespmem:s1+$0xFFFFE180];
	_ =	sdelay $0x4  }
0x41: {  	v52 =	vadd.s32 v48, v52  }
0x42: {  	[tilespmem:s3+$0xFFFFFF60] =	vst v52  }
0x43: {  	v52 =	vld [tilespmem:s1+$0xFFFFE200];
	_ =	sdelay $0x4  }
0x44: {  	v52 =	vadd.s32 v47, v52  }
0x45: {  	[tilespmem:s3+$0xFFFFFF70] =	vst v52  }
0x46: {  	v52 =	vld [tilespmem:s1+$0xFFFFE280];
	_ =	sdelay $0x4  }
0x47: {  	v52 =	vadd.s32 v46, v52  }
0x48: {  	[tilespmem:s3+$0xFFFFFF80] =	vst v52  }
0x49: {  	v52 =	vld [tilespmem:s1+$0xFFFFE300];
	_ =	sdelay $0x4  }
0x4a: {  	v52 =	vadd.s32 v45, v52  }
0x4b: {  	[tilespmem:s3+$0xFFFFFF90] =	vst v52  }
0x4c: {  	v52 =	vld [tilespmem:s1+$0xFFFFE380];
	_ =	sdelay $0x4  }
0x4d: {  	v52 =	vadd.s32 v44, v52  }
0x4e: {  	[tilespmem:s3+$0xFFFFFFA0] =	vst v52  }
0x4f: {  	v52 =	vld [tilespmem:s1+$0xFFFFF000];
	_ =	sdelay $0x4  }
0x50: {  	s4 =	sand.u32 $0xFE0, s5;
	v52 =	vadd.s32 v43, v52  }
0x51: {  	[tilespmem:s4+$0x4080] =	vst v52  }
0x52: {  	v52 =	vld [tilespmem:s1+$0xFFFFF080];
	_ =	sdelay $0x4  }
0x53: {  	v52 =	vadd.s32 v42, v52  }
0x54: {  	[tilespmem:s3+$0xFFFFFFC0] =	vst v52  }
0x55: {  	v52 =	vld [tilespmem:s1+$0xFFFFF100];
	_ =	sdelay $0x4  }
0x56: {  	v52 =	vadd.s32 v41, v52  }
0x57: {  	[tilespmem:s3+$0xFFFFFFD0] =	vst v52  }
0x58: {  	v52 =	vld [tilespmem:s1+$0xFFFFF180];
	_ =	sdelay $0x4  }
0x59: {  	v52 =	vadd.s32 v40, v52  }
0x5a: {  	[tilespmem:s3+$0xFFFFFFE0] =	vst v52  }
0x5b: {  	v52 =	vld [tilespmem:s1+$0xFFFFF200];
	_ =	sdelay $0x4  }
0x5c: {  	v52 =	vadd.s32 v39, v52  }
0x5d: {  	[tilespmem:s3+$0xFFFFFFF0] =	vst v52  }
0x5e: {  	v52 =	vld [tilespmem:s1+$0xFFFFF280];
	_ =	sdelay $0x4  }
0x5f: {  	v52 =	vadd.s32 v38, v52  }
0x60: {  	[tilespmem:s3+$0x0] =	vst v52  }
0x61: {  	v52 =	vld [tilespmem:s1+$0xFFFFF300];
	_ =	sdelay $0x4  }
0x62: {  	v52 =	vadd.s32 v37, v52  }
0x63: {  	[tilespmem:s3+$0x10] =	vst v52  }
0x64: {  	v52 =	vld [tilespmem:s1+$0xFFFFF380];
	_ =	sdelay $0x4  }
0x65: {  	v52 =	vadd.s32 v36, v52  }
0x66: {  	[tilespmem:s3+$0x20] =	vst v52  }
0x67: {  	v52 =	vld [tilespmem:s1+$0x0];
	_ =	sdelay $0x4  }
0x68: {  	v52 =	vadd.s32 v35, v52  }
0x69: {  	[tilespmem:s4+$0x4100] =	vst v52  }
0x6a: {  	v52 =	vld [tilespmem:s1+$0x80];
	_ =	sdelay $0x4  }
0x6b: {  	v52 =	vadd.s32 v34, v52  }
0x6c: {  	[tilespmem:s3+$0x40] =	vst v52  }
0x6d: {  	v52 =	vld [tilespmem:s1+$0x100];
	_ =	sdelay $0x4  }
0x6e: {  	v52 =	vadd.s32 v33, v52  }
0x6f: {  	[tilespmem:s3+$0x50] =	vst v52  }
0x70: {  	v52 =	vld [tilespmem:s1+$0x180];
	_ =	sdelay $0x4  }
0x71: {  	v52 =	vadd.s32 v32, v52  }
0x72: {  	[tilespmem:s3+$0x60] =	vst v52  }
0x73: {  	v52 =	vld [tilespmem:s1+$0x200];
	_ =	sdelay $0x4  }
0x74: {  	v52 =	vadd.s32 v31, v52  }
0x75: {  	[tilespmem:s3+$0x70] =	vst v52  }
0x76: {  	v52 =	vld [tilespmem:s1+$0x280];
	_ =	sdelay $0x4  }
0x77: {  	v52 =	vadd.s32 v30, v52  }
0x78: {  	[tilespmem:s3+$0x80] =	vst v52  }
0x79: {  	v52 =	vld [tilespmem:s1+$0x300];
	_ =	sdelay $0x4  }
0x7a: {  	v52 =	vadd.s32 v29, v52  }
0x7b: {  	[tilespmem:s3+$0x90] =	vst v52  }
0x7c: {  	v52 =	vld [tilespmem:s1+$0x380];
	_ =	sdelay $0x4  }
0x7d: {  	v52 =	vadd.s32 v28, v52  }
0x7e: {  	[tilespmem:s3+$0xA0] =	vst v52  }
0x7f: {  	v52 =	vld [tilespmem:s1+$0x1000];
	_ =	sdelay $0x4  }
0x80: {  	v52 =	vadd.s32 v27, v52  }
0x81: {  	[tilespmem:s4+$0x4180] =	vst v52  }
0x82: {  	v52 =	vld [tilespmem:s1+$0x1080];
	_ =	sdelay $0x4  }
0x83: {  	s4 =	simm.s32 $0x1A0;
	v52 =	vadd.s32 v26, v52  }
.LBB2_2:
0x84: {  	p0 =	sne.s32 s4, $0xB60;
	[tilespmem:s3+$0xC0] =	vst v52;
	s1 =	sadd.s32 $0x10, s1;
	s3 =	sadd.s32 $0x1A0, s3  }
0x85: {  	s9 =	smov.u32 s4;
	s4 =	sadd.s32 $0x1A0, s4;
	v52 =	vld [tilespmem:s1+$0xFFFFE000];
	_ =	sdelay $0x4  }
0x86: {  	v52 =	vadd.s32 v51, v52  }
0x87: {  	[tilespmem:s3+$0xFFFFFF30] =	vst v52  }
0x88: {  	v52 =	vld [tilespmem:s1+$0xFFFFE080];
	_ =	sdelay $0x4  }
0x89: {  	v52 =	vadd.s32 v50, v52  }
0x8a: {  	[tilespmem:s3+$0xFFFFFF40] =	vst v52  }
0x8b: {  	v52 =	vld [tilespmem:s1+$0xFFFFE100];
	_ =	sdelay $0x4  }
0x8c: {  	v52 =	vadd.s32 v49, v52  }
0x8d: {  	[tilespmem:s3+$0xFFFFFF50] =	vst v52  }
0x8e: {  	v52 =	vld [tilespmem:s1+$0xFFFFE180];
	_ =	sdelay $0x4  }
0x8f: {  	v52 =	vadd.s32 v48, v52  }
0x90: {  	[tilespmem:s3+$0xFFFFFF60] =	vst v52  }
0x91: {  	v52 =	vld [tilespmem:s1+$0xFFFFE200];
	_ =	sdelay $0x4  }
0x92: {  	v52 =	vadd.s32 v47, v52  }
0x93: {  	[tilespmem:s3+$0xFFFFFF70] =	vst v52  }
0x94: {  	v52 =	vld [tilespmem:s1+$0xFFFFE280];
	_ =	sdelay $0x4  }
0x95: {  	v52 =	vadd.s32 v46, v52  }
0x96: {  	[tilespmem:s3+$0xFFFFFF80] =	vst v52  }
0x97: {  	v52 =	vld [tilespmem:s1+$0xFFFFE300];
	_ =	sdelay $0x4  }
0x98: {  	v52 =	vadd.s32 v45, v52  }
0x99: {  	[tilespmem:s3+$0xFFFFFF90] =	vst v52  }
0x9a: {  	v52 =	vld [tilespmem:s1+$0xFFFFE380];
	_ =	sdelay $0x4  }
0x9b: {  	v52 =	vadd.s32 v44, v52  }
0x9c: {  	[tilespmem:s3+$0xFFFFFFA0] =	vst v52  }
0x9d: {  	v52 =	vld [tilespmem:s1+$0xFFFFF000];
	_ =	sdelay $0x4  }
0x9e: {  	s9 =	sand.u32 $0xFE0, s9;
	v52 =	vadd.s32 v43, v52  }
0x9f: {  	[tilespmem:s9+$0x4080] =	vst v52  }
0xa0: {  	v52 =	vld [tilespmem:s1+$0xFFFFF080];
	_ =	sdelay $0x4  }
0xa1: {  	v52 =	vadd.s32 v42, v52  }
0xa2: {  	[tilespmem:s3+$0xFFFFFFC0] =	vst v52  }
0xa3: {  	v52 =	vld [tilespmem:s1+$0xFFFFF100];
	_ =	sdelay $0x4  }
0xa4: {  	v52 =	vadd.s32 v41, v52  }
0xa5: {  	[tilespmem:s3+$0xFFFFFFD0] =	vst v52  }
0xa6: {  	v52 =	vld [tilespmem:s1+$0xFFFFF180];
	_ =	sdelay $0x4  }
0xa7: {  	v52 =	vadd.s32 v40, v52  }
0xa8: {  	[tilespmem:s3+$0xFFFFFFE0] =	vst v52  }
0xa9: {  	v52 =	vld [tilespmem:s1+$0xFFFFF200];
	_ =	sdelay $0x4  }
0xaa: {  	v52 =	vadd.s32 v39, v52  }
0xab: {  	[tilespmem:s3+$0xFFFFFFF0] =	vst v52  }
0xac: {  	v52 =	vld [tilespmem:s1+$0xFFFFF280];
	_ =	sdelay $0x4  }
0xad: {  	v52 =	vadd.s32 v38, v52  }
0xae: {  	[tilespmem:s3+$0x0] =	vst v52  }
0xaf: {  	v52 =	vld [tilespmem:s1+$0xFFFFF300];
	_ =	sdelay $0x4  }
0xb0: {  	v52 =	vadd.s32 v37, v52  }
0xb1: {  	[tilespmem:s3+$0x10] =	vst v52  }
0xb2: {  	v52 =	vld [tilespmem:s1+$0xFFFFF380];
	_ =	sdelay $0x4  }
0xb3: {  	v52 =	vadd.s32 v36, v52  }
0xb4: {  	[tilespmem:s3+$0x20] =	vst v52  }
0xb5: {  	v52 =	vld [tilespmem:s1+$0x0];
	_ =	sdelay $0x4  }
0xb6: {  	v52 =	vadd.s32 v35, v52  }
0xb7: {  	[tilespmem:s9+$0x4100] =	vst v52  }
0xb8: {  	v52 =	vld [tilespmem:s1+$0x80];
	_ =	sdelay $0x4  }
0xb9: {  	v52 =	vadd.s32 v34, v52  }
0xba: {  	[tilespmem:s3+$0x40] =	vst v52  }
0xbb: {  	v52 =	vld [tilespmem:s1+$0x100];
	_ =	sdelay $0x4  }
0xbc: {  	v52 =	vadd.s32 v33, v52  }
0xbd: {  	[tilespmem:s3+$0x50] =	vst v52  }
0xbe: {  	v52 =	vld [tilespmem:s1+$0x180];
	_ =	sdelay $0x4  }
0xbf: {  	v52 =	vadd.s32 v32, v52  }
0xc0: {  	[tilespmem:s3+$0x60] =	vst v52  }
0xc1: {  	v52 =	vld [tilespmem:s1+$0x200];
	_ =	sdelay $0x4  }
0xc2: {  	v52 =	vadd.s32 v31, v52  }
0xc3: {  	[tilespmem:s3+$0x70] =	vst v52  }
0xc4: {  	v52 =	vld [tilespmem:s1+$0x280];
	_ =	sdelay $0x4  }
0xc5: {  	v52 =	vadd.s32 v30, v52  }
0xc6: {  	[tilespmem:s3+$0x80] =	vst v52  }
0xc7: {  	v52 =	vld [tilespmem:s1+$0x300];
	_ =	sdelay $0x4  }
0xc8: {  	v52 =	vadd.s32 v29, v52  }
0xc9: {  	[tilespmem:s3+$0x90] =	vst v52  }
0xca: {  	v52 =	vld [tilespmem:s1+$0x380];
	_ =	sdelay $0x4  }
0xcb: {  	v52 =	vadd.s32 v28, v52  }
0xcc: {  	[tilespmem:s3+$0xA0] =	vst v52  }
0xcd: {  	v52 =	vld [tilespmem:s1+$0x1000];
	_ =	sdelay $0x4  }
0xce: {  	v52 =	vadd.s32 v27, v52  }
0xcf: {  	[tilespmem:s9+$0x4180] =	vst v52  }
0xd0: {  	v52 =	vld [tilespmem:s1+$0x1080]  }
.Ltmp0:
0xd1: {  	(pc) =	sbr.rel @p0 .LBB2_2-.Ltmp0, $2  }
0xd2: {  	_ =	sdelay $0x2  }
0xd3: {  	v52 =	vadd.s32 v26, v52  }
0xd4: {  	[tilespmem:s3+$0xC0] =	vst v52;
	s3 =	simm.s32 $0xD00  }
0xd5: {  	s1 =	simm.s32 $0x4000;
	s4 =	simm.s32 $0x7400;
	s9 =	simm.s32 $0x400  }
0xd6: {  	[tilespmem:s4], [sflag:$0x2] =	stream.indirect.gather [hbm4b:s2+s3], $0x1, s1, s3, $0xb8;
	[tilespmem:$0xAB00] =	vst v63  }
0xd7: {  	s13 =	sand.u32 $0x3FFFFC00, s9  }
0xd8: {  	s16 =	sadd.s32 $0x0, s13  }
0xd9: {  	v52 =	vld [tilespmem:s16+$0x0];
	_ =	sdelay $0x4  }
0xda: {  	s1 =	simm.s32 $0x4D00;
	v52 =	vadd.s32 v51, v52  }
0xdb: {  	[tilespmem:s1+$0x0] =	vst v52  }
0xdc: {  	v52 =	vld [tilespmem:s16+$0x80];
	_ =	sdelay $0x4  }
0xdd: {  	v52 =	vadd.s32 v50, v52  }
0xde: {  	[tilespmem:s1+$0x10] =	vst v52  }
0xdf: {  	v52 =	vld [tilespmem:s16+$0x100];
	_ =	sdelay $0x4  }
0xe0: {  	v52 =	vadd.s32 v49, v52  }
0xe1: {  	[tilespmem:s1+$0x20] =	vst v52  }
0xe2: {  	v52 =	vld [tilespmem:s16+$0x180];
	_ =	sdelay $0x4  }
0xe3: {  	v52 =	vadd.s32 v48, v52  }
0xe4: {  	[tilespmem:s1+$0x30] =	vst v52  }
0xe5: {  	v52 =	vld [tilespmem:s16+$0x200];
	_ =	sdelay $0x4  }
0xe6: {  	v52 =	vadd.s32 v47, v52  }
0xe7: {  	[tilespmem:s1+$0x40] =	vst v52  }
0xe8: {  	v52 =	vld [tilespmem:s16+$0x280];
	_ =	sdelay $0x4  }
0xe9: {  	v52 =	vadd.s32 v46, v52  }
0xea: {  	[tilespmem:s1+$0x50] =	vst v52  }
0xeb: {  	v52 =	vld [tilespmem:s16+$0x300];
	_ =	sdelay $0x3  }
0xec: {  	s10 =	simm.s32 $0x80  }
0xed: {  	s9 =	sor.u32 s9, s10;
	v52 =	vadd.s32 v45, v52  }
0xee: {  	s9 =	sor.u32 $0x380, s9;
	[tilespmem:s1+$0x60] =	vst v52  }
0xef: {  	v52 =	vld [tilespmem:s9+$0x0];
	_ =	sdelay $0x4  }
0xf0: {  	v52 =	vadd.s32 v44, v52  }
0xf1: {  	[tilespmem:s1+$0x70] =	vst v52  }
0xf2: {  	v52 =	vld [tilespmem:s16+$0x1000];
	_ =	sdelay $0x4  }
0xf3: {  	s17 =	sand.u32 $0x1FE0, s3;
	v52 =	vadd.s32 v43, v52  }
0xf4: {  	[tilespmem:s17+$0x4080] =	vst v52  }
0xf5: {  	v52 =	vld [tilespmem:s16+$0x1080];
	_ =	sdelay $0x4  }
0xf6: {  	v52 =	vadd.s32 v42, v52  }
0xf7: {  	[tilespmem:s1+$0x90] =	vst v52  }
0xf8: {  	v52 =	vld [tilespmem:s16+$0x1100];
	_ =	sdelay $0x4  }
0xf9: {  	v52 =	vadd.s32 v41, v52  }
0xfa: {  	[tilespmem:s1+$0xA0] =	vst v52  }
0xfb: {  	v52 =	vld [tilespmem:s16+$0x1180];
	_ =	sdelay $0x4  }
0xfc: {  	v52 =	vadd.s32 v40, v52  }
0xfd: {  	[tilespmem:s1+$0xB0] =	vst v52  }
0xfe: {  	v52 =	vld [tilespmem:s16+$0x1200];
	_ =	sdelay $0x4  }
0xff: {  	v52 =	vadd.s32 v39, v52  }
0x100: {  	[tilespmem:s1+$0xC0] =	vst v52  }
0x101: {  	v52 =	vld [tilespmem:s16+$0x1280];
	_ =	sdelay $0x4  }
0x102: {  	v52 =	vadd.s32 v38, v52  }
0x103: {  	[tilespmem:s1+$0xD0] =	vst v52  }
0x104: {  	v52 =	vld [tilespmem:s16+$0x1300];
	_ =	sdelay $0x4  }
0x105: {  	v52 =	vadd.s32 v37, v52  }
0x106: {  	[tilespmem:s1+$0xE0] =	vst v52  }
0x107: {  	v52 =	vld [tilespmem:s16+$0x1380];
	_ =	sdelay $0x4  }
0x108: {  	v52 =	vadd.s32 v36, v52  }
0x109: {  	[tilespmem:s1+$0xF0] =	vst v52  }
0x10a: {  	v52 =	vld [tilespmem:s16+$0x2000];
	_ =	sdelay $0x4  }
0x10b: {  	v52 =	vadd.s32 v35, v52  }
0x10c: {  	[tilespmem:s17+$0x4100] =	vst v52  }
0x10d: {  	v52 =	vld [tilespmem:s16+$0x2080];
	_ =	sdelay $0x4  }
0x10e: {  	v52 =	vadd.s32 v34, v52  }
0x10f: {  	[tilespmem:s1+$0x110] =	vst v52  }
0x110: {  	v52 =	vld [tilespmem:s16+$0x2100];
	_ =	sdelay $0x4  }
0x111: {  	v52 =	vadd.s32 v33, v52  }
0x112: {  	[tilespmem:s1+$0x120] =	vst v52  }
0x113: {  	v52 =	vld [tilespmem:s16+$0x2180];
	_ =	sdelay $0x4  }
0x114: {  	v52 =	vadd.s32 v32, v52  }
0x115: {  	[tilespmem:s1+$0x130] =	vst v52  }
0x116: {  	v52 =	vld [tilespmem:s16+$0x2200];
	_ =	sdelay $0x4  }
0x117: {  	v52 =	vadd.s32 v31, v52  }
0x118: {  	[tilespmem:s1+$0x140] =	vst v52  }
0x119: {  	v52 =	vld [tilespmem:s16+$0x2280];
	_ =	sdelay $0x4  }
0x11a: {  	v52 =	vadd.s32 v30, v52  }
0x11b: {  	[tilespmem:s1+$0x150] =	vst v52  }
0x11c: {  	v52 =	vld [tilespmem:s16+$0x2300];
	_ =	sdelay $0x4  }
0x11d: {  	v52 =	vadd.s32 v29, v52  }
0x11e: {  	[tilespmem:s1+$0x160] =	vst v52  }
0x11f: {  	v52 =	vld [tilespmem:s16+$0x2380];
	_ =	sdelay $0x4  }
0x120: {  	v52 =	vadd.s32 v28, v52  }
0x121: {  	[tilespmem:s1+$0x170] =	vst v52  }
0x122: {  	v52 =	vld [tilespmem:s16+$0x3000];
	_ =	sdelay $0x4  }
0x123: {  	v52 =	vadd.s32 v27, v52  }
0x124: {  	[tilespmem:s17+$0x4180] =	vst v52  }
0x125: {  	v52 =	vld [tilespmem:s16+$0x3080];
	_ =	sdelay $0x3  }
0x126: {  	s10 =	simm.s32 $0x90;
	s4 =	simm.s32 $0x4EA0;
	s9 =	simm.s32 $0x480  }
0x127: {  	s13 =	simm.s32 $0x10;
	s17 =	simm.s32 $0x80;
	s16 =	sand.u32 $0x3FFFFC00, s9;
	v52 =	vadd.s32 v26, v52  }
.LBB2_4:
0x128: {  	s16 =	sadd.s32 s13, s16;
	s3 =	sadd.s32 $0x1A0, s3  }
0x129: {  	[tilespmem:s1+$0x190] =	vst v52;
	s13 =	smov.u32 s17;
	s11 =	sadd.s32 $0x40, s17;
	s1 =	smov.u32 s4  }
0x12a: {  	p0 =	sne.s32 s17, $0x1C0;
	v52 =	vld [tilespmem:s16+$0x0];
	_ =	sdelay $0x4  }
0x12b: {  	v52 =	vadd.s32 v51, v52  }
0x12c: {  	[tilespmem:s4+$0x0] =	vst v52  }
0x12d: {  	v52 =	vld [tilespmem:s16+$0x80];
	_ =	sdelay $0x4  }
0x12e: {  	v52 =	vadd.s32 v50, v52  }
0x12f: {  	[tilespmem:s4+$0x10] =	vst v52  }
0x130: {  	v52 =	vld [tilespmem:s16+$0x100];
	_ =	sdelay $0x4  }
0x131: {  	v52 =	vadd.s32 v49, v52  }
0x132: {  	[tilespmem:s4+$0x20] =	vst v52  }
0x133: {  	v52 =	vld [tilespmem:s16+$0x180];
	_ =	sdelay $0x4  }
0x134: {  	v52 =	vadd.s32 v48, v52  }
0x135: {  	[tilespmem:s4+$0x30] =	vst v52  }
0x136: {  	v52 =	vld [tilespmem:s16+$0x200];
	_ =	sdelay $0x4  }
0x137: {  	v52 =	vadd.s32 v47, v52  }
0x138: {  	[tilespmem:s4+$0x40] =	vst v52  }
0x139: {  	v52 =	vld [tilespmem:s16+$0x280];
	_ =	sdelay $0x4  }
0x13a: {  	v52 =	vadd.s32 v46, v52  }
0x13b: {  	[tilespmem:s4+$0x50] =	vst v52  }
0x13c: {  	v52 =	vld [tilespmem:s16+$0x300];
	_ =	sdelay $0x4  }
0x13d: {  	s17 =	sor.u32 s9, s10;
	v52 =	vadd.s32 v45, v52  }
0x13e: {  	s17 =	sor.u32 $0x380, s17;
	[tilespmem:s4+$0x60] =	vst v52  }
0x13f: {  	v52 =	vld [tilespmem:s17+$0x0];
	_ =	sdelay $0x4  }
0x140: {  	v52 =	vadd.s32 v44, v52  }
0x141: {  	[tilespmem:s4+$0x70] =	vst v52  }
0x142: {  	v52 =	vld [tilespmem:s16+$0x1000];
	_ =	sdelay $0x4  }
0x143: {  	s17 =	sand.u32 $0x1FE0, s3;
	v52 =	vadd.s32 v43, v52  }
0x144: {  	[tilespmem:s17+$0x4080] =	vst v52  }
0x145: {  	v52 =	vld [tilespmem:s16+$0x1080];
	_ =	sdelay $0x4  }
0x146: {  	v52 =	vadd.s32 v42, v52  }
0x147: {  	[tilespmem:s4+$0x90] =	vst v52  }
0x148: {  	v52 =	vld [tilespmem:s16+$0x1100];
	_ =	sdelay $0x4  }
0x149: {  	v52 =	vadd.s32 v41, v52  }
0x14a: {  	[tilespmem:s4+$0xA0] =	vst v52  }
0x14b: {  	v52 =	vld [tilespmem:s16+$0x1180];
	_ =	sdelay $0x4  }
0x14c: {  	v52 =	vadd.s32 v40, v52  }
0x14d: {  	[tilespmem:s4+$0xB0] =	vst v52  }
0x14e: {  	v52 =	vld [tilespmem:s16+$0x1200];
	_ =	sdelay $0x4  }
0x14f: {  	v52 =	vadd.s32 v39, v52  }
0x150: {  	[tilespmem:s4+$0xC0] =	vst v52  }
0x151: {  	v52 =	vld [tilespmem:s16+$0x1280];
	_ =	sdelay $0x4  }
0x152: {  	v52 =	vadd.s32 v38, v52  }
0x153: {  	[tilespmem:s4+$0xD0] =	vst v52  }
0x154: {  	v52 =	vld [tilespmem:s16+$0x1300];
	_ =	sdelay $0x4  }
0x155: {  	v52 =	vadd.s32 v37, v52  }
0x156: {  	[tilespmem:s4+$0xE0] =	vst v52  }
0x157: {  	v52 =	vld [tilespmem:s16+$0x1380];
	_ =	sdelay $0x4  }
0x158: {  	v52 =	vadd.s32 v36, v52  }
0x159: {  	[tilespmem:s4+$0xF0] =	vst v52  }
0x15a: {  	v52 =	vld [tilespmem:s16+$0x2000];
	_ =	sdelay $0x4  }
0x15b: {  	v52 =	vadd.s32 v35, v52  }
0x15c: {  	[tilespmem:s17+$0x4100] =	vst v52  }
0x15d: {  	v52 =	vld [tilespmem:s16+$0x2080];
	_ =	sdelay $0x4  }
0x15e: {  	v52 =	vadd.s32 v34, v52  }
0x15f: {  	[tilespmem:s4+$0x110] =	vst v52  }
0x160: {  	v52 =	vld [tilespmem:s16+$0x2100];
	_ =	sdelay $0x4  }
0x161: {  	v52 =	vadd.s32 v33, v52  }
0x162: {  	[tilespmem:s4+$0x120] =	vst v52  }
0x163: {  	v52 =	vld [tilespmem:s16+$0x2180];
	_ =	sdelay $0x4  }
0x164: {  	v52 =	vadd.s32 v32, v52  }
0x165: {  	[tilespmem:s4+$0x130] =	vst v52  }
0x166: {  	v52 =	vld [tilespmem:s16+$0x2200];
	_ =	sdelay $0x4  }
0x167: {  	v52 =	vadd.s32 v31, v52  }
0x168: {  	[tilespmem:s4+$0x140] =	vst v52  }
0x169: {  	v52 =	vld [tilespmem:s16+$0x2280];
	_ =	sdelay $0x4  }
0x16a: {  	v52 =	vadd.s32 v30, v52  }
0x16b: {  	[tilespmem:s4+$0x150] =	vst v52  }
0x16c: {  	v52 =	vld [tilespmem:s16+$0x2300];
	_ =	sdelay $0x4  }
0x16d: {  	v52 =	vadd.s32 v29, v52  }
0x16e: {  	[tilespmem:s4+$0x160] =	vst v52  }
0x16f: {  	v52 =	vld [tilespmem:s16+$0x2380];
	_ =	sdelay $0x4  }
0x170: {  	v52 =	vadd.s32 v28, v52  }
0x171: {  	[tilespmem:s4+$0x170] =	vst v52  }
0x172: {  	v52 =	vld [tilespmem:s16+$0x3000];
	_ =	sdelay $0x4  }
0x173: {  	v52 =	vadd.s32 v27, v52  }
0x174: {  	[tilespmem:s17+$0x4180] =	vst v52  }
0x175: {  	v52 =	vld [tilespmem:s16+$0x3080]  }
.Ltmp1:
0x176: {  	(pc) =	sbr.rel @p0 .LBB2_4-.Ltmp1, $3  }
0x177: {  	_ =	sdelay $0x1  }
0x178: {  	s9 =	sadd.s32 $0x80, s9;
	s10 =	sadd.s32 $0x10, s10;
	s13 =	sshra.s32 s13, $0x2  }
0x179: {  	s4 =	sadd.s32 $0x1A0, s4;
	s17 =	smov.u32 s11;
	s16 =	sand.u32 $0x3FFFFC00, s9;
	v52 =	vadd.s32 v26, v52  }
0x17a: {  	s11 =	sadd.s32 s13, s16;
	[tilespmem:s1+$0x190] =	vst v52  }
0x17b: {  	v52 =	vld [tilespmem:s11+$0x0];
	_ =	sdelay $0x4  }
0x17c: {  	v52 =	vadd.s32 v51, v52  }
0x17d: {  	[tilespmem:s4+$0x0] =	vst v52  }
0x17e: {  	v52 =	vld [tilespmem:s11+$0x80];
	_ =	sdelay $0x4  }
0x17f: {  	v52 =	vadd.s32 v50, v52  }
0x180: {  	[tilespmem:s4+$0x10] =	vst v52  }
0x181: {  	v52 =	vld [tilespmem:s11+$0x100];
	_ =	sdelay $0x4  }
0x182: {  	v52 =	vadd.s32 v49, v52  }
0x183: {  	[tilespmem:s4+$0x20] =	vst v52  }
0x184: {  	v52 =	vld [tilespmem:s11+$0x180];
	_ =	sdelay $0x4  }
0x185: {  	v52 =	vadd.s32 v48, v52  }
0x186: {  	[tilespmem:s4+$0x30] =	vst v52  }
0x187: {  	v52 =	vld [tilespmem:s11+$0x200];
	_ =	sdelay $0x4  }
0x188: {  	v52 =	vadd.s32 v47, v52  }
0x189: {  	[tilespmem:s4+$0x40] =	vst v52  }
0x18a: {  	v52 =	vld [tilespmem:s11+$0x280];
	_ =	sdelay $0x4  }
0x18b: {  	v52 =	vadd.s32 v46, v52  }
0x18c: {  	[tilespmem:s4+$0x50] =	vst v52  }
0x18d: {  	v52 =	vld [tilespmem:s11+$0x300];
	_ =	sdelay $0x4  }
0x18e: {  	s17 =	sor.u32 s9, s10;
	v52 =	vadd.s32 v45, v52  }
0x18f: {  	s1 =	sor.u32 $0x380, s17;
	[tilespmem:s4+$0x60] =	vst v52  }
0x190: {  	v52 =	vld [tilespmem:s1+$0x0];
	_ =	sdelay $0x4  }
0x191: {  	v52 =	vadd.s32 v44, v52  }
0x192: {  	[tilespmem:s4+$0x70] =	vst v52  }
0x193: {  	v52 =	vld [tilespmem:s11+$0x1000];
	_ =	sdelay $0x3  }
0x194: {  	s9 =	sadd.s32 $0x1A0, s3  }
0x195: {  	s1 =	sand.u32 $0x1FE0, s9;
	v52 =	vadd.s32 v43, v52  }
0x196: {  	[tilespmem:s1+$0x4080] =	vst v52  }
0x197: {  	v52 =	vld [tilespmem:s11+$0x1080];
	_ =	sdelay $0x4  }
0x198: {  	v52 =	vadd.s32 v42, v52  }
0x199: {  	[tilespmem:s4+$0x90] =	vst v52  }
0x19a: {  	v52 =	vld [tilespmem:s11+$0x1100];
	_ =	sdelay $0x4  }
0x19b: {  	v52 =	vadd.s32 v41, v52  }
0x19c: {  	[tilespmem:s4+$0xA0] =	vst v52  }
0x19d: {  	v52 =	vld [tilespmem:s11+$0x1180];
	_ =	sdelay $0x4  }
0x19e: {  	v52 =	vadd.s32 v40, v52  }
0x19f: {  	[tilespmem:s4+$0xB0] =	vst v52  }
0x1a0: {  	v52 =	vld [tilespmem:s11+$0x1200];
	_ =	sdelay $0x4  }
0x1a1: {  	v52 =	vadd.s32 v39, v52  }
0x1a2: {  	[tilespmem:s4+$0xC0] =	vst v52  }
0x1a3: {  	v52 =	vld [tilespmem:s11+$0x1280];
	_ =	sdelay $0x4  }
0x1a4: {  	v52 =	vadd.s32 v38, v52  }
0x1a5: {  	[tilespmem:s4+$0xD0] =	vst v52  }
0x1a6: {  	v52 =	vld [tilespmem:s11+$0x1300];
	_ =	sdelay $0x4  }
0x1a7: {  	v52 =	vadd.s32 v37, v52  }
0x1a8: {  	[tilespmem:s4+$0xE0] =	vst v52  }
0x1a9: {  	v52 =	vld [tilespmem:s11+$0x1380];
	_ =	sdelay $0x4  }
0x1aa: {  	v52 =	vadd.s32 v36, v52  }
0x1ab: {  	[tilespmem:s4+$0xF0] =	vst v52  }
0x1ac: {  	v52 =	vld [tilespmem:s11+$0x2000];
	_ =	sdelay $0x4  }
0x1ad: {  	v52 =	vadd.s32 v35, v52  }
0x1ae: {  	[tilespmem:s1+$0x4100] =	vst v52  }
0x1af: {  	v52 =	vld [tilespmem:s11+$0x2080];
	_ =	sdelay $0x4  }
0x1b0: {  	v52 =	vadd.s32 v34, v52  }
0x1b1: {  	[tilespmem:s4+$0x110] =	vst v52  }
0x1b2: {  	v52 =	vld [tilespmem:s11+$0x2100];
	_ =	sdelay $0x4  }
0x1b3: {  	v52 =	vadd.s32 v33, v52  }
0x1b4: {  	[tilespmem:s4+$0x120] =	vst v52  }
0x1b5: {  	v52 =	vld [tilespmem:s11+$0x2180];
	_ =	sdelay $0x4  }
0x1b6: {  	v52 =	vadd.s32 v32, v52  }
0x1b7: {  	[tilespmem:s4+$0x130] =	vst v52  }
0x1b8: {  	v52 =	vld [tilespmem:s11+$0x2200];
	_ =	sdelay $0x4  }
0x1b9: {  	v52 =	vadd.s32 v31, v52  }
0x1ba: {  	[tilespmem:s4+$0x140] =	vst v52  }
0x1bb: {  	v52 =	vld [tilespmem:s11+$0x2280];
	_ =	sdelay $0x4  }
0x1bc: {  	v52 =	vadd.s32 v30, v52  }
0x1bd: {  	[tilespmem:s4+$0x150] =	vst v52  }
0x1be: {  	v52 =	vld [tilespmem:s11+$0x2300];
	_ =	sdelay $0x4  }
0x1bf: {  	v52 =	vadd.s32 v29, v52  }
0x1c0: {  	[tilespmem:s4+$0x160] =	vst v52  }
0x1c1: {  	v52 =	vld [tilespmem:s11+$0x2380];
	_ =	sdelay $0x4  }
0x1c2: {  	v52 =	vadd.s32 v28, v52  }
0x1c3: {  	[tilespmem:s4+$0x170] =	vst v52  }
0x1c4: {  	v52 =	vld [tilespmem:s11+$0x3000];
	_ =	sdelay $0x4  }
0x1c5: {  	v52 =	vadd.s32 v27, v52  }
0x1c6: {  	[tilespmem:s1+$0x4180] =	vst v52  }
0x1c7: {  	v52 =	vld [tilespmem:s11+$0x3080];
	_ =	sdelay $0x3  }
0x1c8: {  	s10 =	simm.s32 $0x800  }
0x1c9: {  	s11 =	sand.u32 $0x3FFFFC00, s10;
	v52 =	vadd.s32 v26, v52  }
0x1ca: {  	s13 =	sadd.s32 $0x0, s11;
	[tilespmem:s4+$0x190] =	vst v52  }
0x1cb: {  	[tilespmem:s20], [sflag:$0x3] =	stream.indirect.gather [hbm4b:s2+s18], $0x1, s19, s18, $0xb8;
	[tilespmem:$0xAB00] =	vst v63  }
0x1cc: {  	v52 =	vld [tilespmem:s13+$0x0];
	_ =	sdelay $0x4  }
0x1cd: {  	s1 =	simm.s32 $0x5A00;
	v52 =	vadd.s32 v51, v52  }
0x1ce: {  	[tilespmem:s1+$0x0] =	vst v52  }
0x1cf: {  	v52 =	vld [tilespmem:s13+$0x80];
	_ =	sdelay $0x4  }
0x1d0: {  	v52 =	vadd.s32 v50, v52  }
0x1d1: {  	[tilespmem:s1+$0x10] =	vst v52  }
0x1d2: {  	v52 =	vld [tilespmem:s13+$0x100];
	_ =	sdelay $0x4  }
0x1d3: {  	v52 =	vadd.s32 v49, v52  }
0x1d4: {  	[tilespmem:s1+$0x20] =	vst v52  }
0x1d5: {  	v52 =	vld [tilespmem:s13+$0x180];
	_ =	sdelay $0x4  }
0x1d6: {  	v52 =	vadd.s32 v48, v52  }
0x1d7: {  	[tilespmem:s1+$0x30] =	vst v52  }
0x1d8: {  	v52 =	vld [tilespmem:s13+$0x200];
	_ =	sdelay $0x4  }
0x1d9: {  	v52 =	vadd.s32 v47, v52  }
0x1da: {  	[tilespmem:s1+$0x40] =	vst v52  }
0x1db: {  	v52 =	vld [tilespmem:s13+$0x280];
	_ =	sdelay $0x4  }
0x1dc: {  	v52 =	vadd.s32 v46, v52  }
0x1dd: {  	[tilespmem:s1+$0x50] =	vst v52  }
0x1de: {  	v52 =	vld [tilespmem:s13+$0x300];
	_ =	sdelay $0x3  }
0x1df: {  	s16 =	simm.s32 $0x100  }
0x1e0: {  	s3 =	sor.u32 s10, s16;
	v52 =	vadd.s32 v45, v52  }
0x1e1: {  	s3 =	sor.u32 $0x380, s3;
	[tilespmem:s1+$0x60] =	vst v52  }
0x1e2: {  	v52 =	vld [tilespmem:s3+$0x0];
	_ =	sdelay $0x4  }
0x1e3: {  	v52 =	vadd.s32 v44, v52  }
0x1e4: {  	[tilespmem:s1+$0x70] =	vst v52  }
0x1e5: {  	v52 =	vld [tilespmem:s13+$0x1000];
	_ =	sdelay $0x3  }
0x1e6: {  	s3 =	simm.s32 $0x1A00  }
0x1e7: {  	s17 =	sand.u32 $0x3FE0, s3;
	v52 =	vadd.s32 v43, v52  }
0x1e8: {  	[tilespmem:s17+$0x4080] =	vst v52  }
0x1e9: {  	v52 =	vld [tilespmem:s13+$0x1080];
	_ =	sdelay $0x4  }
0x1ea: {  	v52 =	vadd.s32 v42, v52  }
0x1eb: {  	[tilespmem:s1+$0x90] =	vst v52  }
0x1ec: {  	v52 =	vld [tilespmem:s13+$0x1100];
	_ =	sdelay $0x4  }
0x1ed: {  	v52 =	vadd.s32 v41, v52  }
0x1ee: {  	[tilespmem:s1+$0xA0] =	vst v52  }
0x1ef: {  	v52 =	vld [tilespmem:s13+$0x1180];
	_ =	sdelay $0x4  }
0x1f0: {  	v52 =	vadd.s32 v40, v52  }
0x1f1: {  	[tilespmem:s1+$0xB0] =	vst v52  }
0x1f2: {  	v52 =	vld [tilespmem:s13+$0x1200];
	_ =	sdelay $0x4  }
0x1f3: {  	v52 =	vadd.s32 v39, v52  }
0x1f4: {  	[tilespmem:s1+$0xC0] =	vst v52  }
0x1f5: {  	v52 =	vld [tilespmem:s13+$0x1280];
	_ =	sdelay $0x4  }
0x1f6: {  	v52 =	vadd.s32 v38, v52  }
0x1f7: {  	[tilespmem:s1+$0xD0] =	vst v52  }
0x1f8: {  	v52 =	vld [tilespmem:s13+$0x1300];
	_ =	sdelay $0x4  }
0x1f9: {  	v52 =	vadd.s32 v37, v52  }
0x1fa: {  	[tilespmem:s1+$0xE0] =	vst v52  }
0x1fb: {  	v52 =	vld [tilespmem:s13+$0x1380];
	_ =	sdelay $0x4  }
0x1fc: {  	v52 =	vadd.s32 v36, v52  }
0x1fd: {  	[tilespmem:s1+$0xF0] =	vst v52  }
0x1fe: {  	v52 =	vld [tilespmem:s13+$0x2000];
	_ =	sdelay $0x4  }
0x1ff: {  	v52 =	vadd.s32 v35, v52  }
0x200: {  	[tilespmem:s17+$0x4100] =	vst v52  }
0x201: {  	v52 =	vld [tilespmem:s13+$0x2080];
	_ =	sdelay $0x4  }
0x202: {  	v52 =	vadd.s32 v34, v52  }
0x203: {  	[tilespmem:s1+$0x110] =	vst v52  }
0x204: {  	v52 =	vld [tilespmem:s13+$0x2100];
	_ =	sdelay $0x4  }
0x205: {  	v52 =	vadd.s32 v33, v52  }
0x206: {  	[tilespmem:s1+$0x120] =	vst v52  }
0x207: {  	v52 =	vld [tilespmem:s13+$0x2180];
	_ =	sdelay $0x4  }
0x208: {  	v52 =	vadd.s32 v32, v52  }
0x209: {  	[tilespmem:s1+$0x130] =	vst v52  }
0x20a: {  	v52 =	vld [tilespmem:s13+$0x2200];
	_ =	sdelay $0x4  }
0x20b: {  	v52 =	vadd.s32 v31, v52  }
0x20c: {  	[tilespmem:s1+$0x140] =	vst v52  }
0x20d: {  	v52 =	vld [tilespmem:s13+$0x2280];
	_ =	sdelay $0x4  }
0x20e: {  	v52 =	vadd.s32 v30, v52  }
0x20f: {  	[tilespmem:s1+$0x150] =	vst v52  }
0x210: {  	v52 =	vld [tilespmem:s13+$0x2300];
	_ =	sdelay $0x4  }
0x211: {  	v52 =	vadd.s32 v29, v52  }
0x212: {  	[tilespmem:s1+$0x160] =	vst v52  }
0x213: {  	v52 =	vld [tilespmem:s13+$0x2380];
	_ =	sdelay $0x4  }
0x214: {  	v52 =	vadd.s32 v28, v52  }
0x215: {  	[tilespmem:s1+$0x170] =	vst v52  }
0x216: {  	v52 =	vld [tilespmem:s13+$0x3000];
	_ =	sdelay $0x4  }
0x217: {  	v52 =	vadd.s32 v27, v52  }
0x218: {  	[tilespmem:s17+$0x4180] =	vst v52  }
0x219: {  	v52 =	vld [tilespmem:s13+$0x3080];
	_ =	sdelay $0x2  }
0x21a: {  	s9 =	simm.s32 $0x880  }
0x21b: {  	s16 =	sand.u32 $0x3FFFFC00, s9;
	s10 =	simm.s32 $0x110  }
0x21c: {  	s4 =	simm.s32 $0x5BA0;
	s17 =	simm.s32 $0x80;
	s13 =	simm.s32 $0x10;
	v52 =	vadd.s32 v26, v52  }
.LBB2_6:
0x21d: {  	s16 =	sadd.s32 s13, s16;
	s3 =	sadd.s32 $0x1A0, s3  }
0x21e: {  	[tilespmem:s1+$0x190] =	vst v52;
	s13 =	smov.u32 s17;
	s11 =	sadd.s32 $0x40, s17;
	s1 =	smov.u32 s4  }
0x21f: {  	p0 =	sne.s32 s17, $0x1C0;
	v52 =	vld [tilespmem:s16+$0x0];
	_ =	sdelay $0x4  }
0x220: {  	v52 =	vadd.s32 v51, v52  }
0x221: {  	[tilespmem:s4+$0x0] =	vst v52  }
0x222: {  	v52 =	vld [tilespmem:s16+$0x80];
	_ =	sdelay $0x4  }
0x223: {  	v52 =	vadd.s32 v50, v52  }
0x224: {  	[tilespmem:s4+$0x10] =	vst v52  }
0x225: {  	v52 =	vld [tilespmem:s16+$0x100];
	_ =	sdelay $0x4  }
0x226: {  	v52 =	vadd.s32 v49, v52  }
0x227: {  	[tilespmem:s4+$0x20] =	vst v52  }
0x228: {  	v52 =	vld [tilespmem:s16+$0x180];
	_ =	sdelay $0x4  }
0x229: {  	v52 =	vadd.s32 v48, v52  }
0x22a: {  	[tilespmem:s4+$0x30] =	vst v52  }
0x22b: {  	v52 =	vld [tilespmem:s16+$0x200];
	_ =	sdelay $0x4  }
0x22c: {  	v52 =	vadd.s32 v47, v52  }
0x22d: {  	[tilespmem:s4+$0x40] =	vst v52  }
0x22e: {  	v52 =	vld [tilespmem:s16+$0x280];
	_ =	sdelay $0x4  }
0x22f: {  	v52 =	vadd.s32 v46, v52  }
0x230: {  	[tilespmem:s4+$0x50] =	vst v52  }
0x231: {  	v52 =	vld [tilespmem:s16+$0x300];
	_ =	sdelay $0x4  }
0x232: {  	s17 =	sor.u32 s9, s10;
	v52 =	vadd.s32 v45, v52  }
0x233: {  	s17 =	sor.u32 $0x380, s17;
	[tilespmem:s4+$0x60] =	vst v52  }
0x234: {  	v52 =	vld [tilespmem:s17+$0x0];
	_ =	sdelay $0x4  }
0x235: {  	v52 =	vadd.s32 v44, v52  }
0x236: {  	[tilespmem:s4+$0x70] =	vst v52  }
0x237: {  	v52 =	vld [tilespmem:s16+$0x1000];
	_ =	sdelay $0x4  }
0x238: {  	s17 =	sand.u32 $0x3FE0, s3;
	v52 =	vadd.s32 v43, v52  }
0x239: {  	[tilespmem:s17+$0x4080] =	vst v52  }
0x23a: {  	v52 =	vld [tilespmem:s16+$0x1080];
	_ =	sdelay $0x4  }
0x23b: {  	v52 =	vadd.s32 v42, v52  }
0x23c: {  	[tilespmem:s4+$0x90] =	vst v52  }
0x23d: {  	v52 =	vld [tilespmem:s16+$0x1100];
	_ =	sdelay $0x4  }
0x23e: {  	v52 =	vadd.s32 v41, v52  }
0x23f: {  	[tilespmem:s4+$0xA0] =	vst v52  }
0x240: {  	v52 =	vld [tilespmem:s16+$0x1180];
	_ =	sdelay $0x4  }
0x241: {  	v52 =	vadd.s32 v40, v52  }
0x242: {  	[tilespmem:s4+$0xB0] =	vst v52  }
0x243: {  	v52 =	vld [tilespmem:s16+$0x1200];
	_ =	sdelay $0x4  }
0x244: {  	v52 =	vadd.s32 v39, v52  }
0x245: {  	[tilespmem:s4+$0xC0] =	vst v52  }
0x246: {  	v52 =	vld [tilespmem:s16+$0x1280];
	_ =	sdelay $0x4  }
0x247: {  	v52 =	vadd.s32 v38, v52  }
0x248: {  	[tilespmem:s4+$0xD0] =	vst v52  }
0x249: {  	v52 =	vld [tilespmem:s16+$0x1300];
	_ =	sdelay $0x4  }
0x24a: {  	v52 =	vadd.s32 v37, v52  }
0x24b: {  	[tilespmem:s4+$0xE0] =	vst v52  }
0x24c: {  	v52 =	vld [tilespmem:s16+$0x1380];
	_ =	sdelay $0x4  }
0x24d: {  	v52 =	vadd.s32 v36, v52  }
0x24e: {  	[tilespmem:s4+$0xF0] =	vst v52  }
0x24f: {  	v52 =	vld [tilespmem:s16+$0x2000];
	_ =	sdelay $0x4  }
0x250: {  	v52 =	vadd.s32 v35, v52  }
0x251: {  	[tilespmem:s17+$0x4100] =	vst v52  }
0x252: {  	v52 =	vld [tilespmem:s16+$0x2080];
	_ =	sdelay $0x4  }
0x253: {  	v52 =	vadd.s32 v34, v52  }
0x254: {  	[tilespmem:s4+$0x110] =	vst v52  }
0x255: {  	v52 =	vld [tilespmem:s16+$0x2100];
	_ =	sdelay $0x4  }
0x256: {  	v52 =	vadd.s32 v33, v52  }
0x257: {  	[tilespmem:s4+$0x120] =	vst v52  }
0x258: {  	v52 =	vld [tilespmem:s16+$0x2180];
	_ =	sdelay $0x4  }
0x259: {  	v52 =	vadd.s32 v32, v52  }
0x25a: {  	[tilespmem:s4+$0x130] =	vst v52  }
0x25b: {  	v52 =	vld [tilespmem:s16+$0x2200];
	_ =	sdelay $0x4  }
0x25c: {  	v52 =	vadd.s32 v31, v52  }
0x25d: {  	[tilespmem:s4+$0x140] =	vst v52  }
0x25e: {  	v52 =	vld [tilespmem:s16+$0x2280];
	_ =	sdelay $0x4  }
0x25f: {  	v52 =	vadd.s32 v30, v52  }
0x260: {  	[tilespmem:s4+$0x150] =	vst v52  }
0x261: {  	v52 =	vld [tilespmem:s16+$0x2300];
	_ =	sdelay $0x4  }
0x262: {  	v52 =	vadd.s32 v29, v52  }
0x263: {  	[tilespmem:s4+$0x160] =	vst v52  }
0x264: {  	v52 =	vld [tilespmem:s16+$0x2380];
	_ =	sdelay $0x4  }
0x265: {  	v52 =	vadd.s32 v28, v52  }
0x266: {  	[tilespmem:s4+$0x170] =	vst v52  }
0x267: {  	v52 =	vld [tilespmem:s16+$0x3000];
	_ =	sdelay $0x4  }
0x268: {  	v52 =	vadd.s32 v27, v52  }
0x269: {  	[tilespmem:s17+$0x4180] =	vst v52  }
0x26a: {  	v52 =	vld [tilespmem:s16+$0x3080]  }
.Ltmp2:
0x26b: {  	(pc) =	sbr.rel @p0 .LBB2_6-.Ltmp2, $3  }
0x26c: {  	_ =	sdelay $0x1  }
0x26d: {  	s9 =	sadd.s32 $0x80, s9;
	s10 =	sadd.s32 $0x10, s10;
	s13 =	sshra.s32 s13, $0x2  }
0x26e: {  	s4 =	sadd.s32 $0x1A0, s4;
	s17 =	smov.u32 s11;
	s16 =	sand.u32 $0x3FFFFC00, s9;
	v52 =	vadd.s32 v26, v52  }
0x26f: {  	s11 =	sadd.s32 s13, s16;
	[tilespmem:s1+$0x190] =	vst v52  }
0x270: {  	v52 =	vld [tilespmem:s11+$0x0];
	_ =	sdelay $0x4  }
0x271: {  	v52 =	vadd.s32 v51, v52  }
0x272: {  	[tilespmem:s4+$0x0] =	vst v52  }
0x273: {  	v52 =	vld [tilespmem:s11+$0x80];
	_ =	sdelay $0x4  }
0x274: {  	v52 =	vadd.s32 v50, v52  }
0x275: {  	[tilespmem:s4+$0x10] =	vst v52  }
0x276: {  	v52 =	vld [tilespmem:s11+$0x100];
	_ =	sdelay $0x4  }
0x277: {  	v52 =	vadd.s32 v49, v52  }
0x278: {  	[tilespmem:s4+$0x20] =	vst v52  }
0x279: {  	v52 =	vld [tilespmem:s11+$0x180];
	_ =	sdelay $0x4  }
0x27a: {  	v52 =	vadd.s32 v48, v52  }
0x27b: {  	[tilespmem:s4+$0x30] =	vst v52  }
0x27c: {  	v52 =	vld [tilespmem:s11+$0x200];
	_ =	sdelay $0x4  }
0x27d: {  	v52 =	vadd.s32 v47, v52  }
0x27e: {  	[tilespmem:s4+$0x40] =	vst v52  }
0x27f: {  	v52 =	vld [tilespmem:s11+$0x280];
	_ =	sdelay $0x4  }
0x280: {  	v52 =	vadd.s32 v46, v52  }
0x281: {  	[tilespmem:s4+$0x50] =	vst v52  }
0x282: {  	v52 =	vld [tilespmem:s11+$0x300];
	_ =	sdelay $0x4  }
0x283: {  	s17 =	sor.u32 s9, s10;
	v52 =	vadd.s32 v45, v52  }
0x284: {  	s1 =	sor.u32 $0x380, s17;
	[tilespmem:s4+$0x60] =	vst v52  }
0x285: {  	v52 =	vld [tilespmem:s1+$0x0];
	_ =	sdelay $0x4  }
0x286: {  	v52 =	vadd.s32 v44, v52  }
0x287: {  	[tilespmem:s4+$0x70] =	vst v52  }
0x288: {  	v52 =	vld [tilespmem:s11+$0x1000];
	_ =	sdelay $0x3  }
0x289: {  	s9 =	sadd.s32 $0x1A0, s3  }
0x28a: {  	s1 =	sand.u32 $0x3FE0, s9;
	v52 =	vadd.s32 v43, v52  }
0x28b: {  	[tilespmem:s1+$0x4080] =	vst v52  }
0x28c: {  	v52 =	vld [tilespmem:s11+$0x1080];
	_ =	sdelay $0x4  }
0x28d: {  	v52 =	vadd.s32 v42, v52  }
0x28e: {  	[tilespmem:s4+$0x90] =	vst v52  }
0x28f: {  	v52 =	vld [tilespmem:s11+$0x1100];
	_ =	sdelay $0x4  }
0x290: {  	v52 =	vadd.s32 v41, v52  }
0x291: {  	[tilespmem:s4+$0xA0] =	vst v52  }
0x292: {  	v52 =	vld [tilespmem:s11+$0x1180];
	_ =	sdelay $0x4  }
0x293: {  	v52 =	vadd.s32 v40, v52  }
0x294: {  	[tilespmem:s4+$0xB0] =	vst v52  }
0x295: {  	v52 =	vld [tilespmem:s11+$0x1200];
	_ =	sdelay $0x4  }
0x296: {  	v52 =	vadd.s32 v39, v52  }
0x297: {  	[tilespmem:s4+$0xC0] =	vst v52  }
0x298: {  	v52 =	vld [tilespmem:s11+$0x1280];
	_ =	sdelay $0x4  }
0x299: {  	v52 =	vadd.s32 v38, v52  }
0x29a: {  	[tilespmem:s4+$0xD0] =	vst v52  }
0x29b: {  	v52 =	vld [tilespmem:s11+$0x1300];
	_ =	sdelay $0x4  }
0x29c: {  	v52 =	vadd.s32 v37, v52  }
0x29d: {  	[tilespmem:s4+$0xE0] =	vst v52  }
0x29e: {  	v52 =	vld [tilespmem:s11+$0x1380];
	_ =	sdelay $0x4  }
0x29f: {  	v52 =	vadd.s32 v36, v52  }
0x2a0: {  	[tilespmem:s4+$0xF0] =	vst v52  }
0x2a1: {  	v52 =	vld [tilespmem:s11+$0x2000];
	_ =	sdelay $0x4  }
0x2a2: {  	v52 =	vadd.s32 v35, v52  }
0x2a3: {  	[tilespmem:s1+$0x4100] =	vst v52  }
0x2a4: {  	v52 =	vld [tilespmem:s11+$0x2080];
	_ =	sdelay $0x4  }
0x2a5: {  	v52 =	vadd.s32 v34, v52  }
0x2a6: {  	[tilespmem:s4+$0x110] =	vst v52  }
0x2a7: {  	v52 =	vld [tilespmem:s11+$0x2100];
	_ =	sdelay $0x4  }
0x2a8: {  	v52 =	vadd.s32 v33, v52  }
0x2a9: {  	[tilespmem:s4+$0x120] =	vst v52  }
0x2aa: {  	v52 =	vld [tilespmem:s11+$0x2180];
	_ =	sdelay $0x4  }
0x2ab: {  	v52 =	vadd.s32 v32, v52  }
0x2ac: {  	[tilespmem:s4+$0x130] =	vst v52  }
0x2ad: {  	v52 =	vld [tilespmem:s11+$0x2200];
	_ =	sdelay $0x4  }
0x2ae: {  	v52 =	vadd.s32 v31, v52  }
0x2af: {  	[tilespmem:s4+$0x140] =	vst v52  }
0x2b0: {  	v52 =	vld [tilespmem:s11+$0x2280];
	_ =	sdelay $0x4  }
0x2b1: {  	v52 =	vadd.s32 v30, v52  }
0x2b2: {  	[tilespmem:s4+$0x150] =	vst v52  }
0x2b3: {  	v52 =	vld [tilespmem:s11+$0x2300];
	_ =	sdelay $0x4  }
0x2b4: {  	v52 =	vadd.s32 v29, v52  }
0x2b5: {  	[tilespmem:s4+$0x160] =	vst v52  }
0x2b6: {  	v52 =	vld [tilespmem:s11+$0x2380];
	_ =	sdelay $0x4  }
0x2b7: {  	v52 =	vadd.s32 v28, v52  }
0x2b8: {  	[tilespmem:s4+$0x170] =	vst v52  }
0x2b9: {  	v52 =	vld [tilespmem:s11+$0x3000];
	_ =	sdelay $0x4  }
0x2ba: {  	v52 =	vadd.s32 v27, v52  }
0x2bb: {  	[tilespmem:s1+$0x4180] =	vst v52  }
0x2bc: {  	v52 =	vld [tilespmem:s11+$0x3080];
	_ =	sdelay $0x3  }
0x2bd: {  	s10 =	simm.s32 $0xC00  }
0x2be: {  	s11 =	sand.u32 $0x3FFFFC00, s10;
	v52 =	vadd.s32 v26, v52  }
0x2bf: {  	s13 =	sadd.s32 $0x0, s11;
	[tilespmem:s4+$0x190] =	vst v52  }
0x2c0: {  	[tilespmem:s22], [sflag:$0x4] =	stream.indirect.gather [hbm4b:s2+s18], $0x1, s21, s18, $0xb8;
	[tilespmem:$0xAB00] =	vst v63  }
0x2c1: {  	v52 =	vld [tilespmem:s13+$0x0];
	_ =	sdelay $0x4  }
0x2c2: {  	s1 =	simm.s32 $0x6700;
	v52 =	vadd.s32 v51, v52  }
0x2c3: {  	[tilespmem:s1+$0x0] =	vst v52  }
0x2c4: {  	v52 =	vld [tilespmem:s13+$0x80];
	_ =	sdelay $0x4  }
0x2c5: {  	v52 =	vadd.s32 v50, v52  }
0x2c6: {  	[tilespmem:s1+$0x10] =	vst v52  }
0x2c7: {  	v52 =	vld [tilespmem:s13+$0x100];
	_ =	sdelay $0x4  }
0x2c8: {  	v52 =	vadd.s32 v49, v52  }
0x2c9: {  	[tilespmem:s1+$0x20] =	vst v52  }
0x2ca: {  	v52 =	vld [tilespmem:s13+$0x180];
	_ =	sdelay $0x4  }
0x2cb: {  	v52 =	vadd.s32 v48, v52  }
0x2cc: {  	[tilespmem:s1+$0x30] =	vst v52  }
0x2cd: {  	v52 =	vld [tilespmem:s13+$0x200];
	_ =	sdelay $0x4  }
0x2ce: {  	v52 =	vadd.s32 v47, v52  }
0x2cf: {  	[tilespmem:s1+$0x40] =	vst v52  }
0x2d0: {  	v52 =	vld [tilespmem:s13+$0x280];
	_ =	sdelay $0x4  }
0x2d1: {  	v52 =	vadd.s32 v46, v52  }
0x2d2: {  	[tilespmem:s1+$0x50] =	vst v52  }
0x2d3: {  	v52 =	vld [tilespmem:s13+$0x300];
	_ =	sdelay $0x3  }
0x2d4: {  	s16 =	simm.s32 $0x180  }
0x2d5: {  	s3 =	sor.u32 s10, s16;
	v52 =	vadd.s32 v45, v52  }
0x2d6: {  	s3 =	sor.u32 $0x380, s3;
	[tilespmem:s1+$0x60] =	vst v52  }
0x2d7: {  	v52 =	vld [tilespmem:s3+$0x0];
	_ =	sdelay $0x4  }
0x2d8: {  	v52 =	vadd.s32 v44, v52  }
0x2d9: {  	[tilespmem:s1+$0x70] =	vst v52  }
0x2da: {  	v52 =	vld [tilespmem:s13+$0x1000];
	_ =	sdelay $0x3  }
0x2db: {  	s3 =	simm.s32 $0x2700  }
0x2dc: {  	s17 =	sand.u32 $0x3FE0, s3;
	v52 =	vadd.s32 v43, v52  }
0x2dd: {  	[tilespmem:s17+$0x4080] =	vst v52  }
0x2de: {  	v52 =	vld [tilespmem:s13+$0x1080];
	_ =	sdelay $0x4  }
0x2df: {  	v52 =	vadd.s32 v42, v52  }
0x2e0: {  	[tilespmem:s1+$0x90] =	vst v52  }
0x2e1: {  	v52 =	vld [tilespmem:s13+$0x1100];
	_ =	sdelay $0x4  }
0x2e2: {  	v52 =	vadd.s32 v41, v52  }
0x2e3: {  	[tilespmem:s1+$0xA0] =	vst v52  }
0x2e4: {  	v52 =	vld [tilespmem:s13+$0x1180];
	_ =	sdelay $0x4  }
0x2e5: {  	v52 =	vadd.s32 v40, v52  }
0x2e6: {  	[tilespmem:s1+$0xB0] =	vst v52  }
0x2e7: {  	v52 =	vld [tilespmem:s13+$0x1200];
	_ =	sdelay $0x4  }
0x2e8: {  	v52 =	vadd.s32 v39, v52  }
0x2e9: {  	[tilespmem:s1+$0xC0] =	vst v52  }
0x2ea: {  	v52 =	vld [tilespmem:s13+$0x1280];
	_ =	sdelay $0x4  }
0x2eb: {  	v52 =	vadd.s32 v38, v52  }
0x2ec: {  	[tilespmem:s1+$0xD0] =	vst v52  }
0x2ed: {  	v52 =	vld [tilespmem:s13+$0x1300];
	_ =	sdelay $0x4  }
0x2ee: {  	v52 =	vadd.s32 v37, v52  }
0x2ef: {  	[tilespmem:s1+$0xE0] =	vst v52  }
0x2f0: {  	v52 =	vld [tilespmem:s13+$0x1380];
	_ =	sdelay $0x4  }
0x2f1: {  	v52 =	vadd.s32 v36, v52  }
0x2f2: {  	[tilespmem:s1+$0xF0] =	vst v52  }
0x2f3: {  	v52 =	vld [tilespmem:s13+$0x2000];
	_ =	sdelay $0x4  }
0x2f4: {  	v52 =	vadd.s32 v35, v52  }
0x2f5: {  	[tilespmem:s17+$0x4100] =	vst v52  }
0x2f6: {  	v52 =	vld [tilespmem:s13+$0x2080];
	_ =	sdelay $0x4  }
0x2f7: {  	v52 =	vadd.s32 v34, v52  }
0x2f8: {  	[tilespmem:s1+$0x110] =	vst v52  }
0x2f9: {  	v52 =	vld [tilespmem:s13+$0x2100];
	_ =	sdelay $0x4  }
0x2fa: {  	v52 =	vadd.s32 v33, v52  }
0x2fb: {  	[tilespmem:s1+$0x120] =	vst v52  }
0x2fc: {  	v52 =	vld [tilespmem:s13+$0x2180];
	_ =	sdelay $0x4  }
0x2fd: {  	v52 =	vadd.s32 v32, v52  }
0x2fe: {  	[tilespmem:s1+$0x130] =	vst v52  }
0x2ff: {  	v52 =	vld [tilespmem:s13+$0x2200];
	_ =	sdelay $0x4  }
0x300: {  	v52 =	vadd.s32 v31, v52  }
0x301: {  	[tilespmem:s1+$0x140] =	vst v52  }
0x302: {  	v52 =	vld [tilespmem:s13+$0x2280];
	_ =	sdelay $0x4  }
0x303: {  	v52 =	vadd.s32 v30, v52  }
0x304: {  	[tilespmem:s1+$0x150] =	vst v52  }
0x305: {  	v52 =	vld [tilespmem:s13+$0x2300];
	_ =	sdelay $0x4  }
0x306: {  	v52 =	vadd.s32 v29, v52  }
0x307: {  	[tilespmem:s1+$0x160] =	vst v52  }
0x308: {  	v52 =	vld [tilespmem:s13+$0x2380];
	_ =	sdelay $0x4  }
0x309: {  	v52 =	vadd.s32 v28, v52  }
0x30a: {  	[tilespmem:s1+$0x170] =	vst v52  }
0x30b: {  	v52 =	vld [tilespmem:s13+$0x3000];
	_ =	sdelay $0x4  }
0x30c: {  	v52 =	vadd.s32 v27, v52  }
0x30d: {  	[tilespmem:s17+$0x4180] =	vst v52  }
0x30e: {  	v52 =	vld [tilespmem:s13+$0x3080];
	_ =	sdelay $0x2  }
0x30f: {  	s9 =	simm.s32 $0xC80  }
0x310: {  	s16 =	sand.u32 $0x3FFFFC00, s9;
	s10 =	simm.s32 $0x190  }
0x311: {  	s4 =	simm.s32 $0x68A0;
	s17 =	simm.s32 $0x80;
	s13 =	simm.s32 $0x10;
	v52 =	vadd.s32 v26, v52  }
.LBB2_8:
0x312: {  	s16 =	sadd.s32 s13, s16;
	s3 =	sadd.s32 $0x1A0, s3  }
0x313: {  	[tilespmem:s1+$0x190] =	vst v52;
	s13 =	smov.u32 s17;
	s11 =	sadd.s32 $0x40, s17;
	s1 =	smov.u32 s4  }
0x314: {  	p0 =	sne.s32 s17, $0x1C0;
	v52 =	vld [tilespmem:s16+$0x0];
	_ =	sdelay $0x4  }
0x315: {  	v52 =	vadd.s32 v51, v52  }
0x316: {  	[tilespmem:s4+$0x0] =	vst v52  }
0x317: {  	v52 =	vld [tilespmem:s16+$0x80];
	_ =	sdelay $0x4  }
0x318: {  	v52 =	vadd.s32 v50, v52  }
0x319: {  	[tilespmem:s4+$0x10] =	vst v52  }
0x31a: {  	v52 =	vld [tilespmem:s16+$0x100];
	_ =	sdelay $0x4  }
0x31b: {  	v52 =	vadd.s32 v49, v52  }
0x31c: {  	[tilespmem:s4+$0x20] =	vst v52  }
0x31d: {  	v52 =	vld [tilespmem:s16+$0x180];
	_ =	sdelay $0x4  }
0x31e: {  	v52 =	vadd.s32 v48, v52  }
0x31f: {  	[tilespmem:s4+$0x30] =	vst v52  }
0x320: {  	v52 =	vld [tilespmem:s16+$0x200];
	_ =	sdelay $0x4  }
0x321: {  	v52 =	vadd.s32 v47, v52  }
0x322: {  	[tilespmem:s4+$0x40] =	vst v52  }
0x323: {  	v52 =	vld [tilespmem:s16+$0x280];
	_ =	sdelay $0x4  }
0x324: {  	v52 =	vadd.s32 v46, v52  }
0x325: {  	[tilespmem:s4+$0x50] =	vst v52  }
0x326: {  	v52 =	vld [tilespmem:s16+$0x300];
	_ =	sdelay $0x4  }
0x327: {  	s17 =	sor.u32 s9, s10;
	v52 =	vadd.s32 v45, v52  }
0x328: {  	s17 =	sor.u32 $0x380, s17;
	[tilespmem:s4+$0x60] =	vst v52  }
0x329: {  	v52 =	vld [tilespmem:s17+$0x0];
	_ =	sdelay $0x4  }
0x32a: {  	v52 =	vadd.s32 v44, v52  }
0x32b: {  	[tilespmem:s4+$0x70] =	vst v52  }
0x32c: {  	v52 =	vld [tilespmem:s16+$0x1000];
	_ =	sdelay $0x4  }
0x32d: {  	s17 =	sand.u32 $0x3FE0, s3;
	v52 =	vadd.s32 v43, v52  }
0x32e: {  	[tilespmem:s17+$0x4080] =	vst v52  }
0x32f: {  	v52 =	vld [tilespmem:s16+$0x1080];
	_ =	sdelay $0x4  }
0x330: {  	v52 =	vadd.s32 v42, v52  }
0x331: {  	[tilespmem:s4+$0x90] =	vst v52  }
0x332: {  	v52 =	vld [tilespmem:s16+$0x1100];
	_ =	sdelay $0x4  }
0x333: {  	v52 =	vadd.s32 v41, v52  }
0x334: {  	[tilespmem:s4+$0xA0] =	vst v52  }
0x335: {  	v52 =	vld [tilespmem:s16+$0x1180];
	_ =	sdelay $0x4  }
0x336: {  	v52 =	vadd.s32 v40, v52  }
0x337: {  	[tilespmem:s4+$0xB0] =	vst v52  }
0x338: {  	v52 =	vld [tilespmem:s16+$0x1200];
	_ =	sdelay $0x4  }
0x339: {  	v52 =	vadd.s32 v39, v52  }
0x33a: {  	[tilespmem:s4+$0xC0] =	vst v52  }
0x33b: {  	v52 =	vld [tilespmem:s16+$0x1280];
	_ =	sdelay $0x4  }
0x33c: {  	v52 =	vadd.s32 v38, v52  }
0x33d: {  	[tilespmem:s4+$0xD0] =	vst v52  }
0x33e: {  	v52 =	vld [tilespmem:s16+$0x1300];
	_ =	sdelay $0x4  }
0x33f: {  	v52 =	vadd.s32 v37, v52  }
0x340: {  	[tilespmem:s4+$0xE0] =	vst v52  }
0x341: {  	v52 =	vld [tilespmem:s16+$0x1380];
	_ =	sdelay $0x4  }
0x342: {  	v52 =	vadd.s32 v36, v52  }
0x343: {  	[tilespmem:s4+$0xF0] =	vst v52  }
0x344: {  	v52 =	vld [tilespmem:s16+$0x2000];
	_ =	sdelay $0x4  }
0x345: {  	v52 =	vadd.s32 v35, v52  }
0x346: {  	[tilespmem:s17+$0x4100] =	vst v52  }
0x347: {  	v52 =	vld [tilespmem:s16+$0x2080];
	_ =	sdelay $0x4  }
0x348: {  	v52 =	vadd.s32 v34, v52  }
0x349: {  	[tilespmem:s4+$0x110] =	vst v52  }
0x34a: {  	v52 =	vld [tilespmem:s16+$0x2100];
	_ =	sdelay $0x4  }
0x34b: {  	v52 =	vadd.s32 v33, v52  }
0x34c: {  	[tilespmem:s4+$0x120] =	vst v52  }
0x34d: {  	v52 =	vld [tilespmem:s16+$0x2180];
	_ =	sdelay $0x4  }
0x34e: {  	v52 =	vadd.s32 v32, v52  }
0x34f: {  	[tilespmem:s4+$0x130] =	vst v52  }
0x350: {  	v52 =	vld [tilespmem:s16+$0x2200];
	_ =	sdelay $0x4  }
0x351: {  	v52 =	vadd.s32 v31, v52  }
0x352: {  	[tilespmem:s4+$0x140] =	vst v52  }
0x353: {  	v52 =	vld [tilespmem:s16+$0x2280];
	_ =	sdelay $0x4  }
0x354: {  	v52 =	vadd.s32 v30, v52  }
0x355: {  	[tilespmem:s4+$0x150] =	vst v52  }
0x356: {  	v52 =	vld [tilespmem:s16+$0x2300];
	_ =	sdelay $0x4  }
0x357: {  	v52 =	vadd.s32 v29, v52  }
0x358: {  	[tilespmem:s4+$0x160] =	vst v52  }
0x359: {  	v52 =	vld [tilespmem:s16+$0x2380];
	_ =	sdelay $0x4  }
0x35a: {  	v52 =	vadd.s32 v28, v52  }
0x35b: {  	[tilespmem:s4+$0x170] =	vst v52  }
0x35c: {  	v52 =	vld [tilespmem:s16+$0x3000];
	_ =	sdelay $0x4  }
0x35d: {  	v52 =	vadd.s32 v27, v52  }
0x35e: {  	[tilespmem:s17+$0x4180] =	vst v52  }
0x35f: {  	v52 =	vld [tilespmem:s16+$0x3080]  }
.Ltmp3:
0x360: {  	(pc) =	sbr.rel @p0 .LBB2_8-.Ltmp3, $3  }
0x361: {  	_ =	sdelay $0x1  }
0x362: {  	s9 =	sadd.s32 $0x80, s9;
	s10 =	sadd.s32 $0x10, s10;
	s13 =	sshra.s32 s13, $0x2  }
0x363: {  	s4 =	sadd.s32 $0x1A0, s4;
	s17 =	smov.u32 s11;
	s16 =	sand.u32 $0x3FFFFC00, s9;
	v52 =	vadd.s32 v26, v52  }
0x364: {  	s11 =	sadd.s32 s13, s16;
	[tilespmem:s1+$0x190] =	vst v52  }
0x365: {  	v52 =	vld [tilespmem:s11+$0x0];
	_ =	sdelay $0x4  }
0x366: {  	v51 =	vadd.s32 v51, v52  }
0x367: {  	[tilespmem:s4+$0x0] =	vst v51  }
0x368: {  	v51 =	vld [tilespmem:s11+$0x80];
	_ =	sdelay $0x4  }
0x369: {  	v50 =	vadd.s32 v50, v51  }
0x36a: {  	[tilespmem:s4+$0x10] =	vst v50  }
0x36b: {  	v50 =	vld [tilespmem:s11+$0x100];
	_ =	sdelay $0x4  }
0x36c: {  	v49 =	vadd.s32 v49, v50  }
0x36d: {  	[tilespmem:s4+$0x20] =	vst v49  }
0x36e: {  	v49 =	vld [tilespmem:s11+$0x180];
	_ =	sdelay $0x4  }
0x36f: {  	v48 =	vadd.s32 v48, v49  }
0x370: {  	[tilespmem:s4+$0x30] =	vst v48  }
0x371: {  	v48 =	vld [tilespmem:s11+$0x200];
	_ =	sdelay $0x4  }
0x372: {  	v47 =	vadd.s32 v47, v48  }
0x373: {  	[tilespmem:s4+$0x40] =	vst v47  }
0x374: {  	v47 =	vld [tilespmem:s11+$0x280];
	_ =	sdelay $0x4  }
0x375: {  	v46 =	vadd.s32 v46, v47  }
0x376: {  	[tilespmem:s4+$0x50] =	vst v46  }
0x377: {  	v46 =	vld [tilespmem:s11+$0x300];
	_ =	sdelay $0x4  }
0x378: {  	s10 =	sor.u32 s9, s10;
	v45 =	vadd.s32 v45, v46  }
0x379: {  	s1 =	sor.u32 $0x380, s10;
	[tilespmem:s4+$0x60] =	vst v45  }
0x37a: {  	v45 =	vld [tilespmem:s1+$0x0];
	_ =	sdelay $0x4  }
0x37b: {  	v44 =	vadd.s32 v44, v45  }
0x37c: {  	[tilespmem:s4+$0x70] =	vst v44  }
0x37d: {  	v44 =	vld [tilespmem:s11+$0x1000];
	_ =	sdelay $0x3  }
0x37e: {  	s13 =	sadd.s32 $0x1A0, s3  }
0x37f: {  	s1 =	sand.u32 $0x3FE0, s13;
	v43 =	vadd.s32 v43, v44  }
0x380: {  	[tilespmem:s1+$0x4080] =	vst v43  }
0x381: {  	v43 =	vld [tilespmem:s11+$0x1080];
	_ =	sdelay $0x4  }
0x382: {  	v42 =	vadd.s32 v42, v43  }
0x383: {  	[tilespmem:s4+$0x90] =	vst v42  }
0x384: {  	v42 =	vld [tilespmem:s11+$0x1100];
	_ =	sdelay $0x4  }
0x385: {  	v41 =	vadd.s32 v41, v42  }
0x386: {  	[tilespmem:s4+$0xA0] =	vst v41  }
0x387: {  	v41 =	vld [tilespmem:s11+$0x1180];
	_ =	sdelay $0x4  }
0x388: {  	v40 =	vadd.s32 v40, v41  }
0x389: {  	[tilespmem:s4+$0xB0] =	vst v40  }
0x38a: {  	v40 =	vld [tilespmem:s11+$0x1200];
	_ =	sdelay $0x4  }
0x38b: {  	v39 =	vadd.s32 v39, v40  }
0x38c: {  	[tilespmem:s4+$0xC0] =	vst v39  }
0x38d: {  	v39 =	vld [tilespmem:s11+$0x1280];
	_ =	sdelay $0x4  }
0x38e: {  	v38 =	vadd.s32 v38, v39  }
0x38f: {  	[tilespmem:s4+$0xD0] =	vst v38  }
0x390: {  	v38 =	vld [tilespmem:s11+$0x1300];
	_ =	sdelay $0x4  }
0x391: {  	v37 =	vadd.s32 v37, v38  }
0x392: {  	[tilespmem:s4+$0xE0] =	vst v37  }
0x393: {  	v37 =	vld [tilespmem:s11+$0x1380];
	_ =	sdelay $0x4  }
0x394: {  	v36 =	vadd.s32 v36, v37  }
0x395: {  	[tilespmem:s4+$0xF0] =	vst v36  }
0x396: {  	v36 =	vld [tilespmem:s11+$0x2000];
	_ =	sdelay $0x4  }
0x397: {  	v35 =	vadd.s32 v35, v36  }
0x398: {  	[tilespmem:s1+$0x4100] =	vst v35  }
0x399: {  	v35 =	vld [tilespmem:s11+$0x2080];
	_ =	sdelay $0x4  }
0x39a: {  	v34 =	vadd.s32 v34, v35  }
0x39b: {  	[tilespmem:s4+$0x110] =	vst v34  }
0x39c: {  	v34 =	vld [tilespmem:s11+$0x2100];
	_ =	sdelay $0x4  }
0x39d: {  	v33 =	vadd.s32 v33, v34  }
0x39e: {  	[tilespmem:s4+$0x120] =	vst v33  }
0x39f: {  	v33 =	vld [tilespmem:s11+$0x2180];
	_ =	sdelay $0x4  }
0x3a0: {  	v32 =	vadd.s32 v32, v33  }
0x3a1: {  	[tilespmem:s4+$0x130] =	vst v32  }
0x3a2: {  	v32 =	vld [tilespmem:s11+$0x2200];
	_ =	sdelay $0x4  }
0x3a3: {  	v31 =	vadd.s32 v31, v32  }
0x3a4: {  	[tilespmem:s4+$0x140] =	vst v31  }
0x3a5: {  	v31 =	vld [tilespmem:s11+$0x2280];
	_ =	sdelay $0x4  }
0x3a6: {  	v30 =	vadd.s32 v30, v31  }
0x3a7: {  	[tilespmem:s4+$0x150] =	vst v30  }
0x3a8: {  	v30 =	vld [tilespmem:s11+$0x2300];
	_ =	sdelay $0x4  }
0x3a9: {  	v29 =	vadd.s32 v29, v30  }
0x3aa: {  	[tilespmem:s4+$0x160] =	vst v29  }
0x3ab: {  	v29 =	vld [tilespmem:s11+$0x2380];
	_ =	sdelay $0x4  }
0x3ac: {  	v28 =	vadd.s32 v28, v29  }
0x3ad: {  	[tilespmem:s4+$0x170] =	vst v28  }
0x3ae: {  	v28 =	vld [tilespmem:s11+$0x3000];
	_ =	sdelay $0x4  }
0x3af: {  	v27 =	vadd.s32 v27, v28  }
0x3b0: {  	[tilespmem:s1+$0x4180] =	vst v27  }
0x3b1: {  	v27 =	vld [tilespmem:s11+$0x3080];
	_ =	sdelay $0x4  }
0x3b2: {  	v26 =	vadd.s32 v26, v27  }
0x3b3: {  	[tilespmem:s4+$0x190] =	vst v26  }
0x3b4: {  	[tilespmem:s24], [sflag:$0x5] =	stream.indirect.gather [hbm4b:s2+s18], $0x1, s23, s18, $0xb8;
	[tilespmem:$0xAB00] =	vst v63  }
0x3b5: {  	v26 =	vld.idx.msk [tilespmem:v0+s25+$0x0], $0xffff;
	_ =	swait.ge [sflag:s26], $0xD00  }
0x3b6: {  	[sflag:s26] =	ssyncset.done $0x0  }
0x3b7: {  	s16 =	simm.s32 $0x74D0;
	[sflag:s26] =	ssyncadd.s32 $0xFFFFF300  }
0x3b8: {  	v27 =	vld [tilespmem:s16+$0xFFFFFF30];
	_ =	sdelay $0x1  }
0x3b9: {  	v28 =	vld [tilespmem:s16+$0xFFFFFF40];
	_ =	sdelay $0x1  }
0x3ba: {  	v29 =	vld [tilespmem:s16+$0xFFFFFF50]  }
0x3bb: {  	v27 =	vadd.f32 v27, v26  }
0x3bc: {  	v56 =	vld [tilespmem:s16+$0xFFFFFF60]  }
0x3bd: {  	v27 =	vadd.f32 v28, v27  }
0x3be: {  	v28 =	vld [tilespmem:s16+$0xFFFFFF70]  }
0x3bf: {  	v27 =	vadd.f32 v29, v27  }
0x3c0: {  	v29 =	vld [tilespmem:s16+$0xFFFFFF80]  }
0x3c1: {  	v27 =	vadd.f32 v56, v27  }
0x3c2: {  	v57 =	vld [tilespmem:s16+$0xFFFFFF90]  }
0x3c3: {  	v27 =	vadd.f32 v28, v27  }
0x3c4: {  	s17 =	simm.s32 $0x0;
	v28 =	vld [tilespmem:s16+$0xFFFFFFA0]  }
0x3c5: {  	s3 =	sand.u32 $0xFE0, s17;
	v27 =	vadd.f32 v29, v27  }
0x3c6: {  	v29 =	vld [tilespmem:s3+$0x7480]  }
0x3c7: {  	v27 =	vadd.f32 v57, v27  }
0x3c8: {  	v58 =	vld [tilespmem:s16+$0xFFFFFFC0]  }
0x3c9: {  	v27 =	vadd.f32 v28, v27  }
0x3ca: {  	v28 =	vld [tilespmem:s16+$0xFFFFFFD0]  }
0x3cb: {  	v27 =	vadd.f32 v29, v27  }
0x3cc: {  	v29 =	vld [tilespmem:s16+$0xFFFFFFE0]  }
0x3cd: {  	v27 =	vadd.f32 v58, v27  }
0x3ce: {  	v59 =	vld [tilespmem:s16+$0xFFFFFFF0]  }
0x3cf: {  	v27 =	vadd.f32 v28, v27  }
0x3d0: {  	v28 =	vld [tilespmem:s16+$0x0]  }
0x3d1: {  	v27 =	vadd.f32 v29, v27  }
0x3d2: {  	v29 =	vld [tilespmem:s16+$0x10]  }
0x3d3: {  	v27 =	vadd.f32 v59, v27  }
0x3d4: {  	v60 =	vld [tilespmem:s16+$0x20]  }
0x3d5: {  	v27 =	vadd.f32 v28, v27  }
0x3d6: {  	v28 =	vld [tilespmem:s3+$0x7500]  }
0x3d7: {  	v27 =	vadd.f32 v29, v27  }
0x3d8: {  	v29 =	vld [tilespmem:s16+$0x40]  }
0x3d9: {  	v27 =	vadd.f32 v60, v27  }
0x3da: {  	v61 =	vld [tilespmem:s16+$0x50]  }
0x3db: {  	v27 =	vadd.f32 v28, v27  }
0x3dc: {  	v28 =	vld [tilespmem:s16+$0x60]  }
0x3dd: {  	v27 =	vadd.f32 v29, v27  }
0x3de: {  	v29 =	vld [tilespmem:s16+$0x70]  }
0x3df: {  	v27 =	vadd.f32 v61, v27  }
0x3e0: {  	v62 =	vld [tilespmem:s16+$0x80]  }
0x3e1: {  	v27 =	vadd.f32 v28, v27  }
0x3e2: {  	v28 =	vld [tilespmem:s16+$0x90]  }
0x3e3: {  	v27 =	vadd.f32 v29, v27  }
0x3e4: {  	v29 =	vld [tilespmem:s16+$0xA0]  }
0x3e5: {  	v27 =	vadd.f32 v62, v27  }
0x3e6: {  	v63 =	vld [tilespmem:s3+$0x7580]  }
0x3e7: {  	v27 =	vadd.f32 v28, v27  }
0x3e8: {  	v28 =	vld [tilespmem:s16+$0xC0]  }
0x3e9: {  	v27 =	vadd.f32 v29, v27;
	_ =	sdelay $0x1  }
0x3ea: {  	v27 =	vadd.f32 v63, v27;
	_ =	sdelay $0x1  }
0x3eb: {  	v27 =	vadd.f32 v28, v27  }
0x3ec: {  	s1 =	simm.s32 $0xA900  }
0x3ed: {  	s3 =	simm.s32 $0x7670;
	[tilespmem:s1+$0x0] =	vst v27  }
0x3ee: {  	s9 =	simm.s32 $0x340;
	s4 =	simm.s32 $0x1A0;
	v27 =	vld [tilespmem:s3+$0xFFFFFF30]  }
.LBB2_10:
0x3ef: {  	p0 =	sne.s32 s9, $0xB60  }
0x3f0: {  	v28 =	vld [tilespmem:s3+$0xFFFFFF40];
	_ =	sdelay $0x1  }
0x3f1: {  	v29 =	vld [tilespmem:s3+$0xFFFFFF50]  }
0x3f2: {  	v27 =	vadd.f32 v27, v26  }
0x3f3: {  	v30 =	vld [tilespmem:s3+$0xFFFFFF60]  }
0x3f4: {  	v27 =	vadd.f32 v28, v27  }
0x3f5: {  	v28 =	vld [tilespmem:s3+$0xFFFFFF70]  }
0x3f6: {  	v27 =	vadd.f32 v29, v27  }
0x3f7: {  	v29 =	vld [tilespmem:s3+$0xFFFFFF80]  }
0x3f8: {  	v27 =	vadd.f32 v30, v27  }
0x3f9: {  	v30 =	vld [tilespmem:s3+$0xFFFFFF90]  }
0x3fa: {  	v27 =	vadd.f32 v28, v27  }
0x3fb: {  	v28 =	vld [tilespmem:s3+$0xFFFFFFA0]  }
0x3fc: {  	s10 =	sand.u32 $0xFE0, s4;
	s4 =	smov.u32 s9;
	v27 =	vadd.f32 v29, v27  }
0x3fd: {  	v29 =	vld [tilespmem:s10+$0x7480]  }
0x3fe: {  	v27 =	vadd.f32 v30, v27  }
0x3ff: {  	v30 =	vld [tilespmem:s3+$0xFFFFFFC0]  }
0x400: {  	v27 =	vadd.f32 v28, v27  }
0x401: {  	v28 =	vld [tilespmem:s3+$0xFFFFFFD0]  }
0x402: {  	v27 =	vadd.f32 v29, v27  }
0x403: {  	v29 =	vld [tilespmem:s3+$0xFFFFFFE0]  }
0x404: {  	v27 =	vadd.f32 v30, v27  }
0x405: {  	v30 =	vld [tilespmem:s3+$0xFFFFFFF0]  }
0x406: {  	v27 =	vadd.f32 v28, v27  }
0x407: {  	v28 =	vld [tilespmem:s3+$0x0]  }
0x408: {  	v27 =	vadd.f32 v29, v27  }
0x409: {  	v29 =	vld [tilespmem:s3+$0x10]  }
0x40a: {  	v27 =	vadd.f32 v30, v27  }
0x40b: {  	v30 =	vld [tilespmem:s3+$0x20]  }
0x40c: {  	v27 =	vadd.f32 v28, v27  }
0x40d: {  	v28 =	vld [tilespmem:s10+$0x7500]  }
0x40e: {  	v27 =	vadd.f32 v29, v27  }
0x40f: {  	v29 =	vld [tilespmem:s3+$0x40]  }
0x410: {  	v27 =	vadd.f32 v30, v27  }
0x411: {  	v30 =	vld [tilespmem:s3+$0x50]  }
0x412: {  	v27 =	vadd.f32 v28, v27  }
0x413: {  	v28 =	vld [tilespmem:s3+$0x60]  }
0x414: {  	v27 =	vadd.f32 v29, v27  }
0x415: {  	v29 =	vld [tilespmem:s3+$0x70]  }
0x416: {  	v27 =	vadd.f32 v30, v27  }
0x417: {  	v30 =	vld [tilespmem:s3+$0x80]  }
0x418: {  	v27 =	vadd.f32 v28, v27  }
0x419: {  	v28 =	vld [tilespmem:s3+$0x90]  }
0x41a: {  	v27 =	vadd.f32 v29, v27  }
0x41b: {  	v29 =	vld [tilespmem:s3+$0xA0]  }
0x41c: {  	v27 =	vadd.f32 v30, v27  }
0x41d: {  	v30 =	vld [tilespmem:s10+$0x7580]  }
0x41e: {  	v27 =	vadd.f32 v28, v27  }
0x41f: {  	v28 =	vld [tilespmem:s3+$0xC0]  }
0x420: {  	v27 =	vadd.f32 v29, v27;
	_ =	sdelay $0x1  }
0x421: {  	v27 =	vadd.f32 v30, v27  }
.Ltmp4:
0x422: {  	(pc) =	sbr.rel @p0 .LBB2_10-.Ltmp4, $4  }
0x423: {  	v27 =	vadd.f32 v28, v27  }
0x424: {  	s1 =	sadd.s32 $0x10, s1  }
0x425: {  	s3 =	sadd.s32 $0x1A0, s3;
	[tilespmem:s1+$0x0] =	vst v27  }
0x426: {  	s9 =	sadd.s32 $0x1A0, s9;
	v27 =	vld [tilespmem:s3+$0xFFFFFF30]  }
0x427: {  	_ = 	snop  }
0x428: {  	v28 =	vld [tilespmem:s3+$0xFFFFFF40];
	_ =	sdelay $0x1  }
0x429: {  	v29 =	vld [tilespmem:s3+$0xFFFFFF50]  }
0x42a: {  	v27 =	vadd.f32 v27, v26  }
0x42b: {  	v30 =	vld [tilespmem:s3+$0xFFFFFF60]  }
0x42c: {  	v27 =	vadd.f32 v28, v27  }
0x42d: {  	v28 =	vld [tilespmem:s3+$0xFFFFFF70]  }
0x42e: {  	v27 =	vadd.f32 v29, v27  }
0x42f: {  	v29 =	vld [tilespmem:s3+$0xFFFFFF80]  }
0x430: {  	v27 =	vadd.f32 v30, v27  }
0x431: {  	v49 =	vld [tilespmem:s3+$0xFFFFFF90]  }
0x432: {  	v27 =	vadd.f32 v28, v27  }
0x433: {  	v28 =	vld [tilespmem:s3+$0xFFFFFFA0]  }
0x434: {  	s4 =	sand.u32 $0xFE0, s4;
	v27 =	vadd.f32 v29, v27  }
0x435: {  	v29 =	vld [tilespmem:s4+$0x7480]  }
0x436: {  	v27 =	vadd.f32 v49, v27  }
0x437: {  	v50 =	vld [tilespmem:s3+$0xFFFFFFC0]  }
0x438: {  	v27 =	vadd.f32 v28, v27  }
0x439: {  	v28 =	vld [tilespmem:s3+$0xFFFFFFD0]  }
0x43a: {  	v27 =	vadd.f32 v29, v27  }
0x43b: {  	v29 =	vld [tilespmem:s3+$0xFFFFFFE0]  }
0x43c: {  	v27 =	vadd.f32 v50, v27  }
0x43d: {  	v51 =	vld [tilespmem:s3+$0xFFFFFFF0]  }
0x43e: {  	v27 =	vadd.f32 v28, v27  }
0x43f: {  	v28 =	vld [tilespmem:s3+$0x0]  }
0x440: {  	v27 =	vadd.f32 v29, v27  }
0x441: {  	v29 =	vld [tilespmem:s3+$0x10]  }
0x442: {  	v27 =	vadd.f32 v51, v27  }
0x443: {  	v52 =	vld [tilespmem:s3+$0x20]  }
0x444: {  	v27 =	vadd.f32 v28, v27  }
0x445: {  	v28 =	vld [tilespmem:s4+$0x7500]  }
0x446: {  	v27 =	vadd.f32 v29, v27  }
0x447: {  	v29 =	vld [tilespmem:s3+$0x40]  }
0x448: {  	v27 =	vadd.f32 v52, v27  }
0x449: {  	v53 =	vld [tilespmem:s3+$0x50]  }
0x44a: {  	v27 =	vadd.f32 v28, v27  }
0x44b: {  	v28 =	vld [tilespmem:s3+$0x60]  }
0x44c: {  	v27 =	vadd.f32 v29, v27  }
0x44d: {  	v29 =	vld [tilespmem:s3+$0x70]  }
0x44e: {  	v27 =	vadd.f32 v53, v27  }
0x44f: {  	v54 =	vld [tilespmem:s3+$0x80]  }
0x450: {  	v27 =	vadd.f32 v28, v27  }
0x451: {  	v28 =	vld [tilespmem:s3+$0x90]  }
0x452: {  	v27 =	vadd.f32 v29, v27  }
0x453: {  	v29 =	vld [tilespmem:s3+$0xA0]  }
0x454: {  	v27 =	vadd.f32 v54, v27  }
0x455: {  	v55 =	vld [tilespmem:s4+$0x7580]  }
0x456: {  	v27 =	vadd.f32 v28, v27  }
0x457: {  	v28 =	vld [tilespmem:s3+$0xC0]  }
0x458: {  	v27 =	vadd.f32 v29, v27;
	_ =	sdelay $0x1  }
0x459: {  	v27 =	vadd.f32 v55, v27;
	_ =	sdelay $0x1  }
0x45a: {  	v27 =	vadd.f32 v28, v27  }
0x45b: {  	s1 =	sadd.s32 $0x10, s1  }
0x45c: {  	[tilespmem:s1+$0x0] =	vst v27  }
0x45d: {  	_ =	swait.ge [sflag:s28], $0xD00  }
0x45e: {  	[sflag:s28] =	ssyncset.done $0x0  }
0x45f: {  	s16 =	simm.s32 $0x8100;
	[sflag:s28] =	ssyncadd.s32 $0xFFFFF300  }
0x460: {  	v27 =	vld [tilespmem:s16+$0x0];
	_ =	sdelay $0x1  }
0x461: {  	v28 =	vld [tilespmem:s16+$0x10];
	_ =	sdelay $0x1  }
0x462: {  	v29 =	vld [tilespmem:s16+$0x20]  }
0x463: {  	v27 =	vadd.f32 v27, v26  }
0x464: {  	v56 =	vld [tilespmem:s16+$0x30]  }
0x465: {  	v27 =	vadd.f32 v28, v27  }
0x466: {  	v28 =	vld [tilespmem:s16+$0x40]  }
0x467: {  	v27 =	vadd.f32 v29, v27  }
0x468: {  	v29 =	vld [tilespmem:s16+$0x50]  }
0x469: {  	v27 =	vadd.f32 v56, v27  }
0x46a: {  	v57 =	vld [tilespmem:s16+$0x60]  }
0x46b: {  	v27 =	vadd.f32 v28, v27  }
0x46c: {  	s17 =	simm.s32 $0xD00;
	v28 =	vld [tilespmem:s16+$0x70]  }
0x46d: {  	s3 =	sand.u32 $0x1FE0, s17;
	v27 =	vadd.f32 v29, v27  }
0x46e: {  	v29 =	vld [tilespmem:s3+$0x7480]  }
0x46f: {  	v27 =	vadd.f32 v57, v27  }
0x470: {  	v58 =	vld [tilespmem:s16+$0x90]  }
0x471: {  	v27 =	vadd.f32 v28, v27  }
0x472: {  	v28 =	vld [tilespmem:s16+$0xA0]  }
0x473: {  	v27 =	vadd.f32 v29, v27  }
0x474: {  	v29 =	vld [tilespmem:s16+$0xB0]  }
0x475: {  	v27 =	vadd.f32 v58, v27  }
0x476: {  	v59 =	vld [tilespmem:s16+$0xC0]  }
0x477: {  	v27 =	vadd.f32 v28, v27  }
0x478: {  	v28 =	vld [tilespmem:s16+$0xD0]  }
0x479: {  	v27 =	vadd.f32 v29, v27  }
0x47a: {  	v29 =	vld [tilespmem:s16+$0xE0]  }
0x47b: {  	v27 =	vadd.f32 v59, v27  }
0x47c: {  	v60 =	vld [tilespmem:s16+$0xF0]  }
0x47d: {  	v27 =	vadd.f32 v28, v27  }
0x47e: {  	v28 =	vld [tilespmem:s3+$0x7500]  }
0x47f: {  	v27 =	vadd.f32 v29, v27  }
0x480: {  	v29 =	vld [tilespmem:s16+$0x110]  }
0x481: {  	v27 =	vadd.f32 v60, v27  }
0x482: {  	v61 =	vld [tilespmem:s16+$0x120]  }
0x483: {  	v27 =	vadd.f32 v28, v27  }
0x484: {  	v28 =	vld [tilespmem:s16+$0x130]  }
0x485: {  	v27 =	vadd.f32 v29, v27  }
0x486: {  	v29 =	vld [tilespmem:s16+$0x140]  }
0x487: {  	v27 =	vadd.f32 v61, v27  }
0x488: {  	v62 =	vld [tilespmem:s16+$0x150]  }
0x489: {  	v27 =	vadd.f32 v28, v27  }
0x48a: {  	v28 =	vld [tilespmem:s16+$0x160]  }
0x48b: {  	v27 =	vadd.f32 v29, v27  }
0x48c: {  	v29 =	vld [tilespmem:s16+$0x170]  }
0x48d: {  	v27 =	vadd.f32 v62, v27  }
0x48e: {  	v63 =	vld [tilespmem:s3+$0x7580]  }
0x48f: {  	v27 =	vadd.f32 v28, v27  }
0x490: {  	v28 =	vld [tilespmem:s16+$0x190]  }
0x491: {  	v27 =	vadd.f32 v29, v27;
	_ =	sdelay $0x1  }
0x492: {  	v27 =	vadd.f32 v63, v27;
	_ =	sdelay $0x1  }
0x493: {  	v27 =	vadd.f32 v28, v27  }
0x494: {  	s1 =	simm.s32 $0xA980  }
0x495: {  	s3 =	simm.s32 $0x82A0;
	[tilespmem:s1+$0x0] =	vst v27  }
0x496: {  	s9 =	simm.s32 $0x1040;
	s4 =	simm.s32 $0xEA0;
	v27 =	vld [tilespmem:s3+$0x0]  }
.LBB2_12:
0x497: {  	p0 =	sne.s32 s9, $0x1860  }
0x498: {  	v28 =	vld [tilespmem:s3+$0x10];
	_ =	sdelay $0x1  }
0x499: {  	v29 =	vld [tilespmem:s3+$0x20]  }
0x49a: {  	v27 =	vadd.f32 v27, v26  }
0x49b: {  	v30 =	vld [tilespmem:s3+$0x30]  }
0x49c: {  	v27 =	vadd.f32 v28, v27  }
0x49d: {  	v28 =	vld [tilespmem:s3+$0x40]  }
0x49e: {  	v27 =	vadd.f32 v29, v27  }
0x49f: {  	v29 =	vld [tilespmem:s3+$0x50]  }
0x4a0: {  	v27 =	vadd.f32 v30, v27  }
0x4a1: {  	v30 =	vld [tilespmem:s3+$0x60]  }
0x4a2: {  	v27 =	vadd.f32 v28, v27  }
0x4a3: {  	v28 =	vld [tilespmem:s3+$0x70]  }
0x4a4: {  	s10 =	sand.u32 $0x1FE0, s4;
	s4 =	smov.u32 s9;
	v27 =	vadd.f32 v29, v27  }
0x4a5: {  	v29 =	vld [tilespmem:s10+$0x7480]  }
0x4a6: {  	v27 =	vadd.f32 v30, v27  }
0x4a7: {  	v30 =	vld [tilespmem:s3+$0x90]  }
0x4a8: {  	v27 =	vadd.f32 v28, v27  }
0x4a9: {  	v28 =	vld [tilespmem:s3+$0xA0]  }
0x4aa: {  	v27 =	vadd.f32 v29, v27  }
0x4ab: {  	v29 =	vld [tilespmem:s3+$0xB0]  }
0x4ac: {  	v27 =	vadd.f32 v30, v27  }
0x4ad: {  	v30 =	vld [tilespmem:s3+$0xC0]  }
0x4ae: {  	v27 =	vadd.f32 v28, v27  }
0x4af: {  	v28 =	vld [tilespmem:s3+$0xD0]  }
0x4b0: {  	v27 =	vadd.f32 v29, v27  }
0x4b1: {  	v29 =	vld [tilespmem:s3+$0xE0]  }
0x4b2: {  	v27 =	vadd.f32 v30, v27  }
0x4b3: {  	v30 =	vld [tilespmem:s3+$0xF0]  }
0x4b4: {  	v27 =	vadd.f32 v28, v27  }
0x4b5: {  	v28 =	vld [tilespmem:s10+$0x7500]  }
0x4b6: {  	v27 =	vadd.f32 v29, v27  }
0x4b7: {  	v29 =	vld [tilespmem:s3+$0x110]  }
0x4b8: {  	v27 =	vadd.f32 v30, v27  }
0x4b9: {  	v30 =	vld [tilespmem:s3+$0x120]  }
0x4ba: {  	v27 =	vadd.f32 v28, v27  }
0x4bb: {  	v28 =	vld [tilespmem:s3+$0x130]  }
0x4bc: {  	v27 =	vadd.f32 v29, v27  }
0x4bd: {  	v29 =	vld [tilespmem:s3+$0x140]  }
0x4be: {  	v27 =	vadd.f32 v30, v27  }
0x4bf: {  	v30 =	vld [tilespmem:s3+$0x150]  }
0x4c0: {  	v27 =	vadd.f32 v28, v27  }
0x4c1: {  	v28 =	vld [tilespmem:s3+$0x160]  }
0x4c2: {  	v27 =	vadd.f32 v29, v27  }
0x4c3: {  	v29 =	vld [tilespmem:s3+$0x170]  }
0x4c4: {  	v27 =	vadd.f32 v30, v27  }
0x4c5: {  	v30 =	vld [tilespmem:s10+$0x7580]  }
0x4c6: {  	v27 =	vadd.f32 v28, v27  }
0x4c7: {  	v28 =	vld [tilespmem:s3+$0x190]  }
0x4c8: {  	v27 =	vadd.f32 v29, v27;
	_ =	sdelay $0x1  }
0x4c9: {  	v27 =	vadd.f32 v30, v27  }
.Ltmp5:
0x4ca: {  	(pc) =	sbr.rel @p0 .LBB2_12-.Ltmp5, $4  }
0x4cb: {  	v27 =	vadd.f32 v28, v27  }
0x4cc: {  	s1 =	sadd.s32 $0x10, s1  }
0x4cd: {  	s3 =	sadd.s32 $0x1A0, s3;
	[tilespmem:s1+$0x0] =	vst v27  }
0x4ce: {  	s9 =	sadd.s32 $0x1A0, s9;
	v27 =	vld [tilespmem:s3+$0x0]  }
0x4cf: {  	_ = 	snop  }
0x4d0: {  	v28 =	vld [tilespmem:s3+$0x10];
	_ =	sdelay $0x1  }
0x4d1: {  	v29 =	vld [tilespmem:s3+$0x20]  }
0x4d2: {  	v27 =	vadd.f32 v27, v26  }
0x4d3: {  	v30 =	vld [tilespmem:s3+$0x30]  }
0x4d4: {  	v27 =	vadd.f32 v28, v27  }
0x4d5: {  	v28 =	vld [tilespmem:s3+$0x40]  }
0x4d6: {  	v27 =	vadd.f32 v29, v27  }
0x4d7: {  	v29 =	vld [tilespmem:s3+$0x50]  }
0x4d8: {  	v27 =	vadd.f32 v30, v27  }
0x4d9: {  	v49 =	vld [tilespmem:s3+$0x60]  }
0x4da: {  	v27 =	vadd.f32 v28, v27  }
0x4db: {  	v28 =	vld [tilespmem:s3+$0x70]  }
0x4dc: {  	s4 =	sand.u32 $0x1FE0, s4;
	v27 =	vadd.f32 v29, v27  }
0x4dd: {  	v29 =	vld [tilespmem:s4+$0x7480]  }
0x4de: {  	v27 =	vadd.f32 v49, v27  }
0x4df: {  	v50 =	vld [tilespmem:s3+$0x90]  }
0x4e0: {  	v27 =	vadd.f32 v28, v27  }
0x4e1: {  	v28 =	vld [tilespmem:s3+$0xA0]  }
0x4e2: {  	v27 =	vadd.f32 v29, v27  }
0x4e3: {  	v29 =	vld [tilespmem:s3+$0xB0]  }
0x4e4: {  	v27 =	vadd.f32 v50, v27  }
0x4e5: {  	v51 =	vld [tilespmem:s3+$0xC0]  }
0x4e6: {  	v27 =	vadd.f32 v28, v27  }
0x4e7: {  	v28 =	vld [tilespmem:s3+$0xD0]  }
0x4e8: {  	v27 =	vadd.f32 v29, v27  }
0x4e9: {  	v29 =	vld [tilespmem:s3+$0xE0]  }
0x4ea: {  	v27 =	vadd.f32 v51, v27  }
0x4eb: {  	v52 =	vld [tilespmem:s3+$0xF0]  }
0x4ec: {  	v27 =	vadd.f32 v28, v27  }
0x4ed: {  	v28 =	vld [tilespmem:s4+$0x7500]  }
0x4ee: {  	v27 =	vadd.f32 v29, v27  }
0x4ef: {  	v29 =	vld [tilespmem:s3+$0x110]  }
0x4f0: {  	v27 =	vadd.f32 v52, v27  }
0x4f1: {  	v53 =	vld [tilespmem:s3+$0x120]  }
0x4f2: {  	v27 =	vadd.f32 v28, v27  }
0x4f3: {  	v28 =	vld [tilespmem:s3+$0x130]  }
0x4f4: {  	v27 =	vadd.f32 v29, v27  }
0x4f5: {  	v29 =	vld [tilespmem:s3+$0x140]  }
0x4f6: {  	v27 =	vadd.f32 v53, v27  }
0x4f7: {  	v54 =	vld [tilespmem:s3+$0x150]  }
0x4f8: {  	v27 =	vadd.f32 v28, v27  }
0x4f9: {  	v28 =	vld [tilespmem:s3+$0x160]  }
0x4fa: {  	v27 =	vadd.f32 v29, v27  }
0x4fb: {  	v29 =	vld [tilespmem:s3+$0x170]  }
0x4fc: {  	v27 =	vadd.f32 v54, v27  }
0x4fd: {  	v55 =	vld [tilespmem:s4+$0x7580]  }
0x4fe: {  	v27 =	vadd.f32 v28, v27  }
0x4ff: {  	v28 =	vld [tilespmem:s3+$0x190]  }
0x500: {  	v27 =	vadd.f32 v29, v27;
	_ =	sdelay $0x1  }
0x501: {  	v27 =	vadd.f32 v55, v27;
	_ =	sdelay $0x1  }
0x502: {  	v27 =	vadd.f32 v28, v27  }
0x503: {  	s1 =	sadd.s32 $0x10, s1  }
0x504: {  	[tilespmem:s1+$0x0] =	vst v27  }
0x505: {  	_ =	swait.ge [sflag:s29], $0xD00  }
0x506: {  	[sflag:s29] =	ssyncset.done $0x0  }
0x507: {  	s16 =	simm.s32 $0x8E00;
	[sflag:s29] =	ssyncadd.s32 $0xFFFFF300  }
0x508: {  	v27 =	vld [tilespmem:s16+$0x0];
	_ =	sdelay $0x1  }
0x509: {  	v28 =	vld [tilespmem:s16+$0x10];
	_ =	sdelay $0x1  }
0x50a: {  	v29 =	vld [tilespmem:s16+$0x20]  }
0x50b: {  	v27 =	vadd.f32 v27, v26  }
0x50c: {  	v56 =	vld [tilespmem:s16+$0x30]  }
0x50d: {  	v27 =	vadd.f32 v28, v27  }
0x50e: {  	v28 =	vld [tilespmem:s16+$0x40]  }
0x50f: {  	v27 =	vadd.f32 v29, v27  }
0x510: {  	v29 =	vld [tilespmem:s16+$0x50]  }
0x511: {  	v27 =	vadd.f32 v56, v27  }
0x512: {  	v57 =	vld [tilespmem:s16+$0x60]  }
0x513: {  	v27 =	vadd.f32 v28, v27  }
0x514: {  	s17 =	simm.s32 $0x1A00;
	v28 =	vld [tilespmem:s16+$0x70]  }
0x515: {  	s3 =	sand.u32 $0x3FE0, s17;
	v27 =	vadd.f32 v29, v27  }
0x516: {  	v29 =	vld [tilespmem:s3+$0x7480]  }
0x517: {  	v27 =	vadd.f32 v57, v27  }
0x518: {  	v58 =	vld [tilespmem:s16+$0x90]  }
0x519: {  	v27 =	vadd.f32 v28, v27  }
0x51a: {  	v28 =	vld [tilespmem:s16+$0xA0]  }
0x51b: {  	v27 =	vadd.f32 v29, v27  }
0x51c: {  	v29 =	vld [tilespmem:s16+$0xB0]  }
0x51d: {  	v27 =	vadd.f32 v58, v27  }
0x51e: {  	v59 =	vld [tilespmem:s16+$0xC0]  }
0x51f: {  	v27 =	vadd.f32 v28, v27  }
0x520: {  	v28 =	vld [tilespmem:s16+$0xD0]  }
0x521: {  	v27 =	vadd.f32 v29, v27  }
0x522: {  	v29 =	vld [tilespmem:s16+$0xE0]  }
0x523: {  	v27 =	vadd.f32 v59, v27  }
0x524: {  	v60 =	vld [tilespmem:s16+$0xF0]  }
0x525: {  	v27 =	vadd.f32 v28, v27  }
0x526: {  	v28 =	vld [tilespmem:s3+$0x7500]  }
0x527: {  	v27 =	vadd.f32 v29, v27  }
0x528: {  	v29 =	vld [tilespmem:s16+$0x110]  }
0x529: {  	v27 =	vadd.f32 v60, v27  }
0x52a: {  	v61 =	vld [tilespmem:s16+$0x120]  }
0x52b: {  	v27 =	vadd.f32 v28, v27  }
0x52c: {  	v28 =	vld [tilespmem:s16+$0x130]  }
0x52d: {  	v27 =	vadd.f32 v29, v27  }
0x52e: {  	v29 =	vld [tilespmem:s16+$0x140]  }
0x52f: {  	v27 =	vadd.f32 v61, v27  }
0x530: {  	v62 =	vld [tilespmem:s16+$0x150]  }
0x531: {  	v27 =	vadd.f32 v28, v27  }
0x532: {  	v28 =	vld [tilespmem:s16+$0x160]  }
0x533: {  	v27 =	vadd.f32 v29, v27  }
0x534: {  	v29 =	vld [tilespmem:s16+$0x170]  }
0x535: {  	v27 =	vadd.f32 v62, v27  }
0x536: {  	v63 =	vld [tilespmem:s3+$0x7580]  }
0x537: {  	v27 =	vadd.f32 v28, v27  }
0x538: {  	v28 =	vld [tilespmem:s16+$0x190]  }
0x539: {  	v27 =	vadd.f32 v29, v27;
	_ =	sdelay $0x1  }
0x53a: {  	v27 =	vadd.f32 v63, v27;
	_ =	sdelay $0x1  }
0x53b: {  	v27 =	vadd.f32 v28, v27  }
0x53c: {  	s1 =	simm.s32 $0xAA00  }
0x53d: {  	s3 =	simm.s32 $0x8FA0;
	[tilespmem:s1+$0x0] =	vst v27  }
0x53e: {  	s9 =	simm.s32 $0x1D40;
	s4 =	simm.s32 $0x1BA0;
	v27 =	vld [tilespmem:s3+$0x0]  }
.LBB2_14:
0x53f: {  	p0 =	sne.s32 s9, $0x2560  }
0x540: {  	v28 =	vld [tilespmem:s3+$0x10];
	_ =	sdelay $0x1  }
0x541: {  	v29 =	vld [tilespmem:s3+$0x20]  }
0x542: {  	v27 =	vadd.f32 v27, v26  }
0x543: {  	v30 =	vld [tilespmem:s3+$0x30]  }
0x544: {  	v27 =	vadd.f32 v28, v27  }
0x545: {  	v28 =	vld [tilespmem:s3+$0x40]  }
0x546: {  	v27 =	vadd.f32 v29, v27  }
0x547: {  	v29 =	vld [tilespmem:s3+$0x50]  }
0x548: {  	v27 =	vadd.f32 v30, v27  }
0x549: {  	v30 =	vld [tilespmem:s3+$0x60]  }
0x54a: {  	v27 =	vadd.f32 v28, v27  }
0x54b: {  	v28 =	vld [tilespmem:s3+$0x70]  }
0x54c: {  	s10 =	sand.u32 $0x3FE0, s4;
	s4 =	smov.u32 s9;
	v27 =	vadd.f32 v29, v27  }
0x54d: {  	v29 =	vld [tilespmem:s10+$0x7480]  }
0x54e: {  	v27 =	vadd.f32 v30, v27  }
0x54f: {  	v30 =	vld [tilespmem:s3+$0x90]  }
0x550: {  	v27 =	vadd.f32 v28, v27  }
0x551: {  	v28 =	vld [tilespmem:s3+$0xA0]  }
0x552: {  	v27 =	vadd.f32 v29, v27  }
0x553: {  	v29 =	vld [tilespmem:s3+$0xB0]  }
0x554: {  	v27 =	vadd.f32 v30, v27  }
0x555: {  	v30 =	vld [tilespmem:s3+$0xC0]  }
0x556: {  	v27 =	vadd.f32 v28, v27  }
0x557: {  	v28 =	vld [tilespmem:s3+$0xD0]  }
0x558: {  	v27 =	vadd.f32 v29, v27  }
0x559: {  	v29 =	vld [tilespmem:s3+$0xE0]  }
0x55a: {  	v27 =	vadd.f32 v30, v27  }
0x55b: {  	v30 =	vld [tilespmem:s3+$0xF0]  }
0x55c: {  	v27 =	vadd.f32 v28, v27  }
0x55d: {  	v28 =	vld [tilespmem:s10+$0x7500]  }
0x55e: {  	v27 =	vadd.f32 v29, v27  }
0x55f: {  	v29 =	vld [tilespmem:s3+$0x110]  }
0x560: {  	v27 =	vadd.f32 v30, v27  }
0x561: {  	v30 =	vld [tilespmem:s3+$0x120]  }
0x562: {  	v27 =	vadd.f32 v28, v27  }
0x563: {  	v28 =	vld [tilespmem:s3+$0x130]  }
0x564: {  	v27 =	vadd.f32 v29, v27  }
0x565: {  	v29 =	vld [tilespmem:s3+$0x140]  }
0x566: {  	v27 =	vadd.f32 v30, v27  }
0x567: {  	v30 =	vld [tilespmem:s3+$0x150]  }
0x568: {  	v27 =	vadd.f32 v28, v27  }
0x569: {  	v28 =	vld [tilespmem:s3+$0x160]  }
0x56a: {  	v27 =	vadd.f32 v29, v27  }
0x56b: {  	v29 =	vld [tilespmem:s3+$0x170]  }
0x56c: {  	v27 =	vadd.f32 v30, v27  }
0x56d: {  	v30 =	vld [tilespmem:s10+$0x7580]  }
0x56e: {  	v27 =	vadd.f32 v28, v27  }
0x56f: {  	v28 =	vld [tilespmem:s3+$0x190]  }
0x570: {  	v27 =	vadd.f32 v29, v27;
	_ =	sdelay $0x1  }
0x571: {  	v27 =	vadd.f32 v30, v27  }
.Ltmp6:
0x572: {  	(pc) =	sbr.rel @p0 .LBB2_14-.Ltmp6, $4  }
0x573: {  	v27 =	vadd.f32 v28, v27  }
0x574: {  	s1 =	sadd.s32 $0x10, s1  }
0x575: {  	s3 =	sadd.s32 $0x1A0, s3;
	[tilespmem:s1+$0x0] =	vst v27  }
0x576: {  	s9 =	sadd.s32 $0x1A0, s9;
	v27 =	vld [tilespmem:s3+$0x0]  }
0x577: {  	_ = 	snop  }
0x578: {  	v28 =	vld [tilespmem:s3+$0x10];
	_ =	sdelay $0x1  }
0x579: {  	v29 =	vld [tilespmem:s3+$0x20]  }
0x57a: {  	v27 =	vadd.f32 v27, v26  }
0x57b: {  	v30 =	vld [tilespmem:s3+$0x30]  }
0x57c: {  	v27 =	vadd.f32 v28, v27  }
0x57d: {  	v28 =	vld [tilespmem:s3+$0x40]  }
0x57e: {  	v27 =	vadd.f32 v29, v27  }
0x57f: {  	v29 =	vld [tilespmem:s3+$0x50]  }
0x580: {  	v27 =	vadd.f32 v30, v27  }
0x581: {  	v49 =	vld [tilespmem:s3+$0x60]  }
0x582: {  	v27 =	vadd.f32 v28, v27  }
0x583: {  	v28 =	vld [tilespmem:s3+$0x70]  }
0x584: {  	s4 =	sand.u32 $0x3FE0, s4;
	v27 =	vadd.f32 v29, v27  }
0x585: {  	v29 =	vld [tilespmem:s4+$0x7480]  }
0x586: {  	v27 =	vadd.f32 v49, v27  }
0x587: {  	v50 =	vld [tilespmem:s3+$0x90]  }
0x588: {  	v27 =	vadd.f32 v28, v27  }
0x589: {  	v28 =	vld [tilespmem:s3+$0xA0]  }
0x58a: {  	v27 =	vadd.f32 v29, v27  }
0x58b: {  	v29 =	vld [tilespmem:s3+$0xB0]  }
0x58c: {  	v27 =	vadd.f32 v50, v27  }
0x58d: {  	v51 =	vld [tilespmem:s3+$0xC0]  }
0x58e: {  	v27 =	vadd.f32 v28, v27  }
0x58f: {  	v28 =	vld [tilespmem:s3+$0xD0]  }
0x590: {  	v27 =	vadd.f32 v29, v27  }
0x591: {  	v29 =	vld [tilespmem:s3+$0xE0]  }
0x592: {  	v27 =	vadd.f32 v51, v27  }
0x593: {  	v52 =	vld [tilespmem:s3+$0xF0]  }
0x594: {  	v27 =	vadd.f32 v28, v27  }
0x595: {  	v28 =	vld [tilespmem:s4+$0x7500]  }
0x596: {  	v27 =	vadd.f32 v29, v27  }
0x597: {  	v29 =	vld [tilespmem:s3+$0x110]  }
0x598: {  	v27 =	vadd.f32 v52, v27  }
0x599: {  	v53 =	vld [tilespmem:s3+$0x120]  }
0x59a: {  	v27 =	vadd.f32 v28, v27  }
0x59b: {  	v28 =	vld [tilespmem:s3+$0x130]  }
0x59c: {  	v27 =	vadd.f32 v29, v27  }
0x59d: {  	v29 =	vld [tilespmem:s3+$0x140]  }
0x59e: {  	v27 =	vadd.f32 v53, v27  }
0x59f: {  	v54 =	vld [tilespmem:s3+$0x150]  }
0x5a0: {  	v27 =	vadd.f32 v28, v27  }
0x5a1: {  	v28 =	vld [tilespmem:s3+$0x160]  }
0x5a2: {  	v27 =	vadd.f32 v29, v27  }
0x5a3: {  	v29 =	vld [tilespmem:s3+$0x170]  }
0x5a4: {  	v27 =	vadd.f32 v54, v27  }
0x5a5: {  	v55 =	vld [tilespmem:s4+$0x7580]  }
0x5a6: {  	v27 =	vadd.f32 v28, v27  }
0x5a7: {  	v28 =	vld [tilespmem:s3+$0x190]  }
0x5a8: {  	v27 =	vadd.f32 v29, v27;
	_ =	sdelay $0x1  }
0x5a9: {  	v27 =	vadd.f32 v55, v27;
	_ =	sdelay $0x1  }
0x5aa: {  	v27 =	vadd.f32 v28, v27  }
0x5ab: {  	s1 =	sadd.s32 $0x10, s1  }
0x5ac: {  	[tilespmem:s1+$0x0] =	vst v27  }
0x5ad: {  	_ =	swait.ge [sflag:s30], $0xD00  }
0x5ae: {  	[sflag:s30] =	ssyncset.done $0x0  }
0x5af: {  	s16 =	simm.s32 $0x9B00;
	[sflag:s30] =	ssyncadd.s32 $0xFFFFF300  }
0x5b0: {  	v27 =	vld [tilespmem:s16+$0x0];
	_ =	sdelay $0x1  }
0x5b1: {  	v28 =	vld [tilespmem:s16+$0x10];
	_ =	sdelay $0x1  }
0x5b2: {  	v29 =	vld [tilespmem:s16+$0x20]  }
0x5b3: {  	v27 =	vadd.f32 v27, v26  }
0x5b4: {  	v56 =	vld [tilespmem:s16+$0x30]  }
0x5b5: {  	v27 =	vadd.f32 v28, v27  }
0x5b6: {  	v28 =	vld [tilespmem:s16+$0x40]  }
0x5b7: {  	v27 =	vadd.f32 v29, v27  }
0x5b8: {  	v29 =	vld [tilespmem:s16+$0x50]  }
0x5b9: {  	v27 =	vadd.f32 v56, v27  }
0x5ba: {  	v57 =	vld [tilespmem:s16+$0x60]  }
0x5bb: {  	v27 =	vadd.f32 v28, v27  }
0x5bc: {  	s17 =	simm.s32 $0x2700;
	v28 =	vld [tilespmem:s16+$0x70]  }
0x5bd: {  	s3 =	sand.u32 $0x3FE0, s17;
	v27 =	vadd.f32 v29, v27  }
0x5be: {  	v29 =	vld [tilespmem:s3+$0x7480]  }
0x5bf: {  	v27 =	vadd.f32 v57, v27  }
0x5c0: {  	v58 =	vld [tilespmem:s16+$0x90]  }
0x5c1: {  	v27 =	vadd.f32 v28, v27  }
0x5c2: {  	v28 =	vld [tilespmem:s16+$0xA0]  }
0x5c3: {  	v27 =	vadd.f32 v29, v27  }
0x5c4: {  	v29 =	vld [tilespmem:s16+$0xB0]  }
0x5c5: {  	v27 =	vadd.f32 v58, v27  }
0x5c6: {  	v59 =	vld [tilespmem:s16+$0xC0]  }
0x5c7: {  	v27 =	vadd.f32 v28, v27  }
0x5c8: {  	v28 =	vld [tilespmem:s16+$0xD0]  }
0x5c9: {  	v27 =	vadd.f32 v29, v27  }
0x5ca: {  	v29 =	vld [tilespmem:s16+$0xE0]  }
0x5cb: {  	v27 =	vadd.f32 v59, v27  }
0x5cc: {  	v60 =	vld [tilespmem:s16+$0xF0]  }
0x5cd: {  	v27 =	vadd.f32 v28, v27  }
0x5ce: {  	v28 =	vld [tilespmem:s3+$0x7500]  }
0x5cf: {  	v27 =	vadd.f32 v29, v27  }
0x5d0: {  	v29 =	vld [tilespmem:s16+$0x110]  }
0x5d1: {  	v27 =	vadd.f32 v60, v27  }
0x5d2: {  	v61 =	vld [tilespmem:s16+$0x120]  }
0x5d3: {  	v27 =	vadd.f32 v28, v27  }
0x5d4: {  	v28 =	vld [tilespmem:s16+$0x130]  }
0x5d5: {  	v27 =	vadd.f32 v29, v27  }
0x5d6: {  	v29 =	vld [tilespmem:s16+$0x140]  }
0x5d7: {  	v27 =	vadd.f32 v61, v27  }
0x5d8: {  	v62 =	vld [tilespmem:s16+$0x150]  }
0x5d9: {  	v27 =	vadd.f32 v28, v27  }
0x5da: {  	v28 =	vld [tilespmem:s16+$0x160]  }
0x5db: {  	v27 =	vadd.f32 v29, v27  }
0x5dc: {  	v29 =	vld [tilespmem:s16+$0x170]  }
0x5dd: {  	v27 =	vadd.f32 v62, v27  }
0x5de: {  	v63 =	vld [tilespmem:s3+$0x7580]  }
0x5df: {  	v27 =	vadd.f32 v28, v27  }
0x5e0: {  	v28 =	vld [tilespmem:s16+$0x190]  }
0x5e1: {  	v27 =	vadd.f32 v29, v27;
	_ =	sdelay $0x1  }
0x5e2: {  	v27 =	vadd.f32 v63, v27;
	_ =	sdelay $0x1  }
0x5e3: {  	v27 =	vadd.f32 v28, v27  }
0x5e4: {  	s1 =	simm.s32 $0xAA80  }
0x5e5: {  	s3 =	simm.s32 $0x9CA0;
	[tilespmem:s1+$0x0] =	vst v27  }
0x5e6: {  	s9 =	simm.s32 $0x2A40;
	s4 =	simm.s32 $0x28A0;
	v27 =	vld [tilespmem:s3+$0x0]  }
.LBB2_16:
0x5e7: {  	p0 =	sne.s32 s9, $0x3260  }
0x5e8: {  	v28 =	vld [tilespmem:s3+$0x10];
	_ =	sdelay $0x1  }
0x5e9: {  	v29 =	vld [tilespmem:s3+$0x20]  }
0x5ea: {  	v27 =	vadd.f32 v27, v26  }
0x5eb: {  	v30 =	vld [tilespmem:s3+$0x30]  }
0x5ec: {  	v27 =	vadd.f32 v28, v27  }
0x5ed: {  	v28 =	vld [tilespmem:s3+$0x40]  }
0x5ee: {  	v27 =	vadd.f32 v29, v27  }
0x5ef: {  	v29 =	vld [tilespmem:s3+$0x50]  }
0x5f0: {  	v27 =	vadd.f32 v30, v27  }
0x5f1: {  	v30 =	vld [tilespmem:s3+$0x60]  }
0x5f2: {  	v27 =	vadd.f32 v28, v27  }
0x5f3: {  	v28 =	vld [tilespmem:s3+$0x70]  }
0x5f4: {  	s10 =	sand.u32 $0x3FE0, s4;
	s4 =	smov.u32 s9;
	v27 =	vadd.f32 v29, v27  }
0x5f5: {  	v29 =	vld [tilespmem:s10+$0x7480]  }
0x5f6: {  	v27 =	vadd.f32 v30, v27  }
0x5f7: {  	v30 =	vld [tilespmem:s3+$0x90]  }
0x5f8: {  	v27 =	vadd.f32 v28, v27  }
0x5f9: {  	v28 =	vld [tilespmem:s3+$0xA0]  }
0x5fa: {  	v27 =	vadd.f32 v29, v27  }
0x5fb: {  	v29 =	vld [tilespmem:s3+$0xB0]  }
0x5fc: {  	v27 =	vadd.f32 v30, v27  }
0x5fd: {  	v30 =	vld [tilespmem:s3+$0xC0]  }
0x5fe: {  	v27 =	vadd.f32 v28, v27  }
0x5ff: {  	v28 =	vld [tilespmem:s3+$0xD0]  }
0x600: {  	v27 =	vadd.f32 v29, v27  }
0x601: {  	v29 =	vld [tilespmem:s3+$0xE0]  }
0x602: {  	v27 =	vadd.f32 v30, v27  }
0x603: {  	v30 =	vld [tilespmem:s3+$0xF0]  }
0x604: {  	v27 =	vadd.f32 v28, v27  }
0x605: {  	v28 =	vld [tilespmem:s10+$0x7500]  }
0x606: {  	v27 =	vadd.f32 v29, v27  }
0x607: {  	v29 =	vld [tilespmem:s3+$0x110]  }
0x608: {  	v27 =	vadd.f32 v30, v27  }
0x609: {  	v30 =	vld [tilespmem:s3+$0x120]  }
0x60a: {  	v27 =	vadd.f32 v28, v27  }
0x60b: {  	v28 =	vld [tilespmem:s3+$0x130]  }
0x60c: {  	v27 =	vadd.f32 v29, v27  }
0x60d: {  	v29 =	vld [tilespmem:s3+$0x140]  }
0x60e: {  	v27 =	vadd.f32 v30, v27  }
0x60f: {  	v30 =	vld [tilespmem:s3+$0x150]  }
0x610: {  	v27 =	vadd.f32 v28, v27  }
0x611: {  	v28 =	vld [tilespmem:s3+$0x160]  }
0x612: {  	v27 =	vadd.f32 v29, v27  }
0x613: {  	v29 =	vld [tilespmem:s3+$0x170]  }
0x614: {  	v27 =	vadd.f32 v30, v27  }
0x615: {  	v30 =	vld [tilespmem:s10+$0x7580]  }
0x616: {  	v27 =	vadd.f32 v28, v27  }
0x617: {  	v28 =	vld [tilespmem:s3+$0x190]  }
0x618: {  	v27 =	vadd.f32 v29, v27;
	_ =	sdelay $0x1  }
0x619: {  	v27 =	vadd.f32 v30, v27  }
.Ltmp7:
0x61a: {  	(pc) =	sbr.rel @p0 .LBB2_16-.Ltmp7, $4  }
0x61b: {  	v27 =	vadd.f32 v28, v27  }
0x61c: {  	s1 =	sadd.s32 $0x10, s1  }
0x61d: {  	s3 =	sadd.s32 $0x1A0, s3;
	[tilespmem:s1+$0x0] =	vst v27  }
0x61e: {  	s9 =	sadd.s32 $0x1A0, s9;
	v27 =	vld [tilespmem:s3+$0x0]  }
0x61f: {  	_ = 	snop  }
0x620: {  	v28 =	vld [tilespmem:s3+$0x10];
	_ =	sdelay $0x1  }
0x621: {  	v29 =	vld [tilespmem:s3+$0x20]  }
0x622: {  	v26 =	vadd.f32 v27, v26  }
0x623: {  	v27 =	vld [tilespmem:s3+$0x30]  }
0x624: {  	v26 =	vadd.f32 v28, v26  }
0x625: {  	v49 =	vld [tilespmem:s3+$0x40]  }
0x626: {  	v26 =	vadd.f32 v29, v26  }
0x627: {  	v50 =	vld [tilespmem:s3+$0x50]  }
0x628: {  	v26 =	vadd.f32 v27, v26  }
0x629: {  	v27 =	vld [tilespmem:s3+$0x60]  }
0x62a: {  	v26 =	vadd.f32 v49, v26  }
0x62b: {  	v51 =	vld [tilespmem:s3+$0x70]  }
0x62c: {  	s4 =	sand.u32 $0x3FE0, s4;
	v26 =	vadd.f32 v50, v26  }
0x62d: {  	v52 =	vld [tilespmem:s4+$0x7480]  }
0x62e: {  	v26 =	vadd.f32 v27, v26  }
0x62f: {  	v27 =	vld [tilespmem:s3+$0x90]  }
0x630: {  	v26 =	vadd.f32 v51, v26  }
0x631: {  	v53 =	vld [tilespmem:s3+$0xA0]  }
0x632: {  	v26 =	vadd.f32 v52, v26  }
0x633: {  	v54 =	vld [tilespmem:s3+$0xB0]  }
0x634: {  	v26 =	vadd.f32 v27, v26  }
0x635: {  	v27 =	vld [tilespmem:s3+$0xC0]  }
0x636: {  	v26 =	vadd.f32 v53, v26  }
0x637: {  	v55 =	vld [tilespmem:s3+$0xD0]  }
0x638: {  	v26 =	vadd.f32 v54, v26  }
0x639: {  	v56 =	vld [tilespmem:s3+$0xE0]  }
0x63a: {  	v26 =	vadd.f32 v27, v26  }
0x63b: {  	v27 =	vld [tilespmem:s3+$0xF0]  }
0x63c: {  	v26 =	vadd.f32 v55, v26  }
0x63d: {  	v57 =	vld [tilespmem:s4+$0x7500]  }
0x63e: {  	v26 =	vadd.f32 v56, v26  }
0x63f: {  	v58 =	vld [tilespmem:s3+$0x110]  }
0x640: {  	v26 =	vadd.f32 v27, v26  }
0x641: {  	v27 =	vld [tilespmem:s3+$0x120]  }
0x642: {  	v26 =	vadd.f32 v57, v26  }
0x643: {  	v59 =	vld [tilespmem:s3+$0x130]  }
0x644: {  	v26 =	vadd.f32 v58, v26  }
0x645: {  	v60 =	vld [tilespmem:s3+$0x140]  }
0x646: {  	v26 =	vadd.f32 v27, v26  }
0x647: {  	v27 =	vld [tilespmem:s3+$0x150]  }
0x648: {  	v26 =	vadd.f32 v59, v26  }
0x649: {  	v61 =	vld [tilespmem:s3+$0x160]  }
0x64a: {  	v26 =	vadd.f32 v60, v26  }
0x64b: {  	v62 =	vld [tilespmem:s3+$0x170]  }
0x64c: {  	v26 =	vadd.f32 v27, v26  }
0x64d: {  	v27 =	vld [tilespmem:s4+$0x7580]  }
0x64e: {  	v26 =	vadd.f32 v61, v26  }
0x64f: {  	v63 =	vld [tilespmem:s3+$0x190]  }
0x650: {  	v26 =	vadd.f32 v62, v26;
	_ =	sdelay $0x1  }
0x651: {  	v26 =	vadd.f32 v27, v26;
	_ =	sdelay $0x1  }
0x652: {  	s0 =	sadd.s32 $0x1, s0;
	v26 =	vadd.f32 v63, v26  }
0x653: {  	s1 =	sadd.s32 $0x10, s1;
	p0 =	sne.s32 s0, s8  }
.Ltmp8:
0x654: {  	[tilespmem:s1+$0x0] =	vst v26;
	(pc) =	sbr.rel @p0 .LBB2_1-.Ltmp8, $4  }
0x655: {  	[hbm4b:s7+s5] =	stream.linear.scatter [tilespmem:s31], [sflag:$0x6], $0x200, $0x38;
	[tilespmem:$0xAB00] =	vst v63  }
0x656: {  	_ =	swait.ge [sflag:s12], $0x200  }
0x657: {  	[sflag:s12] =	ssyncset.done $0x0  }
0x658: {  	[sflag:s12] =	ssyncadd.s32 $0xFFFFFE00  }
0x659: {  	_ =	sfence.sel $0x180000  }
0x65a: {  	[bflag:$0x0] =	sbarrier.arrive $0xFFFF  }
0x65b: {  	_ =	strace $0x90000047  }
0x65c: {  	s0 =	stileid.u32;
	[bflag:$0x2] =	sbarrier.arrive $0xFFFF  }
0x65d: {  	p0 =	sne.s32 s0, $0x0;
	s0 =	rddreg [dreg:$0x5]  }
0x65e: {  	s0 =	sadd.s32 @!p0 $0x100000, s0  }
0x65f: {  	[sflag:s0] =	ssyncadd.tile.s32 @!p0 $0x1;
	_ =	shalt  }
.Lfunc_end2:
_tile_overlayer_lowered:
.L_overlay_start_2:
0x660: {  	(tag) =	ssettag $0x2  }
0x661: {  	s0 =	rddreg [dreg:$0x0];
	s2 =	stileid.u32  }
0x662: {  	s1 =	rddreg [dreg:$0x1];
	p0 =	sne.s32 s2, $0x0  }
0x663: {  	s3 =	rddreg [dreg:$0x2];
	[bflag:$0x3] =	sbarrier.arrive $0xFFFF;
	s2 =	simm.s32 @!p0 $0x1C06  }
0x664: {  	[timem:s3], [sflag:s2] =	dma.local @!p0 [hbm:s0], s1  }
0x665: {  	s0 =	simm.s32 @!p0 $0x6  }
0x666: {  	_ =	swait.ge @!p0 [sflag:s0], s1  }
0x667: {  	s1 =	ssub.s32 @!p0 $0x0, s1;
	[sflag:s0] =	ssyncset.done @!p0 $0x0  }
0x668: {  	[sflag:s0] =	ssyncadd.s32 @!p0 s1  }
0x669: {  	[bflag:$0x3] =	sbarrier.arrive $0xFFFF  }
0x66a: {  	_ =	shalt  }

</sc_bundles>
